<compile_context>
chip_gen: v7x
topology: tpu7x:2x2x1
jax: 0.10.2.dev20260603
libtpu: 0.0.44.dev20260713+nightly
codegen_flags: <defaults>
</compile_context>

<pallas_src>
import functools

import jax
import jax.numpy as jnp
from jax import lax
from jax.experimental import pallas as pl
from jax.experimental.pallas import tpu as pltpu
from jax.experimental.pallas import tpu_sc as plsc

TT = 4
NN = 10000
EE = 320000
D = 128
NP = 10240
RPT = NP // 16
CHUNK = 128
NCH = 2560
EP = NCH * CHUNK
CPT = NCH // 16
DEG_W = 16


NBUF = 2
BLK = 16
NBLK = CPT // BLK


def _sc_agg_body(npass, mode, tbl_hbm, src_hbm, dst_hbm, zeros_hbm, out_hbm,
                 acc, idx_s, idx_d, rows, gsem, ssem):
    cid = lax.axis_index("c")
    sid = lax.axis_index("s")
    half = (npass + 1) // 2

    def pass_body(i, carry):
        p = 2 * i + cid

        def do_pass():
            if mode == "deg":
                r = p
                vi = jnp.int32(0)
            else:
                r = p // 4
                t = p % 4
                v = jnp.where(r == 3, 1, jnp.where(r == 4, 3, r))
                vi = v * 4 + t
            pltpu.sync_copy(zeros_hbm, acc.at[pl.ds(sid * RPT, RPT)])
            plsc.subcore_barrier()

            def gath(k, q):
                return pltpu.make_async_copy(
                    tbl_hbm.at[vi].at[idx_s.at[k]], rows.at[q], gsem.at[q])

            def scat(k, q):
                return pltpu.make_async_copy(
                    rows.at[q], acc.at[idx_d.at[k]], ssem.at[q])

            def blk_body(blk, c3):
                base = sid * CPT + blk * BLK
                pltpu.sync_copy(src_hbm.at[r, pl.ds(base, BLK)], idx_s)
                pltpu.sync_copy(dst_hbm.at[r, pl.ds(base, BLK)], idx_d)

                def group_body(g, c2):
                    for q in range(NBUF):
                        k = g * NBUF + q
                        pl.when(g > 0)(
                            lambda q=q, k=k: scat(k - NBUF, q).wait())
                        scat(k, q).start(add=True)
                    return c2

                lax.fori_loop(0, BLK // NBUF, group_body, 0)
                for q in range(NBUF):
                    scat(BLK - NBUF + q, q).wait()
                return c3

            lax.fori_loop(0, NBLK, blk_body, 0)
            plsc.subcore_barrier()
            pltpu.sync_copy(acc.at[pl.ds(sid * RPT, RPT)],
                            out_hbm.at[p, pl.ds(sid * RPT, RPT)])
            plsc.subcore_barrier()

        if npass % 2 == 1:
            pl.when(p < npass)(do_pass)
        else:
            do_pass()
        return carry

    lax.fori_loop(0, half, pass_body, 0)


def _sc_agg(tbl, src, dst, npass, width, mode):
    mesh = plsc.VectorSubcoreMesh(core_axis_name="c", subcore_axis_name="s")
    zeros = jnp.zeros((RPT, width), jnp.float32)
    fn = pl.kernel(
        functools.partial(_sc_agg_body, npass, mode),
        out_type=jax.ShapeDtypeStruct((npass, NP, width), jnp.float32),
        mesh=mesh,
        compiler_params=pltpu.CompilerParams(use_tc_tiling_on_sc=False),
        scratch_types=[
            pltpu.VMEM_SHARED((NP, width), jnp.float32),
            pltpu.VMEM((BLK, CHUNK), jnp.int32),
            pltpu.VMEM((BLK, CHUNK), jnp.int32),
            pltpu.VMEM((NBUF, CHUNK, width), jnp.float32),
            pltpu.SemaphoreType.DMA((NBUF,)),
            pltpu.SemaphoreType.DMA((NBUF,)),
        ],
    )
    return fn(tbl, src, dst, zeros)


def _pad_edges(ei):
    pad_s = jnp.zeros((EP - EE,), jnp.int32)
    pad_d = jnp.full((EP - EE,), NN, jnp.int32)
    s = jnp.concatenate([ei[0], pad_s]).reshape(NCH, CHUNK)
    d = jnp.concatenate([ei[1], pad_d]).reshape(NCH, CHUNK)
    return s, d



BN = 400
NB = NN // BN


def _norms_from_deg(degp):
    deg = degp[:, :, 0]
    dis_aa = jnp.where(deg[:, 0] > 0, lax.rsqrt(jnp.maximum(deg[:, 0], 1.0)), 0.0)
    invc_ad = 1.0 / jnp.maximum(deg[:, 1], 1.0)
    dis_dd = jnp.where(deg[:, 2] > 0, lax.rsqrt(jnp.maximum(deg[:, 2], 1.0)), 0.0)
    invc_ab = 1.0 / jnp.maximum(deg[:, 3], 1.0)
    invc_db = 1.0 / jnp.maximum(deg[:, 4], 1.0)
    return dis_aa, invc_ad, dis_dd, invc_ab, invc_db


def _prep_body(xa_ref, xd_ref, xb_ref, degp_ref,
               Wpa, bpa, Wpd, bpd, Wpb, bpb, tbl_ref, xb_out):
    dis_aa, _, dis_dd, _, _ = _norms_from_deg(degp_ref[...])
    for t in range(TT):
        xa = xa_ref[t] @ Wpa[...].T + bpa[...]
        xd = xd_ref[t] @ Wpd[...].T + bpd[...]
        xb = xb_ref[t] @ Wpb[...].T + bpb[...]
        tbl_ref[t] = xa * dis_aa[:, None]
        tbl_ref[4 + t] = xa
        tbl_ref[8 + t] = xd * dis_dd[:, None]
        tbl_ref[12 + t] = xd
        xb_out[t] = xb


def _tc_prep(x_attk, x_def, x_ball, degp,
             Wp_attk, bp_attk, Wp_def, bp_def, Wp_ball, bp_ball):
    return pl.pallas_call(
        _prep_body,
        grid=(NB,),
        in_specs=[
            pl.BlockSpec((TT, BN, D), lambda i: (0, i, 0)),
            pl.BlockSpec((TT, BN, D), lambda i: (0, i, 0)),
            pl.BlockSpec((TT, BN, D), lambda i: (0, i, 0)),
            pl.BlockSpec((BN, 5, 16), lambda i: (i, 0, 0)),
            pl.BlockSpec((D, D), lambda i: (0, 0)),
            pl.BlockSpec((D,), lambda i: (0,)),
            pl.BlockSpec((D, D), lambda i: (0, 0)),
            pl.BlockSpec((D,), lambda i: (0,)),
            pl.BlockSpec((D, D), lambda i: (0, 0)),
            pl.BlockSpec((D,), lambda i: (0,)),
        ],
        out_specs=[
            pl.BlockSpec((16, BN, D), lambda i: (0, i, 0)),
            pl.BlockSpec((TT, BN, D), lambda i: (0, i, 0)),
        ],
        out_shape=[
            jax.ShapeDtypeStruct((16, NP, D), jnp.float32),
            jax.ShapeDtypeStruct((TT, NN, D), jnp.float32),
        ],
    )(x_attk, x_def, x_ball, degp,
      Wp_attk, bp_attk, Wp_def, bp_def, Wp_ball, bp_ball)


def _post_body(agg_ref, tbl_ref, xb_ref, degp_ref,
               Waa, baa, Wdd, bdd,
               Wlad, blad, Wrad, Wlab, blab, Wrab, Wldb, bldb, Wrdb,
               Wih, Whh, bih, bhh, Whp, bhp, out_ref, sums):
    i = pl.program_id(0)

    @pl.when(i == 0)
    def _():
        sums[...] = jnp.zeros_like(sums)

    dis_aa, invc_ad, dis_dd, invc_ab, invc_db = _norms_from_deg(degp_ref[...])
    za, zd, zb = [], [], []
    for t in range(TT):
        za.append((agg_ref[t] * dis_aa[:, None]) @ Waa[...].T + baa[...])
        zd.append((agg_ref[4 + t] * invc_ad[:, None]) @ Wlad[...].T + blad[...]
                  + tbl_ref[12 + t] @ Wrad[...].T
                  + (agg_ref[8 + t] * dis_dd[:, None]) @ Wdd[...].T + bdd[...])
        zb.append((agg_ref[12 + t] * invc_ab[:, None]) @ Wlab[...].T + blab[...]
                  + xb_ref[t] @ Wrab[...].T
                  + (agg_ref[16 + t] * invc_db[:, None]) @ Wldb[...].T + bldb[...]
                  + xb_ref[t] @ Wrdb[...].T)

    hs = []
    for zseq in (za, zd, zb):
        h = jnp.zeros((BN, D), jnp.float32)
        for t in range(TT):
            gi = zseq[t] @ Wih[...].T + bih[...]
            gh = h @ Whh[...].T + bhh[...]
            ir, iz, inn = gi[:, :D], gi[:, D:2 * D], gi[:, 2 * D:]
            hr, hz, hn = gh[:, :D], gh[:, D:2 * D], gh[:, 2 * D:]
            rg = jax.nn.sigmoid(ir + hr)
            zg = jax.nn.sigmoid(iz + hz)
            ng = jnp.tanh(inn + rg * hn)
            h = (1.0 - zg) * ng + zg * h
        hs.append(jnp.sum(h, axis=0))

    sums[...] = sums[...] + jnp.stack(hs, axis=0)

    @pl.when(i == NB - 1)
    def _():
        hcat = (sums[...] / float(NN)).reshape(1, 3 * D)
        out_ref[...] = (hcat @ Whp[...].T + bhp[...][None, :])[0]


def _tc_post(agg, tbl, xb, degp,
             W_gcn_aa, b_gcn_aa, W_gcn_dd, b_gcn_dd,
             Wl_ad, bl_ad, Wr_ad, Wl_ab, bl_ab, Wr_ab, Wl_db, bl_db, Wr_db,
             W_ih, W_hh, b_ih, b_hh, W_hp, b_hp):
    mat = lambda shape: pl.BlockSpec(shape, lambda i: (0,) * len(shape))
    return pl.pallas_call(
        _post_body,
        grid=(NB,),
        in_specs=[
            pl.BlockSpec((20, BN, D), lambda i: (0, i, 0)),
            pl.BlockSpec((16, BN, D), lambda i: (0, i, 0)),
            pl.BlockSpec((TT, BN, D), lambda i: (0, i, 0)),
            pl.BlockSpec((BN, 5, 16), lambda i: (i, 0, 0)),
            mat((D, D)), mat((D,)), mat((D, D)), mat((D,)),
            mat((D, D)), mat((D,)), mat((D, D)),
            mat((D, D)), mat((D,)), mat((D, D)),
            mat((D, D)), mat((D,)), mat((D, D)),
            mat((3 * D, D)), mat((3 * D, D)), mat((3 * D,)), mat((3 * D,)),
            mat((D, 3 * D)), mat((D,)),
        ],
        out_specs=pl.BlockSpec((D,), lambda i: (0,)),
        out_shape=jax.ShapeDtypeStruct((D,), jnp.float32),
        scratch_shapes=[pltpu.VMEM((3, D), jnp.float32)],
    )(agg, tbl, xb, degp,
      W_gcn_aa, b_gcn_aa, W_gcn_dd, b_gcn_dd,
      Wl_ad, bl_ad, Wr_ad, Wl_ab, bl_ab, Wr_ab, Wl_db, bl_db, Wr_db,
      W_ih, W_hh, b_ih, b_hh, W_hp, b_hp)


def kernel(x_attk, x_def, x_ball, ei_aa, ei_ad, ei_dd, ei_ab, ei_db,
           Wp_attk, bp_attk, Wp_def, bp_def, Wp_ball, bp_ball,
           W_gcn_aa, b_gcn_aa, W_gcn_dd, b_gcn_dd,
           Wl_ad, bl_ad, Wr_ad, Wl_ab, bl_ab, Wr_ab, Wl_db, bl_db, Wr_db,
           W_ih, W_hh, b_ih, b_hh, W_hp, b_hp):
    srcs, dsts = [], []
    for ei in (ei_aa, ei_ad, ei_dd, ei_ab, ei_db):
        s, d = _pad_edges(ei)
        srcs.append(s)
        dsts.append(d)
    SRC = jnp.stack(srcs)
    DST = jnp.stack(dsts)

    ones_tbl = jnp.ones((1, NP, DEG_W), jnp.float32)
    deg_out = _sc_agg(ones_tbl, DST, DST, 5, DEG_W, "deg")
    degp = jnp.transpose(deg_out, (1, 0, 2))

    tbl, xb = _tc_prep(x_attk, x_def, x_ball, degp,
                       Wp_attk, bp_attk, Wp_def, bp_def, Wp_ball, bp_ball)

    agg = _sc_agg(tbl, SRC, DST, 20, D, "feat")

    return _tc_post(agg, tbl, xb, degp,
                    W_gcn_aa, b_gcn_aa, W_gcn_dd, b_gcn_dd,
                    Wl_ad, bl_ad, Wr_ad, Wl_ab, bl_ab, Wr_ab,
                    Wl_db, bl_db, Wr_db,
                    W_ih, W_hh, b_ih, b_hh, W_hp, b_hp)

# --- scband reference (transcript-rebuilt; emitter-appended) ---
"""Pipeline reference for scband-graph-autoencoder-60258391163315 (READ-ONLY COPY).

The authoritative reference and input builder live on the scoring server;
editing this copy changes nothing except your own understanding.
"""

import jax, jax.numpy as jnp
import numpy as np

T, N, E = 4, 10000, 320000
DIN, HID, THID, OUT = 128, 128, 128, 128


def _gcn(x, ei, W, b, n):
    src, dst = ei[0], ei[1]
    xw = x @ W.T
    deg = jnp.zeros((n,), jnp.float32).at[dst].add(1.0)
    dis = jnp.where(deg > 0, 1.0 / jnp.sqrt(jnp.maximum(deg, 1.0)), 0.0)
    norm = (dis[src] * dis[dst])[:, None]
    out = jnp.zeros((n, xw.shape[1]), jnp.float32).at[dst].add(xw[src] * norm)
    return out + b


def _sage(x_src, x_dst, ei, Wl, bl, Wr, n_dst):
    src, dst = ei[0], ei[1]
    s = jnp.zeros((n_dst, x_src.shape[1]), jnp.float32).at[dst].add(x_src[src])
    c = jnp.zeros((n_dst,), jnp.float32).at[dst].add(1.0)
    mean = s / jnp.maximum(c, 1.0)[:, None]
    return mean @ Wl.T + bl + x_dst @ Wr.T


def _gru_mean(zseq, W_ih, W_hh, b_ih, b_hh):
    h = jnp.zeros((zseq.shape[1], THID), jnp.float32)
    for t in range(zseq.shape[0]):
        gi = zseq[t] @ W_ih.T + b_ih
        gh = h @ W_hh.T + b_hh
        ir, iz, inn = jnp.split(gi, 3, axis=-1)
        hr, hz, hn = jnp.split(gh, 3, axis=-1)
        r = jax.nn.sigmoid(ir + hr)
        z = jax.nn.sigmoid(iz + hz)
        ng = jnp.tanh(inn + r * hn)
        h = (1.0 - z) * ng + z * h
    return h.mean(axis=0)


def setup_inputs(seed: int = 0):
    key = jax.random.key(seed)
    ki = iter(list(jax.random.split(key, 48)))

    def nrm(shape, s=1.0):
        return jax.random.normal(next(ki), shape, dtype=jnp.float32) * s

    inp = {}
    inp["x_attk"] = nrm((T, N, DIN))
    inp["x_def"] = nrm((T, N, DIN))
    inp["x_ball"] = nrm((T, N, DIN))
    for name in ["ei_aa", "ei_ad", "ei_dd", "ei_ab", "ei_db"]:
        inp[name] = jax.random.randint(next(ki), (2, E), 0, N, dtype=jnp.int32)
    s = 0.05
    for k in ["attk", "def", "ball"]:
        inp["Wp_" + k] = nrm((HID, DIN), s)
        inp["bp_" + k] = nrm((HID,), s)
    inp["W_gcn_aa"] = nrm((HID, HID), s)
    inp["b_gcn_aa"] = nrm((HID,), s)
    inp["W_gcn_dd"] = nrm((HID, HID), s)
    inp["b_gcn_dd"] = nrm((HID,), s)
    for r in ["ad", "ab", "db"]:
        inp["Wl_" + r] = nrm((HID, HID), s)
        inp["bl_" + r] = nrm((HID,), s)
        inp["Wr_" + r] = nrm((HID, HID), s)
    inp["W_ih"] = nrm((3 * THID, HID), s)
    inp["W_hh"] = nrm((3 * THID, THID), s)
    inp["b_ih"] = nrm((3 * THID,), s)
    inp["b_hh"] = nrm((3 * THID,), s)
    inp["W_hp"] = nrm((OUT, 3 * THID), s)
    inp["b_hp"] = nrm((OUT,), s)
    return inp


def reference(x_attk, x_def, x_ball, ei_aa, ei_ad, ei_dd, ei_ab, ei_db,
              Wp_attk, bp_attk, Wp_def, bp_def, Wp_ball, bp_ball,
              W_gcn_aa, b_gcn_aa, W_gcn_dd, b_gcn_dd,
              Wl_ad, bl_ad, Wr_ad, Wl_ab, bl_ab, Wr_ab, Wl_db, bl_db, Wr_db,
              W_ih, W_hh, b_ih, b_hh, W_hp, b_hp):
    za_list, zd_list, zb_list = [], [], []
    for t in range(T):
        xa = x_attk[t] @ Wp_attk.T + bp_attk
        xd = x_def[t] @ Wp_def.T + bp_def
        xb = x_ball[t] @ Wp_ball.T + bp_ball
        za = _gcn(xa, ei_aa, W_gcn_aa, b_gcn_aa, N)
        zd = _sage(xa, xd, ei_ad, Wl_ad, bl_ad, Wr_ad, N) + _gcn(xd, ei_dd, W_gcn_dd, b_gcn_dd, N)
        zb = _sage(xa, xb, ei_ab, Wl_ab, bl_ab, Wr_ab, N) + _sage(xd, xb, ei_db, Wl_db, bl_db, Wr_db, N)
        za_list.append(za)
        zd_list.append(zd)
        zb_list.append(zb)
    pooled = []
    for lst in [za_list, zd_list, zb_list]:
        zseq = jnp.stack(lst, axis=0)
        pooled.append(_gru_mean(zseq, W_ih, W_hh, b_ih, b_hh))
    Hcat = jnp.concatenate(pooled, axis=-1)
    return Hcat @ W_hp.T + b_hp

if __name__ == "__main__":
    import jax
    _d = setup_inputs()
    print(jax.jit(kernel)(*tuple(_d.values())))

</pallas_src>

<mosaic_0001>
#map = affine_map<(d0, d1) -> (0, 0, 0)>
#map1 = affine_map<(d0, d1) -> (0, 0)>
module attributes {stable_mosaic.version = 14 : i64} {
  func.func @_sc_agg_body(%arg0: i32, %arg1: i32, %arg2: memref<1x10240x16xf32, #tpu.memory_space<hbm>>, %arg3: memref<5x2560x128xi32, #tpu.memory_space<hbm>>, %arg4: memref<5x2560x128xi32, #tpu.memory_space<hbm>>, %arg5: memref<640x16xf32, #tpu.memory_space<hbm>>, %arg6: memref<5x10240x16xf32, #tpu.memory_space<hbm>>, %arg7: memref<10240x16xf32, #tpu.memory_space<vmem_shared>>, %arg8: memref<16x128xi32, #tpu.memory_space<vmem>>, %arg9: memref<16x128xi32, #tpu.memory_space<vmem>>, %arg10: memref<2x128x16xf32, #tpu.memory_space<vmem>>, %arg11: memref<2x!tpu.dma_semaphore, #tpu.memory_space<semaphore_mem>>, %arg12: memref<2x!tpu.dma_semaphore, #tpu.memory_space<semaphore_mem>>) attributes {dimension_semantics = [#tpu.dimension_semantics<core_parallel>, #tpu.dimension_semantics<subcore_parallel>], iteration_bounds = array<i64: 2, 16>, scalar_prefetch = 0 : i64, scratch_operands = 6 : i64, tpu.core_type = #tpu.core_type<sc_vector_subcore>, window_params = [{transform_indices = #map}, {transform_indices = #map}, {transform_indices = #map}, {transform_indices = #map1}, {transform_indices = #map}]} {
    %scan3A = arith.constant 0 : i32
    %scan3A_0 = arith.constant 0 : i32
    %scan3A_1 = arith.constant 3 : i32
    %scan3A_2 = arith.addi %scan3A_0, %scan3A_1 : i32
    %scan3A_3 = arith.constant 1 : i32
    scf.for %scan3A_5 = %scan3A_0 to %scan3A_2 step %scan3A_3  : i32 {
      %mul3A = arith.constant 2 : i32
      %mul3A_6 = arith.muli %mul3A, %scan3A_5 : i32
      %add3A = arith.addi %mul3A_6, %arg0 : i32
      %lt3A = arith.constant 5 : i32
      %lt3A_7 = arith.cmpi slt, %add3A, %lt3A : i32
      %convert_element_type3A = arith.extui %lt3A_7 : i1 to i32
      %cond3A = arith.constant 0 : i32
      %cond3A_8 = arith.cmpi ne, %convert_element_type3A, %cond3A : i32
      scf.if %cond3A_8 {
        %mul3A_9 = arith.constant 640 : i32
        %mul3A_10 = arith.muli %arg1, %mul3A_9 : i32
        "tpu.region"() ({
          %run_scoped3A = tpu.sem_alloc : memref<!tpu.dma_semaphore, #tpu.memory_space<semaphore_mem>>
          %dma_start3A = arith.constant 0 : i32
          %dma_start3A_23 = tpu.memref_slice %arg7[%mul3A_10, %dma_start3A] : memref<10240x16xf32, #tpu.memory_space<vmem_shared>> -> memref<640x16xf32, #tpu.memory_space<vmem_shared>>
          tpu.enqueue_dma source(%arg5 : memref<640x16xf32, #tpu.memory_space<hbm>>) target(%dma_start3A_23 : memref<640x16xf32, #tpu.memory_space<vmem_shared>>) target_semaphore(%run_scoped3A : memref<!tpu.dma_semaphore, #tpu.memory_space<semaphore_mem>>)
          %dma_wait3A = arith.constant 0 : i32
          %dma_wait3A_24 = tpu.memref_slice %arg7[%mul3A_10, %dma_wait3A] : memref<10240x16xf32, #tpu.memory_space<vmem_shared>> -> memref<640x16xf32, #tpu.memory_space<vmem_shared>>
          tpu.wait_dma2 semaphore(%run_scoped3A : memref<!tpu.dma_semaphore, #tpu.memory_space<semaphore_mem>>) src(%arg5 : memref<640x16xf32, #tpu.memory_space<hbm>>) dst(%dma_wait3A_24 : memref<640x16xf32, #tpu.memory_space<vmem_shared>>)
          tpu.yield
        }) : () -> ()
        %barrier3A = arith.constant 0 : index
        tpu.barrier barrier_id(%barrier3A)
        %scan3A_11 = arith.constant 0 : i32
        %scan3A_12 = arith.constant 0 : i32
        %scan3A_13 = arith.constant 10 : i32
        %scan3A_14 = arith.addi %scan3A_12, %scan3A_13 : i32
        %scan3A_15 = arith.constant 1 : i32
        scf.for %scan3A_23 = %scan3A_12 to %scan3A_14 step %scan3A_15  : i32 {
          %mul3A_24 = arith.constant 160 : i32
          %mul3A_25 = arith.muli %arg1, %mul3A_24 : i32
          %mul3A_26 = arith.constant 16 : i32
          %mul3A_27 = arith.muli %scan3A_23, %mul3A_26 : i32
          %add3A_28 = arith.addi %mul3A_25, %mul3A_27 : i32
          "tpu.region"() ({
            %run_scoped3A = tpu.sem_alloc : memref<!tpu.dma_semaphore, #tpu.memory_space<semaphore_mem>>
            %dma_start3A = arith.constant 0 : i32
            %dma_start3A_64 = tpu.memref_slice %arg3[%add3A, %add3A_28, %dma_start3A] : memref<5x2560x128xi32, #tpu.memory_space<hbm>> -> memref<1x16x128xi32, #tpu.memory_space<hbm>>
            %dma_start3A_65 = tpu.memref_squeeze %dma_start3A_64 : memref<1x16x128xi32, #tpu.memory_space<hbm>> -> memref<16x128xi32, #tpu.memory_space<hbm>>
            %dma_start3A_66 = arith.constant 0 : i32
            %dma_start3A_67 = tpu.memref_slice %arg3[%add3A, %add3A_28, %dma_start3A_66] : memref<5x2560x128xi32, #tpu.memory_space<hbm>> -> memref<1x16x128xi32, #tpu.memory_space<hbm>>
            %dma_start3A_68 = tpu.memref_squeeze %dma_start3A_67 : memref<1x16x128xi32, #tpu.memory_space<hbm>> -> memref<16x128xi32, #tpu.memory_space<hbm>>
            tpu.enqueue_dma source(%dma_start3A_68 : memref<16x128xi32, #tpu.memory_space<hbm>>) target(%arg8 : memref<16x128xi32, #tpu.memory_space<vmem>>) target_semaphore(%run_scoped3A : memref<!tpu.dma_semaphore, #tpu.memory_space<semaphore_mem>>)
            %dma_wait3A_69 = arith.constant 0 : i32
            %dma_wait3A_70 = tpu.memref_slice %arg3[%add3A, %add3A_28, %dma_wait3A_69] : memref<5x2560x128xi32, #tpu.memory_space<hbm>> -> memref<1x16x128xi32, #tpu.memory_space<hbm>>
            %dma_wait3A_71 = tpu.memref_squeeze %dma_wait3A_70 : memref<1x16x128xi32, #tpu.memory_space<hbm>> -> memref<16x128xi32, #tpu.memory_space<hbm>>
            %dma_wait3A_72 = arith.constant 0 : i32
            %dma_wait3A_73 = tpu.memref_slice %arg3[%add3A, %add3A_28, %dma_wait3A_72] : memref<5x2560x128xi32, #tpu.memory_space<hbm>> -> memref<1x16x128xi32, #tpu.memory_space<hbm>>
            %dma_wait3A_74 = tpu.memref_squeeze %dma_wait3A_73 : memref<1x16x128xi32, #tpu.memory_space<hbm>> -> memref<16x128xi32, #tpu.memory_space<hbm>>
            tpu.wait_dma2 semaphore(%run_scoped3A : memref<!tpu.dma_semaphore, #tpu.memory_space<semaphore_mem>>) src(%dma_wait3A_74 : memref<16x128xi32, #tpu.memory_space<hbm>>) dst(%arg8 : memref<16x128xi32, #tpu.memory_space<vmem>>)
            tpu.yield
          }) : () -> ()
          "tpu.region"() ({
            %run_scoped3A = tpu.sem_alloc : memref<!tpu.dma_semaphore, #tpu.memory_space<semaphore_mem>>
            %dma_start3A = arith.constant 0 : i32
            %dma_start3A_64 = tpu.memref_slice %arg4[%add3A, %add3A_28, %dma_start3A] : memref<5x2560x128xi32, #tpu.memory_space<hbm>> -> memref<1x16x128xi32, #tpu.memory_space<hbm>>
            %dma_start3A_65 = tpu.memref_squeeze %dma_start3A_64 : memref<1x16x128xi32, #tpu.memory_space<hbm>> -> memref<16x128xi32, #tpu.memory_space<hbm>>
            %dma_start3A_66 = arith.constant 0 : i32
            %dma_start3A_67 = tpu.memref_slice %arg4[%add3A, %add3A_28, %dma_start3A_66] : memref<5x2560x128xi32, #tpu.memory_space<hbm>> -> memref<1x16x128xi32, #tpu.memory_space<hbm>>
            %dma_start3A_68 = tpu.memref_squeeze %dma_start3A_67 : memref<1x16x128xi32, #tpu.memory_space<hbm>> -> memref<16x128xi32, #tpu.memory_space<hbm>>
            tpu.enqueue_dma source(%dma_start3A_68 : memref<16x128xi32, #tpu.memory_space<hbm>>) target(%arg9 : memref<16x128xi32, #tpu.memory_space<vmem>>) target_semaphore(%run_scoped3A : memref<!tpu.dma_semaphore, #tpu.memory_space<semaphore_mem>>)
            %dma_wait3A_69 = arith.constant 0 : i32
            %dma_wait3A_70 = tpu.memref_slice %arg4[%add3A, %add3A_28, %dma_wait3A_69] : memref<5x2560x128xi32, #tpu.memory_space<hbm>> -> memref<1x16x128xi32, #tpu.memory_space<hbm>>
            %dma_wait3A_71 = tpu.memref_squeeze %dma_wait3A_70 : memref<1x16x128xi32, #tpu.memory_space<hbm>> -> memref<16x128xi32, #tpu.memory_space<hbm>>
            %dma_wait3A_72 = arith.constant 0 : i32
            %dma_wait3A_73 = tpu.memref_slice %arg4[%add3A, %add3A_28, %dma_wait3A_72] : memref<5x2560x128xi32, #tpu.memory_space<hbm>> -> memref<1x16x128xi32, #tpu.memory_space<hbm>>
            %dma_wait3A_74 = tpu.memref_squeeze %dma_wait3A_73 : memref<1x16x128xi32, #tpu.memory_space<hbm>> -> memref<16x128xi32, #tpu.memory_space<hbm>>
            tpu.wait_dma2 semaphore(%run_scoped3A : memref<!tpu.dma_semaphore, #tpu.memory_space<semaphore_mem>>) src(%dma_wait3A_74 : memref<16x128xi32, #tpu.memory_space<hbm>>) dst(%arg9 : memref<16x128xi32, #tpu.memory_space<vmem>>)
            tpu.yield
          }) : () -> ()
          %scan3A_29 = arith.constant 0 : i32
          %scan3A_30 = arith.constant 0 : i32
          %scan3A_31 = arith.constant 8 : i32
          %scan3A_32 = arith.addi %scan3A_30, %scan3A_31 : i32
          %scan3A_33 = arith.constant 1 : i32
          scf.for %scan3A_64 = %scan3A_30 to %scan3A_32 step %scan3A_33  : i32 {
            %mul3A_65 = arith.constant 2 : i32
            %mul3A_66 = arith.muli %scan3A_64, %mul3A_65 : i32
            %add3A_67 = arith.constant 0 : i32
            %add3A_68 = arith.addi %mul3A_66, %add3A_67 : i32
            %gt3A = arith.constant 0 : i32
            %gt3A_69 = arith.cmpi sgt, %scan3A_64, %gt3A : i32
            %convert_element_type3A_70 = arith.extui %gt3A_69 : i1 to i32
            %cond3A_71 = arith.constant 0 : i32
            %cond3A_72 = arith.cmpi ne, %convert_element_type3A_70, %cond3A_71 : i32
            scf.if %cond3A_72 {
              %sub3A = arith.constant 2 : i32
              %sub3A_109 = arith.subi %add3A_68, %sub3A : i32
              %dma_wait3A_110 = arith.constant 0 : i32
              %dma_wait3A_111 = arith.constant 0 : i32
              %dma_wait3A_112 = arith.constant 0 : i32
              %dma_wait3A_113 = arith.constant 0 : i32
              %dma_wait3A_114 = tpu.memref_slice %arg10[%dma_wait3A_110, %dma_wait3A_112, %dma_wait3A_113] : memref<2x128x16xf32, #tpu.memory_space<vmem>> -> memref<1x128x16xf32, #tpu.memory_space<vmem>>
              %dma_wait3A_115 = tpu.memref_squeeze %dma_wait3A_114 : memref<1x128x16xf32, #tpu.memory_space<vmem>> -> memref<128x16xf32, #tpu.memory_space<vmem>>
              %dma_wait3A_116 = arith.constant 0 : i32
              %dma_wait3A_117 = tpu.memref_slice %arg9[%sub3A_109, %dma_wait3A_116] : memref<16x128xi32, #tpu.memory_space<vmem>> -> memref<1x128xi32, #tpu.memory_space<vmem>>
              %dma_wait3A_118 = tpu.memref_squeeze %dma_wait3A_117 : memref<1x128xi32, #tpu.memory_space<vmem>> -> memref<128xi32, #tpu.memory_space<vmem>>
              %dma_wait3A_119 = arith.constant 0 : i32
              %dma_wait3A_120 = arith.constant 0 : i32
              %dma_wait3A_121 = tpu.memref_slice %arg7[%dma_wait3A_119, %dma_wait3A_120] : memref<10240x16xf32, #tpu.memory_space<vmem_shared>> -> memref<10240x16xf32, #tpu.memory_space<vmem_shared>>
              %dma_wait3A_122 = tpu.memref_slice %arg12[%dma_wait3A_111] : memref<2x!tpu.dma_semaphore, #tpu.memory_space<semaphore_mem>> -> memref<1x!tpu.dma_semaphore, #tpu.memory_space<semaphore_mem>>
              %dma_wait3A_123 = tpu.memref_squeeze %dma_wait3A_122 : memref<1x!tpu.dma_semaphore, #tpu.memory_space<semaphore_mem>> -> memref<!tpu.dma_semaphore, #tpu.memory_space<semaphore_mem>>
              tpu.wait_indirect_dma semaphore(%dma_wait3A_123 : memref<!tpu.dma_semaphore, #tpu.memory_space<semaphore_mem>>) src(%dma_wait3A_115 : memref<128x16xf32, #tpu.memory_space<vmem>>) dst(%dma_wait3A_121 : memref<10240x16xf32, #tpu.memory_space<vmem_shared>>)
            } else {
            }
            %dma_start3A = arith.constant 0 : i32
            %dma_start3A_73 = arith.constant 0 : i32
            %dma_start3A_74 = arith.constant 0 : i32
            %dma_start3A_75 = arith.constant 0 : i32
            %dma_start3A_76 = tpu.memref_slice %arg10[%dma_start3A, %dma_start3A_74, %dma_start3A_75] : memref<2x128x16xf32, #tpu.memory_space<vmem>> -> memref<1x128x16xf32, #tpu.memory_space<vmem>>
            %dma_start3A_77 = tpu.memref_squeeze %dma_start3A_76 : memref<1x128x16xf32, #tpu.memory_space<vmem>> -> memref<128x16xf32, #tpu.memory_space<vmem>>
            %dma_start3A_78 = arith.constant 0 : i32
            %dma_start3A_79 = tpu.memref_slice %arg9[%add3A_68, %dma_start3A_78] : memref<16x128xi32, #tpu.memory_space<vmem>> -> memref<1x128xi32, #tpu.memory_space<vmem>>
            %dma_start3A_80 = tpu.memref_squeeze %dma_start3A_79 : memref<1x128xi32, #tpu.memory_space<vmem>> -> memref<128xi32, #tpu.memory_space<vmem>>
            %dma_start3A_81 = arith.constant 0 : i32
            %dma_start3A_82 = arith.constant 0 : i32
            %dma_start3A_83 = tpu.memref_slice %arg7[%dma_start3A_81, %dma_start3A_82] : memref<10240x16xf32, #tpu.memory_space<vmem_shared>> -> memref<10240x16xf32, #tpu.memory_space<vmem_shared>>
            %dma_start3A_84 = tpu.memref_slice %arg12[%dma_start3A_73] : memref<2x!tpu.dma_semaphore, #tpu.memory_space<semaphore_mem>> -> memref<1x!tpu.dma_semaphore, #tpu.memory_space<semaphore_mem>>
            %dma_start3A_85 = tpu.memref_squeeze %dma_start3A_84 : memref<1x!tpu.dma_semaphore, #tpu.memory_space<semaphore_mem>> -> memref<!tpu.dma_semaphore, #tpu.memory_space<semaphore_mem>>
            tpu.enqueue_indirect_dma source(%dma_start3A_77 : memref<128x16xf32, #tpu.memory_space<vmem>>) target(%dma_start3A_83 : memref<10240x16xf32, #tpu.memory_space<vmem_shared>>) offsets(%dma_start3A_80 : memref<128xi32, #tpu.memory_space<vmem>>) semaphore(%dma_start3A_85 : memref<!tpu.dma_semaphore, #tpu.memory_space<semaphore_mem>>) {add = true}
            %mul3A_86 = arith.constant 2 : i32
            %mul3A_87 = arith.muli %scan3A_64, %mul3A_86 : i32
            %add3A_88 = arith.constant 1 : i32
            %add3A_89 = arith.addi %mul3A_87, %add3A_88 : i32
            %gt3A_90 = arith.constant 0 : i32
            %gt3A_91 = arith.cmpi sgt, %scan3A_64, %gt3A_90 : i32
            %convert_element_type3A_92 = arith.extui %gt3A_91 : i1 to i32
            %cond3A_93 = arith.constant 0 : i32
            %cond3A_94 = arith.cmpi ne, %convert_element_type3A_92, %cond3A_93 : i32
            scf.if %cond3A_94 {
              %sub3A = arith.constant 2 : i32
              %sub3A_109 = arith.subi %add3A_89, %sub3A : i32
              %dma_wait3A_110 = arith.constant 1 : i32
              %dma_wait3A_111 = arith.constant 1 : i32
              %dma_wait3A_112 = arith.constant 0 : i32
              %dma_wait3A_113 = arith.constant 0 : i32
              %dma_wait3A_114 = tpu.memref_slice %arg10[%dma_wait3A_110, %dma_wait3A_112, %dma_wait3A_113] : memref<2x128x16xf32, #tpu.memory_space<vmem>> -> memref<1x128x16xf32, #tpu.memory_space<vmem>>
              %dma_wait3A_115 = tpu.memref_squeeze %dma_wait3A_114 : memref<1x128x16xf32, #tpu.memory_space<vmem>> -> memref<128x16xf32, #tpu.memory_space<vmem>>
              %dma_wait3A_116 = arith.constant 0 : i32
              %dma_wait3A_117 = tpu.memref_slice %arg9[%sub3A_109, %dma_wait3A_116] : memref<16x128xi32, #tpu.memory_space<vmem>> -> memref<1x128xi32, #tpu.memory_space<vmem>>
              %dma_wait3A_118 = tpu.memref_squeeze %dma_wait3A_117 : memref<1x128xi32, #tpu.memory_space<vmem>> -> memref<128xi32, #tpu.memory_space<vmem>>
              %dma_wait3A_119 = arith.constant 0 : i32
              %dma_wait3A_120 = arith.constant 0 : i32
              %dma_wait3A_121 = tpu.memref_slice %arg7[%dma_wait3A_119, %dma_wait3A_120] : memref<10240x16xf32, #tpu.memory_space<vmem_shared>> -> memref<10240x16xf32, #tpu.memory_space<vmem_shared>>
              %dma_wait3A_122 = tpu.memref_slice %arg12[%dma_wait3A_111] : memref<2x!tpu.dma_semaphore, #tpu.memory_space<semaphore_mem>> -> memref<1x!tpu.dma_semaphore, #tpu.memory_space<semaphore_mem>>
              %dma_wait3A_123 = tpu.memref_squeeze %dma_wait3A_122 : memref<1x!tpu.dma_semaphore, #tpu.memory_space<semaphore_mem>> -> memref<!tpu.dma_semaphore, #tpu.memory_space<semaphore_mem>>
              tpu.wait_indirect_dma semaphore(%dma_wait3A_123 : memref<!tpu.dma_semaphore, #tpu.memory_space<semaphore_mem>>) src(%dma_wait3A_115 : memref<128x16xf32, #tpu.memory_space<vmem>>) dst(%dma_wait3A_121 : memref<10240x16xf32, #tpu.memory_space<vmem_shared>>)
            } else {
            }
            %dma_start3A_95 = arith.constant 1 : i32
            %dma_start3A_96 = arith.constant 1 : i32
            %dma_start3A_97 = arith.constant 0 : i32
            %dma_start3A_98 = arith.constant 0 : i32
            %dma_start3A_99 = tpu.memref_slice %arg10[%dma_start3A_95, %dma_start3A_97, %dma_start3A_98] : memref<2x128x16xf32, #tpu.memory_space<vmem>> -> memref<1x128x16xf32, #tpu.memory_space<vmem>>
            %dma_start3A_100 = tpu.memref_squeeze %dma_start3A_99 : memref<1x128x16xf32, #tpu.memory_space<vmem>> -> memref<128x16xf32, #tpu.memory_space<vmem>>
            %dma_start3A_101 = arith.constant 0 : i32
            %dma_start3A_102 = tpu.memref_slice %arg9[%add3A_89, %dma_start3A_101] : memref<16x128xi32, #tpu.memory_space<vmem>> -> memref<1x128xi32, #tpu.memory_space<vmem>>
            %dma_start3A_103 = tpu.memref_squeeze %dma_start3A_102 : memref<1x128xi32, #tpu.memory_space<vmem>> -> memref<128xi32, #tpu.memory_space<vmem>>
            %dma_start3A_104 = arith.constant 0 : i32
            %dma_start3A_105 = arith.constant 0 : i32
            %dma_start3A_106 = tpu.memref_slice %arg7[%dma_start3A_104, %dma_start3A_105] : memref<10240x16xf32, #tpu.memory_space<vmem_shared>> -> memref<10240x16xf32, #tpu.memory_space<vmem_shared>>
            %dma_start3A_107 = tpu.memref_slice %arg12[%dma_start3A_96] : memref<2x!tpu.dma_semaphore, #tpu.memory_space<semaphore_mem>> -> memref<1x!tpu.dma_semaphore, #tpu.memory_space<semaphore_mem>>
            %dma_start3A_108 = tpu.memref_squeeze %dma_start3A_107 : memref<1x!tpu.dma_semaphore, #tpu.memory_space<semaphore_mem>> -> memref<!tpu.dma_semaphore, #tpu.memory_space<semaphore_mem>>
            tpu.enqueue_indirect_dma source(%dma_start3A_100 : memref<128x16xf32, #tpu.memory_space<vmem>>) target(%dma_start3A_106 : memref<10240x16xf32, #tpu.memory_space<vmem_shared>>) offsets(%dma_start3A_103 : memref<128xi32, #tpu.memory_space<vmem>>) semaphore(%dma_start3A_108 : memref<!tpu.dma_semaphore, #tpu.memory_space<semaphore_mem>>) {add = true}
          }
          %scan3A_34 = arith.constant 8 : i32
          %dma_wait3A = arith.constant 0 : i32
          %dma_wait3A_35 = arith.constant 14 : i32
          %dma_wait3A_36 = arith.constant 0 : i32
          %dma_wait3A_37 = arith.constant 0 : i32
          %dma_wait3A_38 = arith.constant 0 : i32
          %dma_wait3A_39 = tpu.memref_slice %arg10[%dma_wait3A, %dma_wait3A_37, %dma_wait3A_38] : memref<2x128x16xf32, #tpu.memory_space<vmem>> -> memref<1x128x16xf32, #tpu.memory_space<vmem>>
          %dma_wait3A_40 = tpu.memref_squeeze %dma_wait3A_39 : memref<1x128x16xf32, #tpu.memory_space<vmem>> -> memref<128x16xf32, #tpu.memory_space<vmem>>
          %dma_wait3A_41 = arith.constant 0 : i32
          %dma_wait3A_42 = tpu.memref_slice %arg9[%dma_wait3A_35, %dma_wait3A_41] : memref<16x128xi32, #tpu.memory_space<vmem>> -> memref<1x128xi32, #tpu.memory_space<vmem>>
          %dma_wait3A_43 = tpu.memref_squeeze %dma_wait3A_42 : memref<1x128xi32, #tpu.memory_space<vmem>> -> memref<128xi32, #tpu.memory_space<vmem>>
          %dma_wait3A_44 = arith.constant 0 : i32
          %dma_wait3A_45 = arith.constant 0 : i32
          %dma_wait3A_46 = tpu.memref_slice %arg7[%dma_wait3A_44, %dma_wait3A_45] : memref<10240x16xf32, #tpu.memory_space<vmem_shared>> -> memref<10240x16xf32, #tpu.memory_space<vmem_shared>>
          %dma_wait3A_47 = tpu.memref_slice %arg12[%dma_wait3A_36] : memref<2x!tpu.dma_semaphore, #tpu.memory_space<semaphore_mem>> -> memref<1x!tpu.dma_semaphore, #tpu.memory_space<semaphore_mem>>
          %dma_wait3A_48 = tpu.memref_squeeze %dma_wait3A_47 : memref<1x!tpu.dma_semaphore, #tpu.memory_space<semaphore_mem>> -> memref<!tpu.dma_semaphore, #tpu.memory_space<semaphore_mem>>
          tpu.wait_indirect_dma semaphore(%dma_wait3A_48 : memref<!tpu.dma_semaphore, #tpu.memory_space<semaphore_mem>>) src(%dma_wait3A_40 : memref<128x16xf32, #tpu.memory_space<vmem>>) dst(%dma_wait3A_46 : memref<10240x16xf32, #tpu.memory_space<vmem_shared>>)
          %dma_wait3A_49 = arith.constant 1 : i32
          %dma_wait3A_50 = arith.constant 15 : i32
          %dma_wait3A_51 = arith.constant 1 : i32
          %dma_wait3A_52 = arith.constant 0 : i32
          %dma_wait3A_53 = arith.constant 0 : i32
          %dma_wait3A_54 = tpu.memref_slice %arg10[%dma_wait3A_49, %dma_wait3A_52, %dma_wait3A_53] : memref<2x128x16xf32, #tpu.memory_space<vmem>> -> memref<1x128x16xf32, #tpu.memory_space<vmem>>
          %dma_wait3A_55 = tpu.memref_squeeze %dma_wait3A_54 : memref<1x128x16xf32, #tpu.memory_space<vmem>> -> memref<128x16xf32, #tpu.memory_space<vmem>>
          %dma_wait3A_56 = arith.constant 0 : i32
          %dma_wait3A_57 = tpu.memref_slice %arg9[%dma_wait3A_50, %dma_wait3A_56] : memref<16x128xi32, #tpu.memory_space<vmem>> -> memref<1x128xi32, #tpu.memory_space<vmem>>
          %dma_wait3A_58 = tpu.memref_squeeze %dma_wait3A_57 : memref<1x128xi32, #tpu.memory_space<vmem>> -> memref<128xi32, #tpu.memory_space<vmem>>
          %dma_wait3A_59 = arith.constant 0 : i32
          %dma_wait3A_60 = arith.constant 0 : i32
          %dma_wait3A_61 = tpu.memref_slice %arg7[%dma_wait3A_59, %dma_wait3A_60] : memref<10240x16xf32, #tpu.memory_space<vmem_shared>> -> memref<10240x16xf32, #tpu.memory_space<vmem_shared>>
          %dma_wait3A_62 = tpu.memref_slice %arg12[%dma_wait3A_51] : memref<2x!tpu.dma_semaphore, #tpu.memory_space<semaphore_mem>> -> memref<1x!tpu.dma_semaphore, #tpu.memory_space<semaphore_mem>>
          %dma_wait3A_63 = tpu.memref_squeeze %dma_wait3A_62 : memref<1x!tpu.dma_semaphore, #tpu.memory_space<semaphore_mem>> -> memref<!tpu.dma_semaphore, #tpu.memory_space<semaphore_mem>>
          tpu.wait_indirect_dma semaphore(%dma_wait3A_63 : memref<!tpu.dma_semaphore, #tpu.memory_space<semaphore_mem>>) src(%dma_wait3A_55 : memref<128x16xf32, #tpu.memory_space<vmem>>) dst(%dma_wait3A_61 : memref<10240x16xf32, #tpu.memory_space<vmem_shared>>)
        }
        %scan3A_16 = arith.constant 10 : i32
        %barrier3A_17 = arith.constant 0 : index
        tpu.barrier barrier_id(%barrier3A_17)
        %mul3A_18 = arith.constant 640 : i32
        %mul3A_19 = arith.muli %arg1, %mul3A_18 : i32
        %mul3A_20 = arith.constant 640 : i32
        %mul3A_21 = arith.muli %arg1, %mul3A_20 : i32
        "tpu.region"() ({
          %run_scoped3A = tpu.sem_alloc : memref<!tpu.dma_semaphore, #tpu.memory_space<semaphore_mem>>
          %dma_start3A = arith.constant 0 : i32
          %dma_start3A_23 = tpu.memref_slice %arg6[%add3A, %mul3A_21, %dma_start3A] : memref<5x10240x16xf32, #tpu.memory_space<hbm>> -> memref<1x640x16xf32, #tpu.memory_space<hbm>>
          %dma_start3A_24 = tpu.memref_squeeze %dma_start3A_23 : memref<1x640x16xf32, #tpu.memory_space<hbm>> -> memref<640x16xf32, #tpu.memory_space<hbm>>
          %dma_start3A_25 = arith.constant 0 : i32
          %dma_start3A_26 = tpu.memref_slice %arg7[%mul3A_19, %dma_start3A_25] : memref<10240x16xf32, #tpu.memory_space<vmem_shared>> -> memref<640x16xf32, #tpu.memory_space<vmem_shared>>
          tpu.enqueue_dma source(%dma_start3A_26 : memref<640x16xf32, #tpu.memory_space<vmem_shared>>) target(%dma_start3A_24 : memref<640x16xf32, #tpu.memory_space<hbm>>) target_semaphore(%run_scoped3A : memref<!tpu.dma_semaphore, #tpu.memory_space<semaphore_mem>>)
          %dma_wait3A = arith.constant 0 : i32
          %dma_wait3A_27 = tpu.memref_slice %arg6[%add3A, %mul3A_21, %dma_wait3A] : memref<5x10240x16xf32, #tpu.memory_space<hbm>> -> memref<1x640x16xf32, #tpu.memory_space<hbm>>
          %dma_wait3A_28 = tpu.memref_squeeze %dma_wait3A_27 : memref<1x640x16xf32, #tpu.memory_space<hbm>> -> memref<640x16xf32, #tpu.memory_space<hbm>>
          %dma_wait3A_29 = arith.constant 0 : i32
          %dma_wait3A_30 = tpu.memref_slice %arg7[%mul3A_19, %dma_wait3A_29] : memref<10240x16xf32, #tpu.memory_space<vmem_shared>> -> memref<640x16xf32, #tpu.memory_space<vmem_shared>>
          tpu.wait_dma2 semaphore(%run_scoped3A : memref<!tpu.dma_semaphore, #tpu.memory_space<semaphore_mem>>) src(%dma_wait3A_30 : memref<640x16xf32, #tpu.memory_space<vmem_shared>>) dst(%dma_wait3A_28 : memref<640x16xf32, #tpu.memory_space<hbm>>)
          tpu.yield
        }) : () -> ()
        %barrier3A_22 = arith.constant 0 : index
        tpu.barrier barrier_id(%barrier3A_22)
      } else {
      }
    }
    %scan3A_4 = arith.constant 3 : i32
    return
  }
}

#map = affine_map<(d0, d1) -> (0, 0, 0)>
#map1 = affine_map<(d0, d1) -> (0, 0)>
module attributes {stable_mosaic.version = 14 : i64} {
  func.func @_sc_agg_body(%arg0: i32, %arg1: i32, %arg2: memref<16x10240x128xf32, #tpu.memory_space<hbm>>, %arg3: memref<5x2560x128xi32, #tpu.memory_space<hbm>>, %arg4: memref<5x2560x128xi32, #tpu.memory_space<hbm>>, %arg5: memref<640x128xf32, #tpu.memory_space<hbm>>, %arg6: memref<20x10240x128xf32, #tpu.memory_space<hbm>>, %arg7: memref<10240x128xf32, #tpu.memory_space<vmem_shared>>, %arg8: memref<16x128xi32, #tpu.memory_space<vmem>>, %arg9: memref<16x128xi32, #tpu.memory_space<vmem>>, %arg10: memref<2x128x128xf32, #tpu.memory_space<vmem>>, %arg11: memref<2x!tpu.dma_semaphore, #tpu.memory_space<semaphore_mem>>, %arg12: memref<2x!tpu.dma_semaphore, #tpu.memory_space<semaphore_mem>>) attributes {dimension_semantics = [#tpu.dimension_semantics<core_parallel>, #tpu.dimension_semantics<subcore_parallel>], iteration_bounds = array<i64: 2, 16>, scalar_prefetch = 0 : i64, scratch_operands = 6 : i64, tpu.core_type = #tpu.core_type<sc_vector_subcore>, window_params = [{transform_indices = #map}, {transform_indices = #map}, {transform_indices = #map}, {transform_indices = #map1}, {transform_indices = #map}]} {
    %scan3A = arith.constant 0 : i32
    %scan3A_0 = arith.constant 0 : i32
    %scan3A_1 = arith.constant 10 : i32
    %scan3A_2 = arith.addi %scan3A_0, %scan3A_1 : i32
    %scan3A_3 = arith.constant 1 : i32
    scf.for %scan3A_5 = %scan3A_0 to %scan3A_2 step %scan3A_3  : i32 {
      %mul3A = arith.constant 2 : i32
      %mul3A_6 = arith.muli %mul3A, %scan3A_5 : i32
      %add3A = arith.addi %mul3A_6, %arg0 : i32
      %jit3A = arith.constant 4 : i32
      %div3A = arith.divsi %add3A, %jit3A : i32
      %sign3A = arith.constant 0 : i32
      %sign3A_7 = arith.cmpi sgt, %add3A, %sign3A : i32
      %sign3A_8 = arith.extui %sign3A_7 : i1 to i32
      %sign3A_9 = arith.constant 0 : i32
      %sign3A_10 = arith.cmpi slt, %add3A, %sign3A_9 : i32
      %sign3A_11 = arith.extui %sign3A_10 : i1 to i32
      %sign3A_12 = arith.subi %sign3A_8, %sign3A_11 : i32
      %sign3A_13 = arith.constant 0 : i32
      %sign3A_14 = arith.cmpi sgt, %jit3A, %sign3A_13 : i32
      %sign3A_15 = arith.extui %sign3A_14 : i1 to i32
      %sign3A_16 = arith.constant 0 : i32
      %sign3A_17 = arith.cmpi slt, %jit3A, %sign3A_16 : i32
      %sign3A_18 = arith.extui %sign3A_17 : i1 to i32
      %sign3A_19 = arith.subi %sign3A_15, %sign3A_18 : i32
      %ne3A = arith.cmpi ne, %sign3A_12, %sign3A_19 : i32
      %rem3A = arith.remsi %add3A, %jit3A : i32
      %ne3A_20 = arith.constant 0 : i32
      %ne3A_21 = arith.cmpi ne, %rem3A, %ne3A_20 : i32
      %and3A = arith.andi %ne3A, %ne3A_21 : i1
      %sub3A = arith.constant 1 : i32
      %sub3A_22 = arith.subi %div3A, %sub3A : i32
      %select_n3A = arith.select %and3A, %sub3A_22, %div3A : i32
      %jit3A_23 = arith.constant 4 : i32
      %eq3A = arith.constant 0 : i32
      %eq3A_24 = arith.cmpi eq, %jit3A_23, %eq3A : i32
      %jit3A_25 = arith.constant 1 : i32
      %select_n3A_26 = arith.select %eq3A_24, %jit3A_25, %jit3A_23 : i32
      %rem3A_27 = arith.remsi %add3A, %select_n3A_26 : i32
      %ne3A_28 = arith.constant 0 : i32
      %ne3A_29 = arith.cmpi ne, %rem3A_27, %ne3A_28 : i32
      %lt3A = arith.constant 0 : i32
      %lt3A_30 = arith.cmpi slt, %rem3A_27, %lt3A : i32
      %lt3A_31 = arith.constant 0 : i32
      %lt3A_32 = arith.cmpi slt, %select_n3A_26, %lt3A_31 : i32
      %ne3A_33 = arith.xori %lt3A_30, %lt3A_32 : i1
      %and3A_34 = arith.andi %ne3A_33, %ne3A_29 : i1
      %add3A_35 = arith.addi %rem3A_27, %select_n3A_26 : i32
      %select_n3A_36 = arith.select %and3A_34, %add3A_35, %rem3A_27 : i32
      %eq3A_37 = arith.constant 3 : i32
      %eq3A_38 = arith.cmpi eq, %select_n3A, %eq3A_37 : i32
      %eq3A_39 = arith.constant 4 : i32
      %eq3A_40 = arith.cmpi eq, %select_n3A, %eq3A_39 : i32
      %jit3A_41 = arith.constant 3 : i32
      %select_n3A_42 = arith.select %eq3A_40, %jit3A_41, %select_n3A : i32
      %jit3A_43 = arith.constant 1 : i32
      %select_n3A_44 = arith.select %eq3A_38, %jit3A_43, %select_n3A_42 : i32
      %mul3A_45 = arith.constant 4 : i32
      %mul3A_46 = arith.muli %select_n3A_44, %mul3A_45 : i32
      %add3A_47 = arith.addi %mul3A_46, %select_n3A_36 : i32
      %mul3A_48 = arith.constant 640 : i32
      %mul3A_49 = arith.muli %arg1, %mul3A_48 : i32
      "tpu.region"() ({
        %run_scoped3A = tpu.sem_alloc : memref<!tpu.dma_semaphore, #tpu.memory_space<semaphore_mem>>
        %dma_start3A = arith.constant 0 : i32
        %dma_start3A_62 = tpu.memref_slice %arg7[%mul3A_49, %dma_start3A] : memref<10240x128xf32, #tpu.memory_space<vmem_shared>> -> memref<640x128xf32, #tpu.memory_space<vmem_shared>>
        tpu.enqueue_dma source(%arg5 : memref<640x128xf32, #tpu.memory_space<hbm>>) target(%dma_start3A_62 : memref<640x128xf32, #tpu.memory_space<vmem_shared>>) target_semaphore(%run_scoped3A : memref<!tpu.dma_semaphore, #tpu.memory_space<semaphore_mem>>)
        %dma_wait3A = arith.constant 0 : i32
        %dma_wait3A_63 = tpu.memref_slice %arg7[%mul3A_49, %dma_wait3A] : memref<10240x128xf32, #tpu.memory_space<vmem_shared>> -> memref<640x128xf32, #tpu.memory_space<vmem_shared>>
        tpu.wait_dma2 semaphore(%run_scoped3A : memref<!tpu.dma_semaphore, #tpu.memory_space<semaphore_mem>>) src(%arg5 : memref<640x128xf32, #tpu.memory_space<hbm>>) dst(%dma_wait3A_63 : memref<640x128xf32, #tpu.memory_space<vmem_shared>>)
        tpu.yield
      }) : () -> ()
      %barrier3A = arith.constant 0 : index
      tpu.barrier barrier_id(%barrier3A)
      %scan3A_50 = arith.constant 0 : i32
      %scan3A_51 = arith.constant 0 : i32
      %scan3A_52 = arith.constant 10 : i32
      %scan3A_53 = arith.addi %scan3A_51, %scan3A_52 : i32
      %scan3A_54 = arith.constant 1 : i32
      scf.for %scan3A_62 = %scan3A_51 to %scan3A_53 step %scan3A_54  : i32 {
        %mul3A_63 = arith.constant 160 : i32
        %mul3A_64 = arith.muli %arg1, %mul3A_63 : i32
        %mul3A_65 = arith.constant 16 : i32
        %mul3A_66 = arith.muli %scan3A_62, %mul3A_65 : i32
        %add3A_67 = arith.addi %mul3A_64, %mul3A_66 : i32
        "tpu.region"() ({
          %run_scoped3A = tpu.sem_alloc : memref<!tpu.dma_semaphore, #tpu.memory_space<semaphore_mem>>
          %dma_start3A = arith.constant 0 : i32
          %dma_start3A_103 = tpu.memref_slice %arg3[%select_n3A, %add3A_67, %dma_start3A] : memref<5x2560x128xi32, #tpu.memory_space<hbm>> -> memref<1x16x128xi32, #tpu.memory_space<hbm>>
          %dma_start3A_104 = tpu.memref_squeeze %dma_start3A_103 : memref<1x16x128xi32, #tpu.memory_space<hbm>> -> memref<16x128xi32, #tpu.memory_space<hbm>>
          %dma_start3A_105 = arith.constant 0 : i32
          %dma_start3A_106 = tpu.memref_slice %arg3[%select_n3A, %add3A_67, %dma_start3A_105] : memref<5x2560x128xi32, #tpu.memory_space<hbm>> -> memref<1x16x128xi32, #tpu.memory_space<hbm>>
          %dma_start3A_107 = tpu.memref_squeeze %dma_start3A_106 : memref<1x16x128xi32, #tpu.memory_space<hbm>> -> memref<16x128xi32, #tpu.memory_space<hbm>>
          tpu.enqueue_dma source(%dma_start3A_107 : memref<16x128xi32, #tpu.memory_space<hbm>>) target(%arg8 : memref<16x128xi32, #tpu.memory_space<vmem>>) target_semaphore(%run_scoped3A : memref<!tpu.dma_semaphore, #tpu.memory_space<semaphore_mem>>)
          %dma_wait3A_108 = arith.constant 0 : i32
          %dma_wait3A_109 = tpu.memref_slice %arg3[%select_n3A, %add3A_67, %dma_wait3A_108] : memref<5x2560x128xi32, #tpu.memory_space<hbm>> -> memref<1x16x128xi32, #tpu.memory_space<hbm>>
          %dma_wait3A_110 = tpu.memref_squeeze %dma_wait3A_109 : memref<1x16x128xi32, #tpu.memory_space<hbm>> -> memref<16x128xi32, #tpu.memory_space<hbm>>
          %dma_wait3A_111 = arith.constant 0 : i32
          %dma_wait3A_112 = tpu.memref_slice %arg3[%select_n3A, %add3A_67, %dma_wait3A_111] : memref<5x2560x128xi32, #tpu.memory_space<hbm>> -> memref<1x16x128xi32, #tpu.memory_space<hbm>>
          %dma_wait3A_113 = tpu.memref_squeeze %dma_wait3A_112 : memref<1x16x128xi32, #tpu.memory_space<hbm>> -> memref<16x128xi32, #tpu.memory_space<hbm>>
          tpu.wait_dma2 semaphore(%run_scoped3A : memref<!tpu.dma_semaphore, #tpu.memory_space<semaphore_mem>>) src(%dma_wait3A_113 : memref<16x128xi32, #tpu.memory_space<hbm>>) dst(%arg8 : memref<16x128xi32, #tpu.memory_space<vmem>>)
          tpu.yield
        }) : () -> ()
        "tpu.region"() ({
          %run_scoped3A = tpu.sem_alloc : memref<!tpu.dma_semaphore, #tpu.memory_space<semaphore_mem>>
          %dma_start3A = arith.constant 0 : i32
          %dma_start3A_103 = tpu.memref_slice %arg4[%select_n3A, %add3A_67, %dma_start3A] : memref<5x2560x128xi32, #tpu.memory_space<hbm>> -> memref<1x16x128xi32, #tpu.memory_space<hbm>>
          %dma_start3A_104 = tpu.memref_squeeze %dma_start3A_103 : memref<1x16x128xi32, #tpu.memory_space<hbm>> -> memref<16x128xi32, #tpu.memory_space<hbm>>
          %dma_start3A_105 = arith.constant 0 : i32
          %dma_start3A_106 = tpu.memref_slice %arg4[%select_n3A, %add3A_67, %dma_start3A_105] : memref<5x2560x128xi32, #tpu.memory_space<hbm>> -> memref<1x16x128xi32, #tpu.memory_space<hbm>>
          %dma_start3A_107 = tpu.memref_squeeze %dma_start3A_106 : memref<1x16x128xi32, #tpu.memory_space<hbm>> -> memref<16x128xi32, #tpu.memory_space<hbm>>
          tpu.enqueue_dma source(%dma_start3A_107 : memref<16x128xi32, #tpu.memory_space<hbm>>) target(%arg9 : memref<16x128xi32, #tpu.memory_space<vmem>>) target_semaphore(%run_scoped3A : memref<!tpu.dma_semaphore, #tpu.memory_space<semaphore_mem>>)
          %dma_wait3A_108 = arith.constant 0 : i32
          %dma_wait3A_109 = tpu.memref_slice %arg4[%select_n3A, %add3A_67, %dma_wait3A_108] : memref<5x2560x128xi32, #tpu.memory_space<hbm>> -> memref<1x16x128xi32, #tpu.memory_space<hbm>>
          %dma_wait3A_110 = tpu.memref_squeeze %dma_wait3A_109 : memref<1x16x128xi32, #tpu.memory_space<hbm>> -> memref<16x128xi32, #tpu.memory_space<hbm>>
          %dma_wait3A_111 = arith.constant 0 : i32
          %dma_wait3A_112 = tpu.memref_slice %arg4[%select_n3A, %add3A_67, %dma_wait3A_111] : memref<5x2560x128xi32, #tpu.memory_space<hbm>> -> memref<1x16x128xi32, #tpu.memory_space<hbm>>
          %dma_wait3A_113 = tpu.memref_squeeze %dma_wait3A_112 : memref<1x16x128xi32, #tpu.memory_space<hbm>> -> memref<16x128xi32, #tpu.memory_space<hbm>>
          tpu.wait_dma2 semaphore(%run_scoped3A : memref<!tpu.dma_semaphore, #tpu.memory_space<semaphore_mem>>) src(%dma_wait3A_113 : memref<16x128xi32, #tpu.memory_space<hbm>>) dst(%arg9 : memref<16x128xi32, #tpu.memory_space<vmem>>)
          tpu.yield
        }) : () -> ()
        %scan3A_68 = arith.constant 0 : i32
        %scan3A_69 = arith.constant 0 : i32
        %scan3A_70 = arith.constant 8 : i32
        %scan3A_71 = arith.addi %scan3A_69, %scan3A_70 : i32
        %scan3A_72 = arith.constant 1 : i32
        scf.for %scan3A_103 = %scan3A_69 to %scan3A_71 step %scan3A_72  : i32 {
          %mul3A_104 = arith.constant 2 : i32
          %mul3A_105 = arith.muli %scan3A_103, %mul3A_104 : i32
          %add3A_106 = arith.constant 0 : i32
          %add3A_107 = arith.addi %mul3A_105, %add3A_106 : i32
          %gt3A = arith.constant 0 : i32
          %gt3A_108 = arith.cmpi sgt, %scan3A_103, %gt3A : i32
          %convert_element_type3A = arith.extui %gt3A_108 : i1 to i32
          %cond3A = arith.constant 0 : i32
          %cond3A_109 = arith.cmpi ne, %convert_element_type3A, %cond3A : i32
          scf.if %cond3A_109 {
            %sub3A_146 = arith.constant 2 : i32
            %sub3A_147 = arith.subi %add3A_107, %sub3A_146 : i32
            %dma_wait3A_148 = arith.constant 0 : i32
            %dma_wait3A_149 = arith.constant 0 : i32
            %dma_wait3A_150 = arith.constant 0 : i32
            %dma_wait3A_151 = arith.constant 0 : i32
            %dma_wait3A_152 = tpu.memref_slice %arg10[%dma_wait3A_148, %dma_wait3A_150, %dma_wait3A_151] : memref<2x128x128xf32, #tpu.memory_space<vmem>> -> memref<1x128x128xf32, #tpu.memory_space<vmem>>
            %dma_wait3A_153 = tpu.memref_squeeze %dma_wait3A_152 : memref<1x128x128xf32, #tpu.memory_space<vmem>> -> memref<128x128xf32, #tpu.memory_space<vmem>>
            %dma_wait3A_154 = arith.constant 0 : i32
            %dma_wait3A_155 = tpu.memref_slice %arg9[%sub3A_147, %dma_wait3A_154] : memref<16x128xi32, #tpu.memory_space<vmem>> -> memref<1x128xi32, #tpu.memory_space<vmem>>
            %dma_wait3A_156 = tpu.memref_squeeze %dma_wait3A_155 : memref<1x128xi32, #tpu.memory_space<vmem>> -> memref<128xi32, #tpu.memory_space<vmem>>
            %dma_wait3A_157 = arith.constant 0 : i32
            %dma_wait3A_158 = arith.constant 0 : i32
            %dma_wait3A_159 = tpu.memref_slice %arg7[%dma_wait3A_157, %dma_wait3A_158] : memref<10240x128xf32, #tpu.memory_space<vmem_shared>> -> memref<10240x128xf32, #tpu.memory_space<vmem_shared>>
            %dma_wait3A_160 = tpu.memref_slice %arg12[%dma_wait3A_149] : memref<2x!tpu.dma_semaphore, #tpu.memory_space<semaphore_mem>> -> memref<1x!tpu.dma_semaphore, #tpu.memory_space<semaphore_mem>>
            %dma_wait3A_161 = tpu.memref_squeeze %dma_wait3A_160 : memref<1x!tpu.dma_semaphore, #tpu.memory_space<semaphore_mem>> -> memref<!tpu.dma_semaphore, #tpu.memory_space<semaphore_mem>>
            tpu.wait_indirect_dma semaphore(%dma_wait3A_161 : memref<!tpu.dma_semaphore, #tpu.memory_space<semaphore_mem>>) src(%dma_wait3A_153 : memref<128x128xf32, #tpu.memory_space<vmem>>) dst(%dma_wait3A_159 : memref<10240x128xf32, #tpu.memory_space<vmem_shared>>)
          } else {
          }
          %dma_start3A = arith.constant 0 : i32
          %dma_start3A_110 = arith.constant 0 : i32
          %dma_start3A_111 = arith.constant 0 : i32
          %dma_start3A_112 = arith.constant 0 : i32
          %dma_start3A_113 = tpu.memref_slice %arg10[%dma_start3A, %dma_start3A_111, %dma_start3A_112] : memref<2x128x128xf32, #tpu.memory_space<vmem>> -> memref<1x128x128xf32, #tpu.memory_space<vmem>>
          %dma_start3A_114 = tpu.memref_squeeze %dma_start3A_113 : memref<1x128x128xf32, #tpu.memory_space<vmem>> -> memref<128x128xf32, #tpu.memory_space<vmem>>
          %dma_start3A_115 = arith.constant 0 : i32
          %dma_start3A_116 = tpu.memref_slice %arg9[%add3A_107, %dma_start3A_115] : memref<16x128xi32, #tpu.memory_space<vmem>> -> memref<1x128xi32, #tpu.memory_space<vmem>>
          %dma_start3A_117 = tpu.memref_squeeze %dma_start3A_116 : memref<1x128xi32, #tpu.memory_space<vmem>> -> memref<128xi32, #tpu.memory_space<vmem>>
          %dma_start3A_118 = arith.constant 0 : i32
          %dma_start3A_119 = arith.constant 0 : i32
          %dma_start3A_120 = tpu.memref_slice %arg7[%dma_start3A_118, %dma_start3A_119] : memref<10240x128xf32, #tpu.memory_space<vmem_shared>> -> memref<10240x128xf32, #tpu.memory_space<vmem_shared>>
          %dma_start3A_121 = tpu.memref_slice %arg12[%dma_start3A_110] : memref<2x!tpu.dma_semaphore, #tpu.memory_space<semaphore_mem>> -> memref<1x!tpu.dma_semaphore, #tpu.memory_space<semaphore_mem>>
          %dma_start3A_122 = tpu.memref_squeeze %dma_start3A_121 : memref<1x!tpu.dma_semaphore, #tpu.memory_space<semaphore_mem>> -> memref<!tpu.dma_semaphore, #tpu.memory_space<semaphore_mem>>
          tpu.enqueue_indirect_dma source(%dma_start3A_114 : memref<128x128xf32, #tpu.memory_space<vmem>>) target(%dma_start3A_120 : memref<10240x128xf32, #tpu.memory_space<vmem_shared>>) offsets(%dma_start3A_117 : memref<128xi32, #tpu.memory_space<vmem>>) semaphore(%dma_start3A_122 : memref<!tpu.dma_semaphore, #tpu.memory_space<semaphore_mem>>) {add = true}
          %mul3A_123 = arith.constant 2 : i32
          %mul3A_124 = arith.muli %scan3A_103, %mul3A_123 : i32
          %add3A_125 = arith.constant 1 : i32
          %add3A_126 = arith.addi %mul3A_124, %add3A_125 : i32
          %gt3A_127 = arith.constant 0 : i32
          %gt3A_128 = arith.cmpi sgt, %scan3A_103, %gt3A_127 : i32
          %convert_element_type3A_129 = arith.extui %gt3A_128 : i1 to i32
          %cond3A_130 = arith.constant 0 : i32
          %cond3A_131 = arith.cmpi ne, %convert_element_type3A_129, %cond3A_130 : i32
          scf.if %cond3A_131 {
            %sub3A_146 = arith.constant 2 : i32
            %sub3A_147 = arith.subi %add3A_126, %sub3A_146 : i32
            %dma_wait3A_148 = arith.constant 1 : i32
            %dma_wait3A_149 = arith.constant 1 : i32
            %dma_wait3A_150 = arith.constant 0 : i32
            %dma_wait3A_151 = arith.constant 0 : i32
            %dma_wait3A_152 = tpu.memref_slice %arg10[%dma_wait3A_148, %dma_wait3A_150, %dma_wait3A_151] : memref<2x128x128xf32, #tpu.memory_space<vmem>> -> memref<1x128x128xf32, #tpu.memory_space<vmem>>
            %dma_wait3A_153 = tpu.memref_squeeze %dma_wait3A_152 : memref<1x128x128xf32, #tpu.memory_space<vmem>> -> memref<128x128xf32, #tpu.memory_space<vmem>>
            %dma_wait3A_154 = arith.constant 0 : i32
            %dma_wait3A_155 = tpu.memref_slice %arg9[%sub3A_147, %dma_wait3A_154] : memref<16x128xi32, #tpu.memory_space<vmem>> -> memref<1x128xi32, #tpu.memory_space<vmem>>
            %dma_wait3A_156 = tpu.memref_squeeze %dma_wait3A_155 : memref<1x128xi32, #tpu.memory_space<vmem>> -> memref<128xi32, #tpu.memory_space<vmem>>
            %dma_wait3A_157 = arith.constant 0 : i32
            %dma_wait3A_158 = arith.constant 0 : i32
            %dma_wait3A_159 = tpu.memref_slice %arg7[%dma_wait3A_157, %dma_wait3A_158] : memref<10240x128xf32, #tpu.memory_space<vmem_shared>> -> memref<10240x128xf32, #tpu.memory_space<vmem_shared>>
            %dma_wait3A_160 = tpu.memref_slice %arg12[%dma_wait3A_149] : memref<2x!tpu.dma_semaphore, #tpu.memory_space<semaphore_mem>> -> memref<1x!tpu.dma_semaphore, #tpu.memory_space<semaphore_mem>>
            %dma_wait3A_161 = tpu.memref_squeeze %dma_wait3A_160 : memref<1x!tpu.dma_semaphore, #tpu.memory_space<semaphore_mem>> -> memref<!tpu.dma_semaphore, #tpu.memory_space<semaphore_mem>>
            tpu.wait_indirect_dma semaphore(%dma_wait3A_161 : memref<!tpu.dma_semaphore, #tpu.memory_space<semaphore_mem>>) src(%dma_wait3A_153 : memref<128x128xf32, #tpu.memory_space<vmem>>) dst(%dma_wait3A_159 : memref<10240x128xf32, #tpu.memory_space<vmem_shared>>)
          } else {
          }
          %dma_start3A_132 = arith.constant 1 : i32
          %dma_start3A_133 = arith.constant 1 : i32
          %dma_start3A_134 = arith.constant 0 : i32
          %dma_start3A_135 = arith.constant 0 : i32
          %dma_start3A_136 = tpu.memref_slice %arg10[%dma_start3A_132, %dma_start3A_134, %dma_start3A_135] : memref<2x128x128xf32, #tpu.memory_space<vmem>> -> memref<1x128x128xf32, #tpu.memory_space<vmem>>
          %dma_start3A_137 = tpu.memref_squeeze %dma_start3A_136 : memref<1x128x128xf32, #tpu.memory_space<vmem>> -> memref<128x128xf32, #tpu.memory_space<vmem>>
          %dma_start3A_138 = arith.constant 0 : i32
          %dma_start3A_139 = tpu.memref_slice %arg9[%add3A_126, %dma_start3A_138] : memref<16x128xi32, #tpu.memory_space<vmem>> -> memref<1x128xi32, #tpu.memory_space<vmem>>
          %dma_start3A_140 = tpu.memref_squeeze %dma_start3A_139 : memref<1x128xi32, #tpu.memory_space<vmem>> -> memref<128xi32, #tpu.memory_space<vmem>>
          %dma_start3A_141 = arith.constant 0 : i32
          %dma_start3A_142 = arith.constant 0 : i32
          %dma_start3A_143 = tpu.memref_slice %arg7[%dma_start3A_141, %dma_start3A_142] : memref<10240x128xf32, #tpu.memory_space<vmem_shared>> -> memref<10240x128xf32, #tpu.memory_space<vmem_shared>>
          %dma_start3A_144 = tpu.memref_slice %arg12[%dma_start3A_133] : memref<2x!tpu.dma_semaphore, #tpu.memory_space<semaphore_mem>> -> memref<1x!tpu.dma_semaphore, #tpu.memory_space<semaphore_mem>>
          %dma_start3A_145 = tpu.memref_squeeze %dma_start3A_144 : memref<1x!tpu.dma_semaphore, #tpu.memory_space<semaphore_mem>> -> memref<!tpu.dma_semaphore, #tpu.memory_space<semaphore_mem>>
          tpu.enqueue_indirect_dma source(%dma_start3A_137 : memref<128x128xf32, #tpu.memory_space<vmem>>) target(%dma_start3A_143 : memref<10240x128xf32, #tpu.memory_space<vmem_shared>>) offsets(%dma_start3A_140 : memref<128xi32, #tpu.memory_space<vmem>>) semaphore(%dma_start3A_145 : memref<!tpu.dma_semaphore, #tpu.memory_space<semaphore_mem>>) {add = true}
        }
        %scan3A_73 = arith.constant 8 : i32
        %dma_wait3A = arith.constant 0 : i32
        %dma_wait3A_74 = arith.constant 14 : i32
        %dma_wait3A_75 = arith.constant 0 : i32
        %dma_wait3A_76 = arith.constant 0 : i32
        %dma_wait3A_77 = arith.constant 0 : i32
        %dma_wait3A_78 = tpu.memref_slice %arg10[%dma_wait3A, %dma_wait3A_76, %dma_wait3A_77] : memref<2x128x128xf32, #tpu.memory_space<vmem>> -> memref<1x128x128xf32, #tpu.memory_space<vmem>>
        %dma_wait3A_79 = tpu.memref_squeeze %dma_wait3A_78 : memref<1x128x128xf32, #tpu.memory_space<vmem>> -> memref<128x128xf32, #tpu.memory_space<vmem>>
        %dma_wait3A_80 = arith.constant 0 : i32
        %dma_wait3A_81 = tpu.memref_slice %arg9[%dma_wait3A_74, %dma_wait3A_80] : memref<16x128xi32, #tpu.memory_space<vmem>> -> memref<1x128xi32, #tpu.memory_space<vmem>>
        %dma_wait3A_82 = tpu.memref_squeeze %dma_wait3A_81 : memref<1x128xi32, #tpu.memory_space<vmem>> -> memref<128xi32, #tpu.memory_space<vmem>>
        %dma_wait3A_83 = arith.constant 0 : i32
        %dma_wait3A_84 = arith.constant 0 : i32
        %dma_wait3A_85 = tpu.memref_slice %arg7[%dma_wait3A_83, %dma_wait3A_84] : memref<10240x128xf32, #tpu.memory_space<vmem_shared>> -> memref<10240x128xf32, #tpu.memory_space<vmem_shared>>
        %dma_wait3A_86 = tpu.memref_slice %arg12[%dma_wait3A_75] : memref<2x!tpu.dma_semaphore, #tpu.memory_space<semaphore_mem>> -> memref<1x!tpu.dma_semaphore, #tpu.memory_space<semaphore_mem>>
        %dma_wait3A_87 = tpu.memref_squeeze %dma_wait3A_86 : memref<1x!tpu.dma_semaphore, #tpu.memory_space<semaphore_mem>> -> memref<!tpu.dma_semaphore, #tpu.memory_space<semaphore_mem>>
        tpu.wait_indirect_dma semaphore(%dma_wait3A_87 : memref<!tpu.dma_semaphore, #tpu.memory_space<semaphore_mem>>) src(%dma_wait3A_79 : memref<128x128xf32, #tpu.memory_space<vmem>>) dst(%dma_wait3A_85 : memref<10240x128xf32, #tpu.memory_space<vmem_shared>>)
        %dma_wait3A_88 = arith.constant 1 : i32
        %dma_wait3A_89 = arith.constant 15 : i32
        %dma_wait3A_90 = arith.constant 1 : i32
        %dma_wait3A_91 = arith.constant 0 : i32
        %dma_wait3A_92 = arith.constant 0 : i32
        %dma_wait3A_93 = tpu.memref_slice %arg10[%dma_wait3A_88, %dma_wait3A_91, %dma_wait3A_92] : memref<2x128x128xf32, #tpu.memory_space<vmem>> -> memref<1x128x128xf32, #tpu.memory_space<vmem>>
        %dma_wait3A_94 = tpu.memref_squeeze %dma_wait3A_93 : memref<1x128x128xf32, #tpu.memory_space<vmem>> -> memref<128x128xf32, #tpu.memory_space<vmem>>
        %dma_wait3A_95 = arith.constant 0 : i32
        %dma_wait3A_96 = tpu.memref_slice %arg9[%dma_wait3A_89, %dma_wait3A_95] : memref<16x128xi32, #tpu.memory_space<vmem>> -> memref<1x128xi32, #tpu.memory_space<vmem>>
        %dma_wait3A_97 = tpu.memref_squeeze %dma_wait3A_96 : memref<1x128xi32, #tpu.memory_space<vmem>> -> memref<128xi32, #tpu.memory_space<vmem>>
        %dma_wait3A_98 = arith.constant 0 : i32
        %dma_wait3A_99 = arith.constant 0 : i32
        %dma_wait3A_100 = tpu.memref_slice %arg7[%dma_wait3A_98, %dma_wait3A_99] : memref<10240x128xf32, #tpu.memory_space<vmem_shared>> -> memref<10240x128xf32, #tpu.memory_space<vmem_shared>>
        %dma_wait3A_101 = tpu.memref_slice %arg12[%dma_wait3A_90] : memref<2x!tpu.dma_semaphore, #tpu.memory_space<semaphore_mem>> -> memref<1x!tpu.dma_semaphore, #tpu.memory_space<semaphore_mem>>
        %dma_wait3A_102 = tpu.memref_squeeze %dma_wait3A_101 : memref<1x!tpu.dma_semaphore, #tpu.memory_space<semaphore_mem>> -> memref<!tpu.dma_semaphore, #tpu.memory_space<semaphore_mem>>
        tpu.wait_indirect_dma semaphore(%dma_wait3A_102 : memref<!tpu.dma_semaphore, #tpu.memory_space<semaphore_mem>>) src(%dma_wait3A_94 : memref<128x128xf32, #tpu.memory_space<vmem>>) dst(%dma_wait3A_100 : memref<10240x128xf32, #tpu.memory_space<vmem_shared>>)
      }
      %scan3A_55 = arith.constant 10 : i32
      %barrier3A_56 = arith.constant 0 : index
      tpu.barrier barrier_id(%barrier3A_56)
      %mul3A_57 = arith.constant 640 : i32
      %mul3A_58 = arith.muli %arg1, %mul3A_57 : i32
      %mul3A_59 = arith.constant 640 : i32
      %mul3A_60 = arith.muli %arg1, %mul3A_59 : i32
      "tpu.region"() ({
        %run_scoped3A = tpu.sem_alloc : memref<!tpu.dma_semaphore, #tpu.memory_space<semaphore_mem>>
        %dma_start3A = arith.constant 0 : i32
        %dma_start3A_62 = tpu.memref_slice %arg6[%add3A, %mul3A_60, %dma_start3A] : memref<20x10240x128xf32, #tpu.memory_space<hbm>> -> memref<1x640x128xf32, #tpu.memory_space<hbm>>
        %dma_start3A_63 = tpu.memref_squeeze %dma_start3A_62 : memref<1x640x128xf32, #tpu.memory_space<hbm>> -> memref<640x128xf32, #tpu.memory_space<hbm>>
        %dma_start3A_64 = arith.constant 0 : i32
        %dma_start3A_65 = tpu.memref_slice %arg7[%mul3A_58, %dma_start3A_64] : memref<10240x128xf32, #tpu.memory_space<vmem_shared>> -> memref<640x128xf32, #tpu.memory_space<vmem_shared>>
        tpu.enqueue_dma source(%dma_start3A_65 : memref<640x128xf32, #tpu.memory_space<vmem_shared>>) target(%dma_start3A_63 : memref<640x128xf32, #tpu.memory_space<hbm>>) target_semaphore(%run_scoped3A : memref<!tpu.dma_semaphore, #tpu.memory_space<semaphore_mem>>)
        %dma_wait3A = arith.constant 0 : i32
        %dma_wait3A_66 = tpu.memref_slice %arg6[%add3A, %mul3A_60, %dma_wait3A] : memref<20x10240x128xf32, #tpu.memory_space<hbm>> -> memref<1x640x128xf32, #tpu.memory_space<hbm>>
        %dma_wait3A_67 = tpu.memref_squeeze %dma_wait3A_66 : memref<1x640x128xf32, #tpu.memory_space<hbm>> -> memref<640x128xf32, #tpu.memory_space<hbm>>
        %dma_wait3A_68 = arith.constant 0 : i32
        %dma_wait3A_69 = tpu.memref_slice %arg7[%mul3A_58, %dma_wait3A_68] : memref<10240x128xf32, #tpu.memory_space<vmem_shared>> -> memref<640x128xf32, #tpu.memory_space<vmem_shared>>
        tpu.wait_dma2 semaphore(%run_scoped3A : memref<!tpu.dma_semaphore, #tpu.memory_space<semaphore_mem>>) src(%dma_wait3A_69 : memref<640x128xf32, #tpu.memory_space<vmem_shared>>) dst(%dma_wait3A_67 : memref<640x128xf32, #tpu.memory_space<hbm>>)
        tpu.yield
      }) : () -> ()
      %barrier3A_61 = arith.constant 0 : index
      tpu.barrier barrier_id(%barrier3A_61)
    }
    %scan3A_4 = arith.constant 10 : i32
    return
  }
}

module attributes {stable_mosaic.version = 14 : i64} {
  func.func @_prep_body(%arg0: i32, %arg1: memref<4x400x128xf32, #tpu.memory_space<vmem>>, %arg2: memref<4x400x128xf32, #tpu.memory_space<vmem>>, %arg3: memref<4x400x128xf32, #tpu.memory_space<vmem>>, %arg4: memref<400x5x16xf32, #tpu.memory_space<vmem>>, %arg5: memref<128x128xf32, #tpu.memory_space<vmem>>, %arg6: memref<128xf32, #tpu.memory_space<vmem>>, %arg7: memref<128x128xf32, #tpu.memory_space<vmem>>, %arg8: memref<128xf32, #tpu.memory_space<vmem>>, %arg9: memref<128x128xf32, #tpu.memory_space<vmem>>, %arg10: memref<128xf32, #tpu.memory_space<vmem>>, %arg11: memref<16x400x128xf32, #tpu.memory_space<vmem>>, %arg12: memref<4x400x128xf32, #tpu.memory_space<vmem>>) attributes {dimension_semantics = [#tpu.dimension_semantics<arbitrary>], iteration_bounds = array<i64: 25>, scalar_prefetch = 0 : i64, scratch_operands = 0 : i64, tpu.core_type = #tpu.core_type<tc>, window_params = [{transform_indices = @transform_0, window_bounds = array<i64: 4, 400, 128>}, {transform_indices = @transform_1, window_bounds = array<i64: 4, 400, 128>}, {transform_indices = @transform_2, window_bounds = array<i64: 4, 400, 128>}, {transform_indices = @transform_3, window_bounds = array<i64: 400, 5, 16>}, {pipeline_mode = #tpu.pipeline_mode<synchronous>, transform_indices = @transform_4, window_bounds = array<i64: 128, 128>}, {pipeline_mode = #tpu.pipeline_mode<synchronous>, transform_indices = @transform_5, window_bounds = array<i64: 128>}, {pipeline_mode = #tpu.pipeline_mode<synchronous>, transform_indices = @transform_6, window_bounds = array<i64: 128, 128>}, {pipeline_mode = #tpu.pipeline_mode<synchronous>, transform_indices = @transform_7, window_bounds = array<i64: 128>}, {pipeline_mode = #tpu.pipeline_mode<synchronous>, transform_indices = @transform_8, window_bounds = array<i64: 128, 128>}, {pipeline_mode = #tpu.pipeline_mode<synchronous>, transform_indices = @transform_9, window_bounds = array<i64: 128>}, {transform_indices = @transform_10, window_bounds = array<i64: 16, 400, 128>}, {transform_indices = @transform_11, window_bounds = array<i64: 4, 400, 128>}]} {
    %get3A = arith.constant 0 : index
    %get3A_0 = arith.constant 0 : index
    %get3A_1 = arith.constant 0 : index
    %get3A_2 = vector.load %arg4[%get3A, %get3A_0, %get3A_1] : memref<400x5x16xf32, #tpu.memory_space<vmem>>, vector<400x5x16xf32>
    %slice3A = vector.extract_strided_slice %get3A_2 {offsets = [0, 0, 0], sizes = [400, 5, 1], strides = [1, 1, 1]} : vector<400x5x16xf32> to vector<400x5x1xf32>
    %squeeze3A = vector.shape_cast %slice3A : vector<400x5x1xf32> to vector<400x5xf32>
    %slice3A_3 = vector.extract_strided_slice %squeeze3A {offsets = [0, 0], sizes = [400, 1], strides = [1, 1]} : vector<400x5xf32> to vector<400x1xf32>
    %squeeze3A_4 = vector.shape_cast %slice3A_3 : vector<400x1xf32> to vector<400xf32>
    %gt3A = arith.constant 0.000000e+00 : f32
    %gt3A_5 = vector.broadcast %gt3A : f32 to vector<400xf32>
    %gt3A_6 = arith.cmpf ogt, %squeeze3A_4, %gt3A_5 : vector<400xf32>
    %slice3A_7 = vector.extract_strided_slice %squeeze3A {offsets = [0, 0], sizes = [400, 1], strides = [1, 1]} : vector<400x5xf32> to vector<400x1xf32>
    %squeeze3A_8 = vector.shape_cast %slice3A_7 : vector<400x1xf32> to vector<400xf32>
    %max3A = arith.constant 1.000000e+00 : f32
    %max3A_9 = vector.broadcast %max3A : f32 to vector<400xf32>
    %max3A_10 = arith.maximumf %squeeze3A_8, %max3A_9 : vector<400xf32>
    %rsqrt3A = math.rsqrt %max3A_10 : vector<400xf32>
    %jit3A = arith.constant 0.000000e+00 : f32
    %broadcast_in_dim3A = vector.broadcast %jit3A : f32 to vector<400xf32>
    %select_n3A = arith.select %gt3A_6, %rsqrt3A, %broadcast_in_dim3A : vector<400xi1>, vector<400xf32>
    %slice3A_11 = vector.extract_strided_slice %squeeze3A {offsets = [0, 2], sizes = [400, 1], strides = [1, 1]} : vector<400x5xf32> to vector<400x1xf32>
    %squeeze3A_12 = vector.shape_cast %slice3A_11 : vector<400x1xf32> to vector<400xf32>
    %gt3A_13 = arith.constant 0.000000e+00 : f32
    %gt3A_14 = vector.broadcast %gt3A_13 : f32 to vector<400xf32>
    %gt3A_15 = arith.cmpf ogt, %squeeze3A_12, %gt3A_14 : vector<400xf32>
    %slice3A_16 = vector.extract_strided_slice %squeeze3A {offsets = [0, 2], sizes = [400, 1], strides = [1, 1]} : vector<400x5xf32> to vector<400x1xf32>
    %squeeze3A_17 = vector.shape_cast %slice3A_16 : vector<400x1xf32> to vector<400xf32>
    %max3A_18 = arith.constant 1.000000e+00 : f32
    %max3A_19 = vector.broadcast %max3A_18 : f32 to vector<400xf32>
    %max3A_20 = arith.maximumf %squeeze3A_17, %max3A_19 : vector<400xf32>
    %rsqrt3A_21 = math.rsqrt %max3A_20 : vector<400xf32>
    %jit3A_22 = arith.constant 0.000000e+00 : f32
    %broadcast_in_dim3A_23 = vector.broadcast %jit3A_22 : f32 to vector<400xf32>
    %select_n3A_24 = arith.select %gt3A_15, %rsqrt3A_21, %broadcast_in_dim3A_23 : vector<400xi1>, vector<400xf32>
    %get3A_25 = arith.constant 0 : index
    %get3A_26 = arith.constant 0 : index
    %get3A_27 = arith.constant 0 : index
    %get3A_28 = vector.load %arg1[%get3A_25, %get3A_26, %get3A_27] : memref<4x400x128xf32, #tpu.memory_space<vmem>>, vector<1x400x128xf32>
    %get3A_29 = vector.shape_cast %get3A_28 : vector<1x400x128xf32> to vector<400x128xf32>
    %get3A_30 = arith.constant 0 : index
    %get3A_31 = arith.constant 0 : index
    %get3A_32 = vector.load %arg5[%get3A_30, %get3A_31] : memref<128x128xf32, #tpu.memory_space<vmem>>, vector<128x128xf32>
    %transpose3A = tpu.transpose %get3A_32, [1, 0] : vector<128x128xf32> -> vector<128x128xf32>
    %dot_general3A = arith.constant dense<0.000000e+00> : vector<400x128xf32>
    %dot_general3A_33 = tpu.matmul %get3A_29, %transpose3A, %dot_general3A {dimension_numbers = #tpu.dot_dimension_numbers<[1], [0], [0], [1], [0, 0, 1, 1], [], []>, transpose_lhs_hint = false} : vector<400x128xf32>, vector<128x128xf32>, vector<400x128xf32> -> vector<400x128xf32>
    %get3A_34 = arith.constant 0 : index
    %get3A_35 = vector.load %arg6[%get3A_34] : memref<128xf32, #tpu.memory_space<vmem>>, vector<128xf32>
    %broadcast_in_dim3A_36 = vector.shape_cast %get3A_35 : vector<128xf32> to vector<1x128xf32>
    %add3A = vector.broadcast %broadcast_in_dim3A_36 : vector<1x128xf32> to vector<400x128xf32>
    %add3A_37 = arith.addf %dot_general3A_33, %add3A : vector<400x128xf32>
    %get3A_38 = arith.constant 0 : index
    %get3A_39 = arith.constant 0 : index
    %get3A_40 = arith.constant 0 : index
    %get3A_41 = vector.load %arg2[%get3A_38, %get3A_39, %get3A_40] : memref<4x400x128xf32, #tpu.memory_space<vmem>>, vector<1x400x128xf32>
    %get3A_42 = vector.shape_cast %get3A_41 : vector<1x400x128xf32> to vector<400x128xf32>
    %get3A_43 = arith.constant 0 : index
    %get3A_44 = arith.constant 0 : index
    %get3A_45 = vector.load %arg7[%get3A_43, %get3A_44] : memref<128x128xf32, #tpu.memory_space<vmem>>, vector<128x128xf32>
    %transpose3A_46 = tpu.transpose %get3A_45, [1, 0] : vector<128x128xf32> -> vector<128x128xf32>
    %dot_general3A_47 = arith.constant dense<0.000000e+00> : vector<400x128xf32>
    %dot_general3A_48 = tpu.matmul %get3A_42, %transpose3A_46, %dot_general3A_47 {dimension_numbers = #tpu.dot_dimension_numbers<[1], [0], [0], [1], [0, 0, 1, 1], [], []>, transpose_lhs_hint = false} : vector<400x128xf32>, vector<128x128xf32>, vector<400x128xf32> -> vector<400x128xf32>
    %get3A_49 = arith.constant 0 : index
    %get3A_50 = vector.load %arg8[%get3A_49] : memref<128xf32, #tpu.memory_space<vmem>>, vector<128xf32>
    %broadcast_in_dim3A_51 = vector.shape_cast %get3A_50 : vector<128xf32> to vector<1x128xf32>
    %add3A_52 = vector.broadcast %broadcast_in_dim3A_51 : vector<1x128xf32> to vector<400x128xf32>
    %add3A_53 = arith.addf %dot_general3A_48, %add3A_52 : vector<400x128xf32>
    %get3A_54 = arith.constant 0 : index
    %get3A_55 = arith.constant 0 : index
    %get3A_56 = arith.constant 0 : index
    %get3A_57 = vector.load %arg3[%get3A_54, %get3A_55, %get3A_56] : memref<4x400x128xf32, #tpu.memory_space<vmem>>, vector<1x400x128xf32>
    %get3A_58 = vector.shape_cast %get3A_57 : vector<1x400x128xf32> to vector<400x128xf32>
    %get3A_59 = arith.constant 0 : index
    %get3A_60 = arith.constant 0 : index
    %get3A_61 = vector.load %arg9[%get3A_59, %get3A_60] : memref<128x128xf32, #tpu.memory_space<vmem>>, vector<128x128xf32>
    %transpose3A_62 = tpu.transpose %get3A_61, [1, 0] : vector<128x128xf32> -> vector<128x128xf32>
    %dot_general3A_63 = arith.constant dense<0.000000e+00> : vector<400x128xf32>
    %dot_general3A_64 = tpu.matmul %get3A_58, %transpose3A_62, %dot_general3A_63 {dimension_numbers = #tpu.dot_dimension_numbers<[1], [0], [0], [1], [0, 0, 1, 1], [], []>, transpose_lhs_hint = false} : vector<400x128xf32>, vector<128x128xf32>, vector<400x128xf32> -> vector<400x128xf32>
    %get3A_65 = arith.constant 0 : index
    %get3A_66 = vector.load %arg10[%get3A_65] : memref<128xf32, #tpu.memory_space<vmem>>, vector<128xf32>
    %broadcast_in_dim3A_67 = vector.shape_cast %get3A_66 : vector<128xf32> to vector<1x128xf32>
    %add3A_68 = vector.broadcast %broadcast_in_dim3A_67 : vector<1x128xf32> to vector<400x128xf32>
    %add3A_69 = arith.addf %dot_general3A_64, %add3A_68 : vector<400x128xf32>
    %broadcast_in_dim3A_70 = vector.shape_cast %select_n3A : vector<400xf32> to vector<400x1xf32>
    %mul3A = vector.broadcast %broadcast_in_dim3A_70 : vector<400x1xf32> to vector<400x128xf32>
    %mul3A_71 = arith.mulf %add3A_37, %mul3A : vector<400x128xf32>
    %swap3A = arith.constant 0 : index
    %swap3A_72 = arith.constant 0 : index
    %swap3A_73 = arith.constant 0 : index
    %swap3A_74 = vector.load %arg11[%swap3A, %swap3A_72, %swap3A_73] : memref<16x400x128xf32, #tpu.memory_space<vmem>>, vector<1x400x128xf32>
    %swap3A_75 = vector.shape_cast %swap3A_74 : vector<1x400x128xf32> to vector<400x128xf32>
    %swap3A_76 = vector.shape_cast %mul3A_71 : vector<400x128xf32> to vector<1x400x128xf32>
    tpu.vector_store %arg11[%swap3A, %swap3A_72, %swap3A_73], %swap3A_76 {strides = array<i32>} : memref<16x400x128xf32, #tpu.memory_space<vmem>>, vector<1x400x128xf32>,
    %swap3A_77 = arith.constant 4 : index
    %swap3A_78 = arith.constant 0 : index
    %swap3A_79 = arith.constant 0 : index
    %swap3A_80 = vector.load %arg11[%swap3A_77, %swap3A_78, %swap3A_79] : memref<16x400x128xf32, #tpu.memory_space<vmem>>, vector<1x400x128xf32>
    %swap3A_81 = vector.shape_cast %swap3A_80 : vector<1x400x128xf32> to vector<400x128xf32>
    %swap3A_82 = vector.shape_cast %add3A_37 : vector<400x128xf32> to vector<1x400x128xf32>
    tpu.vector_store %arg11[%swap3A_77, %swap3A_78, %swap3A_79], %swap3A_82 {strides = array<i32>} : memref<16x400x128xf32, #tpu.memory_space<vmem>>, vector<1x400x128xf32>,
    %broadcast_in_dim3A_83 = vector.shape_cast %select_n3A_24 : vector<400xf32> to vector<400x1xf32>
    %mul3A_84 = vector.broadcast %broadcast_in_dim3A_83 : vector<400x1xf32> to vector<400x128xf32>
    %mul3A_85 = arith.mulf %add3A_53, %mul3A_84 : vector<400x128xf32>
    %swap3A_86 = arith.constant 8 : index
    %swap3A_87 = arith.constant 0 : index
    %swap3A_88 = arith.constant 0 : index
    %swap3A_89 = vector.load %arg11[%swap3A_86, %swap3A_87, %swap3A_88] : memref<16x400x128xf32, #tpu.memory_space<vmem>>, vector<1x400x128xf32>
    %swap3A_90 = vector.shape_cast %swap3A_89 : vector<1x400x128xf32> to vector<400x128xf32>
    %swap3A_91 = vector.shape_cast %mul3A_85 : vector<400x128xf32> to vector<1x400x128xf32>
    tpu.vector_store %arg11[%swap3A_86, %swap3A_87, %swap3A_88], %swap3A_91 {strides = array<i32>} : memref<16x400x128xf32, #tpu.memory_space<vmem>>, vector<1x400x128xf32>,
    %swap3A_92 = arith.constant 12 : index
    %swap3A_93 = arith.constant 0 : index
    %swap3A_94 = arith.constant 0 : index
    %swap3A_95 = vector.load %arg11[%swap3A_92, %swap3A_93, %swap3A_94] : memref<16x400x128xf32, #tpu.memory_space<vmem>>, vector<1x400x128xf32>
    %swap3A_96 = vector.shape_cast %swap3A_95 : vector<1x400x128xf32> to vector<400x128xf32>
    %swap3A_97 = vector.shape_cast %add3A_53 : vector<400x128xf32> to vector<1x400x128xf32>
    tpu.vector_store %arg11[%swap3A_92, %swap3A_93, %swap3A_94], %swap3A_97 {strides = array<i32>} : memref<16x400x128xf32, #tpu.memory_space<vmem>>, vector<1x400x128xf32>,
    %swap3A_98 = arith.constant 0 : index
    %swap3A_99 = arith.constant 0 : index
    %swap3A_100 = arith.constant 0 : index
    %swap3A_101 = vector.load %arg12[%swap3A_98, %swap3A_99, %swap3A_100] : memref<4x400x128xf32, #tpu.memory_space<vmem>>, vector<1x400x128xf32>
    %swap3A_102 = vector.shape_cast %swap3A_101 : vector<1x400x128xf32> to vector<400x128xf32>
    %swap3A_103 = vector.shape_cast %add3A_69 : vector<400x128xf32> to vector<1x400x128xf32>
    tpu.vector_store %arg12[%swap3A_98, %swap3A_99, %swap3A_100], %swap3A_103 {strides = array<i32>} : memref<4x400x128xf32, #tpu.memory_space<vmem>>, vector<1x400x128xf32>,
    %get3A_104 = arith.constant 1 : index
    %get3A_105 = arith.constant 0 : index
    %get3A_106 = arith.constant 0 : index
    %get3A_107 = vector.load %arg1[%get3A_104, %get3A_105, %get3A_106] : memref<4x400x128xf32, #tpu.memory_space<vmem>>, vector<1x400x128xf32>
    %get3A_108 = vector.shape_cast %get3A_107 : vector<1x400x128xf32> to vector<400x128xf32>
    %get3A_109 = arith.constant 0 : index
    %get3A_110 = arith.constant 0 : index
    %get3A_111 = vector.load %arg5[%get3A_109, %get3A_110] : memref<128x128xf32, #tpu.memory_space<vmem>>, vector<128x128xf32>
    %transpose3A_112 = tpu.transpose %get3A_111, [1, 0] : vector<128x128xf32> -> vector<128x128xf32>
    %dot_general3A_113 = arith.constant dense<0.000000e+00> : vector<400x128xf32>
    %dot_general3A_114 = tpu.matmul %get3A_108, %transpose3A_112, %dot_general3A_113 {dimension_numbers = #tpu.dot_dimension_numbers<[1], [0], [0], [1], [0, 0, 1, 1], [], []>, transpose_lhs_hint = false} : vector<400x128xf32>, vector<128x128xf32>, vector<400x128xf32> -> vector<400x128xf32>
    %get3A_115 = arith.constant 0 : index
    %get3A_116 = vector.load %arg6[%get3A_115] : memref<128xf32, #tpu.memory_space<vmem>>, vector<128xf32>
    %broadcast_in_dim3A_117 = vector.shape_cast %get3A_116 : vector<128xf32> to vector<1x128xf32>
    %add3A_118 = vector.broadcast %broadcast_in_dim3A_117 : vector<1x128xf32> to vector<400x128xf32>
    %add3A_119 = arith.addf %dot_general3A_114, %add3A_118 : vector<400x128xf32>
    %get3A_120 = arith.constant 1 : index
    %get3A_121 = arith.constant 0 : index
    %get3A_122 = arith.constant 0 : index
    %get3A_123 = vector.load %arg2[%get3A_120, %get3A_121, %get3A_122] : memref<4x400x128xf32, #tpu.memory_space<vmem>>, vector<1x400x128xf32>
    %get3A_124 = vector.shape_cast %get3A_123 : vector<1x400x128xf32> to vector<400x128xf32>
    %get3A_125 = arith.constant 0 : index
    %get3A_126 = arith.constant 0 : index
    %get3A_127 = vector.load %arg7[%get3A_125, %get3A_126] : memref<128x128xf32, #tpu.memory_space<vmem>>, vector<128x128xf32>
    %transpose3A_128 = tpu.transpose %get3A_127, [1, 0] : vector<128x128xf32> -> vector<128x128xf32>
    %dot_general3A_129 = arith.constant dense<0.000000e+00> : vector<400x128xf32>
    %dot_general3A_130 = tpu.matmul %get3A_124, %transpose3A_128, %dot_general3A_129 {dimension_numbers = #tpu.dot_dimension_numbers<[1], [0], [0], [1], [0, 0, 1, 1], [], []>, transpose_lhs_hint = false} : vector<400x128xf32>, vector<128x128xf32>, vector<400x128xf32> -> vector<400x128xf32>
    %get3A_131 = arith.constant 0 : index
    %get3A_132 = vector.load %arg8[%get3A_131] : memref<128xf32, #tpu.memory_space<vmem>>, vector<128xf32>
    %broadcast_in_dim3A_133 = vector.shape_cast %get3A_132 : vector<128xf32> to vector<1x128xf32>
    %add3A_134 = vector.broadcast %broadcast_in_dim3A_133 : vector<1x128xf32> to vector<400x128xf32>
    %add3A_135 = arith.addf %dot_general3A_130, %add3A_134 : vector<400x128xf32>
    %get3A_136 = arith.constant 1 : index
    %get3A_137 = arith.constant 0 : index
    %get3A_138 = arith.constant 0 : index
    %get3A_139 = vector.load %arg3[%get3A_136, %get3A_137, %get3A_138] : memref<4x400x128xf32, #tpu.memory_space<vmem>>, vector<1x400x128xf32>
    %get3A_140 = vector.shape_cast %get3A_139 : vector<1x400x128xf32> to vector<400x128xf32>
    %get3A_141 = arith.constant 0 : index
    %get3A_142 = arith.constant 0 : index
    %get3A_143 = vector.load %arg9[%get3A_141, %get3A_142] : memref<128x128xf32, #tpu.memory_space<vmem>>, vector<128x128xf32>
    %transpose3A_144 = tpu.transpose %get3A_143, [1, 0] : vector<128x128xf32> -> vector<128x128xf32>
    %dot_general3A_145 = arith.constant dense<0.000000e+00> : vector<400x128xf32>
    %dot_general3A_146 = tpu.matmul %get3A_140, %transpose3A_144, %dot_general3A_145 {dimension_numbers = #tpu.dot_dimension_numbers<[1], [0], [0], [1], [0, 0, 1, 1], [], []>, transpose_lhs_hint = false} : vector<400x128xf32>, vector<128x128xf32>, vector<400x128xf32> -> vector<400x128xf32>
    %get3A_147 = arith.constant 0 : index
    %get3A_148 = vector.load %arg10[%get3A_147] : memref<128xf32, #tpu.memory_space<vmem>>, vector<128xf32>
    %broadcast_in_dim3A_149 = vector.shape_cast %get3A_148 : vector<128xf32> to vector<1x128xf32>
    %add3A_150 = vector.broadcast %broadcast_in_dim3A_149 : vector<1x128xf32> to vector<400x128xf32>
    %add3A_151 = arith.addf %dot_general3A_146, %add3A_150 : vector<400x128xf32>
    %broadcast_in_dim3A_152 = vector.shape_cast %select_n3A : vector<400xf32> to vector<400x1xf32>
    %mul3A_153 = vector.broadcast %broadcast_in_dim3A_152 : vector<400x1xf32> to vector<400x128xf32>
    %mul3A_154 = arith.mulf %add3A_119, %mul3A_153 : vector<400x128xf32>
    %swap3A_155 = arith.constant 1 : index
    %swap3A_156 = arith.constant 0 : index
    %swap3A_157 = arith.constant 0 : index
    %swap3A_158 = vector.load %arg11[%swap3A_155, %swap3A_156, %swap3A_157] : memref<16x400x128xf32, #tpu.memory_space<vmem>>, vector<1x400x128xf32>
    %swap3A_159 = vector.shape_cast %swap3A_158 : vector<1x400x128xf32> to vector<400x128xf32>
    %swap3A_160 = vector.shape_cast %mul3A_154 : vector<400x128xf32> to vector<1x400x128xf32>
    tpu.vector_store %arg11[%swap3A_155, %swap3A_156, %swap3A_157], %swap3A_160 {strides = array<i32>} : memref<16x400x128xf32, #tpu.memory_space<vmem>>, vector<1x400x128xf32>,
    %swap3A_161 = arith.constant 5 : index
    %swap3A_162 = arith.constant 0 : index
    %swap3A_163 = arith.constant 0 : index
    %swap3A_164 = vector.load %arg11[%swap3A_161, %swap3A_162, %swap3A_163] : memref<16x400x128xf32, #tpu.memory_space<vmem>>, vector<1x400x128xf32>
    %swap3A_165 = vector.shape_cast %swap3A_164 : vector<1x400x128xf32> to vector<400x128xf32>
    %swap3A_166 = vector.shape_cast %add3A_119 : vector<400x128xf32> to vector<1x400x128xf32>
    tpu.vector_store %arg11[%swap3A_161, %swap3A_162, %swap3A_163], %swap3A_166 {strides = array<i32>} : memref<16x400x128xf32, #tpu.memory_space<vmem>>, vector<1x400x128xf32>,
    %broadcast_in_dim3A_167 = vector.shape_cast %select_n3A_24 : vector<400xf32> to vector<400x1xf32>
    %mul3A_168 = vector.broadcast %broadcast_in_dim3A_167 : vector<400x1xf32> to vector<400x128xf32>
    %mul3A_169 = arith.mulf %add3A_135, %mul3A_168 : vector<400x128xf32>
    %swap3A_170 = arith.constant 9 : index
    %swap3A_171 = arith.constant 0 : index
    %swap3A_172 = arith.constant 0 : index
    %swap3A_173 = vector.load %arg11[%swap3A_170, %swap3A_171, %swap3A_172] : memref<16x400x128xf32, #tpu.memory_space<vmem>>, vector<1x400x128xf32>
    %swap3A_174 = vector.shape_cast %swap3A_173 : vector<1x400x128xf32> to vector<400x128xf32>
    %swap3A_175 = vector.shape_cast %mul3A_169 : vector<400x128xf32> to vector<1x400x128xf32>
    tpu.vector_store %arg11[%swap3A_170, %swap3A_171, %swap3A_172], %swap3A_175 {strides = array<i32>} : memref<16x400x128xf32, #tpu.memory_space<vmem>>, vector<1x400x128xf32>,
    %swap3A_176 = arith.constant 13 : index
    %swap3A_177 = arith.constant 0 : index
    %swap3A_178 = arith.constant 0 : index
    %swap3A_179 = vector.load %arg11[%swap3A_176, %swap3A_177, %swap3A_178] : memref<16x400x128xf32, #tpu.memory_space<vmem>>, vector<1x400x128xf32>
    %swap3A_180 = vector.shape_cast %swap3A_179 : vector<1x400x128xf32> to vector<400x128xf32>
    %swap3A_181 = vector.shape_cast %add3A_135 : vector<400x128xf32> to vector<1x400x128xf32>
    tpu.vector_store %arg11[%swap3A_176, %swap3A_177, %swap3A_178], %swap3A_181 {strides = array<i32>} : memref<16x400x128xf32, #tpu.memory_space<vmem>>, vector<1x400x128xf32>,
    %swap3A_182 = arith.constant 1 : index
    %swap3A_183 = arith.constant 0 : index
    %swap3A_184 = arith.constant 0 : index
    %swap3A_185 = vector.load %arg12[%swap3A_182, %swap3A_183, %swap3A_184] : memref<4x400x128xf32, #tpu.memory_space<vmem>>, vector<1x400x128xf32>
    %swap3A_186 = vector.shape_cast %swap3A_185 : vector<1x400x128xf32> to vector<400x128xf32>
    %swap3A_187 = vector.shape_cast %add3A_151 : vector<400x128xf32> to vector<1x400x128xf32>
    tpu.vector_store %arg12[%swap3A_182, %swap3A_183, %swap3A_184], %swap3A_187 {strides = array<i32>} : memref<4x400x128xf32, #tpu.memory_space<vmem>>, vector<1x400x128xf32>,
    %get3A_188 = arith.constant 2 : index
    %get3A_189 = arith.constant 0 : index
    %get3A_190 = arith.constant 0 : index
    %get3A_191 = vector.load %arg1[%get3A_188, %get3A_189, %get3A_190] : memref<4x400x128xf32, #tpu.memory_space<vmem>>, vector<1x400x128xf32>
    %get3A_192 = vector.shape_cast %get3A_191 : vector<1x400x128xf32> to vector<400x128xf32>
    %get3A_193 = arith.constant 0 : index
    %get3A_194 = arith.constant 0 : index
    %get3A_195 = vector.load %arg5[%get3A_193, %get3A_194] : memref<128x128xf32, #tpu.memory_space<vmem>>, vector<128x128xf32>
    %transpose3A_196 = tpu.transpose %get3A_195, [1, 0] : vector<128x128xf32> -> vector<128x128xf32>
    %dot_general3A_197 = arith.constant dense<0.000000e+00> : vector<400x128xf32>
    %dot_general3A_198 = tpu.matmul %get3A_192, %transpose3A_196, %dot_general3A_197 {dimension_numbers = #tpu.dot_dimension_numbers<[1], [0], [0], [1], [0, 0, 1, 1], [], []>, transpose_lhs_hint = false} : vector<400x128xf32>, vector<128x128xf32>, vector<400x128xf32> -> vector<400x128xf32>
    %get3A_199 = arith.constant 0 : index
    %get3A_200 = vector.load %arg6[%get3A_199] : memref<128xf32, #tpu.memory_space<vmem>>, vector<128xf32>
    %broadcast_in_dim3A_201 = vector.shape_cast %get3A_200 : vector<128xf32> to vector<1x128xf32>
    %add3A_202 = vector.broadcast %broadcast_in_dim3A_201 : vector<1x128xf32> to vector<400x128xf32>
    %add3A_203 = arith.addf %dot_general3A_198, %add3A_202 : vector<400x128xf32>
    %get3A_204 = arith.constant 2 : index
    %get3A_205 = arith.constant 0 : index
    %get3A_206 = arith.constant 0 : index
    %get3A_207 = vector.load %arg2[%get3A_204, %get3A_205, %get3A_206] : memref<4x400x128xf32, #tpu.memory_space<vmem>>, vector<1x400x128xf32>
    %get3A_208 = vector.shape_cast %get3A_207 : vector<1x400x128xf32> to vector<400x128xf32>
    %get3A_209 = arith.constant 0 : index
    %get3A_210 = arith.constant 0 : index
    %get3A_211 = vector.load %arg7[%get3A_209, %get3A_210] : memref<128x128xf32, #tpu.memory_space<vmem>>, vector<128x128xf32>
    %transpose3A_212 = tpu.transpose %get3A_211, [1, 0] : vector<128x128xf32> -> vector<128x128xf32>
    %dot_general3A_213 = arith.constant dense<0.000000e+00> : vector<400x128xf32>
    %dot_general3A_214 = tpu.matmul %get3A_208, %transpose3A_212, %dot_general3A_213 {dimension_numbers = #tpu.dot_dimension_numbers<[1], [0], [0], [1], [0, 0, 1, 1], [], []>, transpose_lhs_hint = false} : vector<400x128xf32>, vector<128x128xf32>, vector<400x128xf32> -> vector<400x128xf32>
    %get3A_215 = arith.constant 0 : index
    %get3A_216 = vector.load %arg8[%get3A_215] : memref<128xf32, #tpu.memory_space<vmem>>, vector<128xf32>
    %broadcast_in_dim3A_217 = vector.shape_cast %get3A_216 : vector<128xf32> to vector<1x128xf32>
    %add3A_218 = vector.broadcast %broadcast_in_dim3A_217 : vector<1x128xf32> to vector<400x128xf32>
    %add3A_219 = arith.addf %dot_general3A_214, %add3A_218 : vector<400x128xf32>
    %get3A_220 = arith.constant 2 : index
    %get3A_221 = arith.constant 0 : index
    %get3A_222 = arith.constant 0 : index
    %get3A_223 = vector.load %arg3[%get3A_220, %get3A_221, %get3A_222] : memref<4x400x128xf32, #tpu.memory_space<vmem>>, vector<1x400x128xf32>
    %get3A_224 = vector.shape_cast %get3A_223 : vector<1x400x128xf32> to vector<400x128xf32>
    %get3A_225 = arith.constant 0 : index
    %get3A_226 = arith.constant 0 : index
    %get3A_227 = vector.load %arg9[%get3A_225, %get3A_226] : memref<128x128xf32, #tpu.memory_space<vmem>>, vector<128x128xf32>
    %transpose3A_228 = tpu.transpose %get3A_227, [1, 0] : vector<128x128xf32> -> vector<128x128xf32>
    %dot_general3A_229 = arith.constant dense<0.000000e+00> : vector<400x128xf32>
    %dot_general3A_230 = tpu.matmul %get3A_224, %transpose3A_228, %dot_general3A_229 {dimension_numbers = #tpu.dot_dimension_numbers<[1], [0], [0], [1], [0, 0, 1, 1], [], []>, transpose_lhs_hint = false} : vector<400x128xf32>, vector<128x128xf32>, vector<400x128xf32> -> vector<400x128xf32>
    %get3A_231 = arith.constant 0 : index
    %get3A_232 = vector.load %arg10[%get3A_231] : memref<128xf32, #tpu.memory_space<vmem>>, vector<128xf32>
    %broadcast_in_dim3A_233 = vector.shape_cast %get3A_232 : vector<128xf32> to vector<1x128xf32>
    %add3A_234 = vector.broadcast %broadcast_in_dim3A_233 : vector<1x128xf32> to vector<400x128xf32>
    %add3A_235 = arith.addf %dot_general3A_230, %add3A_234 : vector<400x128xf32>
    %broadcast_in_dim3A_236 = vector.shape_cast %select_n3A : vector<400xf32> to vector<400x1xf32>
    %mul3A_237 = vector.broadcast %broadcast_in_dim3A_236 : vector<400x1xf32> to vector<400x128xf32>
    %mul3A_238 = arith.mulf %add3A_203, %mul3A_237 : vector<400x128xf32>
    %swap3A_239 = arith.constant 2 : index
    %swap3A_240 = arith.constant 0 : index
    %swap3A_241 = arith.constant 0 : index
    %swap3A_242 = vector.load %arg11[%swap3A_239, %swap3A_240, %swap3A_241] : memref<16x400x128xf32, #tpu.memory_space<vmem>>, vector<1x400x128xf32>
    %swap3A_243 = vector.shape_cast %swap3A_242 : vector<1x400x128xf32> to vector<400x128xf32>
    %swap3A_244 = vector.shape_cast %mul3A_238 : vector<400x128xf32> to vector<1x400x128xf32>
    tpu.vector_store %arg11[%swap3A_239, %swap3A_240, %swap3A_241], %swap3A_244 {strides = array<i32>} : memref<16x400x128xf32, #tpu.memory_space<vmem>>, vector<1x400x128xf32>,
    %swap3A_245 = arith.constant 6 : index
    %swap3A_246 = arith.constant 0 : index
    %swap3A_247 = arith.constant 0 : index
    %swap3A_248 = vector.load %arg11[%swap3A_245, %swap3A_246, %swap3A_247] : memref<16x400x128xf32, #tpu.memory_space<vmem>>, vector<1x400x128xf32>
    %swap3A_249 = vector.shape_cast %swap3A_248 : vector<1x400x128xf32> to vector<400x128xf32>
    %swap3A_250 = vector.shape_cast %add3A_203 : vector<400x128xf32> to vector<1x400x128xf32>
    tpu.vector_store %arg11[%swap3A_245, %swap3A_246, %swap3A_247], %swap3A_250 {strides = array<i32>} : memref<16x400x128xf32, #tpu.memory_space<vmem>>, vector<1x400x128xf32>,
    %broadcast_in_dim3A_251 = vector.shape_cast %select_n3A_24 : vector<400xf32> to vector<400x1xf32>
    %mul3A_252 = vector.broadcast %broadcast_in_dim3A_251 : vector<400x1xf32> to vector<400x128xf32>
    %mul3A_253 = arith.mulf %add3A_219, %mul3A_252 : vector<400x128xf32>
    %swap3A_254 = arith.constant 10 : index
    %swap3A_255 = arith.constant 0 : index
    %swap3A_256 = arith.constant 0 : index
    %swap3A_257 = vector.load %arg11[%swap3A_254, %swap3A_255, %swap3A_256] : memref<16x400x128xf32, #tpu.memory_space<vmem>>, vector<1x400x128xf32>
    %swap3A_258 = vector.shape_cast %swap3A_257 : vector<1x400x128xf32> to vector<400x128xf32>
    %swap3A_259 = vector.shape_cast %mul3A_253 : vector<400x128xf32> to vector<1x400x128xf32>
    tpu.vector_store %arg11[%swap3A_254, %swap3A_255, %swap3A_256], %swap3A_259 {strides = array<i32>} : memref<16x400x128xf32, #tpu.memory_space<vmem>>, vector<1x400x128xf32>,
    %swap3A_260 = arith.constant 14 : index
    %swap3A_261 = arith.constant 0 : index
    %swap3A_262 = arith.constant 0 : index
    %swap3A_263 = vector.load %arg11[%swap3A_260, %swap3A_261, %swap3A_262] : memref<16x400x128xf32, #tpu.memory_space<vmem>>, vector<1x400x128xf32>
    %swap3A_264 = vector.shape_cast %swap3A_263 : vector<1x400x128xf32> to vector<400x128xf32>
    %swap3A_265 = vector.shape_cast %add3A_219 : vector<400x128xf32> to vector<1x400x128xf32>
    tpu.vector_store %arg11[%swap3A_260, %swap3A_261, %swap3A_262], %swap3A_265 {strides = array<i32>} : memref<16x400x128xf32, #tpu.memory_space<vmem>>, vector<1x400x128xf32>,
    %swap3A_266 = arith.constant 2 : index
    %swap3A_267 = arith.constant 0 : index
    %swap3A_268 = arith.constant 0 : index
    %swap3A_269 = vector.load %arg12[%swap3A_266, %swap3A_267, %swap3A_268] : memref<4x400x128xf32, #tpu.memory_space<vmem>>, vector<1x400x128xf32>
    %swap3A_270 = vector.shape_cast %swap3A_269 : vector<1x400x128xf32> to vector<400x128xf32>
    %swap3A_271 = vector.shape_cast %add3A_235 : vector<400x128xf32> to vector<1x400x128xf32>
    tpu.vector_store %arg12[%swap3A_266, %swap3A_267, %swap3A_268], %swap3A_271 {strides = array<i32>} : memref<4x400x128xf32, #tpu.memory_space<vmem>>, vector<1x400x128xf32>,
    %get3A_272 = arith.constant 3 : index
    %get3A_273 = arith.constant 0 : index
    %get3A_274 = arith.constant 0 : index
    %get3A_275 = vector.load %arg1[%get3A_272, %get3A_273, %get3A_274] : memref<4x400x128xf32, #tpu.memory_space<vmem>>, vector<1x400x128xf32>
    %get3A_276 = vector.shape_cast %get3A_275 : vector<1x400x128xf32> to vector<400x128xf32>
    %get3A_277 = arith.constant 0 : index
    %get3A_278 = arith.constant 0 : index
    %get3A_279 = vector.load %arg5[%get3A_277, %get3A_278] : memref<128x128xf32, #tpu.memory_space<vmem>>, vector<128x128xf32>
    %transpose3A_280 = tpu.transpose %get3A_279, [1, 0] : vector<128x128xf32> -> vector<128x128xf32>
    %dot_general3A_281 = arith.constant dense<0.000000e+00> : vector<400x128xf32>
    %dot_general3A_282 = tpu.matmul %get3A_276, %transpose3A_280, %dot_general3A_281 {dimension_numbers = #tpu.dot_dimension_numbers<[1], [0], [0], [1], [0, 0, 1, 1], [], []>, transpose_lhs_hint = false} : vector<400x128xf32>, vector<128x128xf32>, vector<400x128xf32> -> vector<400x128xf32>
    %get3A_283 = arith.constant 0 : index
    %get3A_284 = vector.load %arg6[%get3A_283] : memref<128xf32, #tpu.memory_space<vmem>>, vector<128xf32>
    %broadcast_in_dim3A_285 = vector.shape_cast %get3A_284 : vector<128xf32> to vector<1x128xf32>
    %add3A_286 = vector.broadcast %broadcast_in_dim3A_285 : vector<1x128xf32> to vector<400x128xf32>
    %add3A_287 = arith.addf %dot_general3A_282, %add3A_286 : vector<400x128xf32>
    %get3A_288 = arith.constant 3 : index
    %get3A_289 = arith.constant 0 : index
    %get3A_290 = arith.constant 0 : index
    %get3A_291 = vector.load %arg2[%get3A_288, %get3A_289, %get3A_290] : memref<4x400x128xf32, #tpu.memory_space<vmem>>, vector<1x400x128xf32>
    %get3A_292 = vector.shape_cast %get3A_291 : vector<1x400x128xf32> to vector<400x128xf32>
    %get3A_293 = arith.constant 0 : index
    %get3A_294 = arith.constant 0 : index
    %get3A_295 = vector.load %arg7[%get3A_293, %get3A_294] : memref<128x128xf32, #tpu.memory_space<vmem>>, vector<128x128xf32>
    %transpose3A_296 = tpu.transpose %get3A_295, [1, 0] : vector<128x128xf32> -> vector<128x128xf32>
    %dot_general3A_297 = arith.constant dense<0.000000e+00> : vector<400x128xf32>
    %dot_general3A_298 = tpu.matmul %get3A_292, %transpose3A_296, %dot_general3A_297 {dimension_numbers = #tpu.dot_dimension_numbers<[1], [0], [0], [1], [0, 0, 1, 1], [], []>, transpose_lhs_hint = false} : vector<400x128xf32>, vector<128x128xf32>, vector<400x128xf32> -> vector<400x128xf32>
    %get3A_299 = arith.constant 0 : index
    %get3A_300 = vector.load %arg8[%get3A_299] : memref<128xf32, #tpu.memory_space<vmem>>, vector<128xf32>
    %broadcast_in_dim3A_301 = vector.shape_cast %get3A_300 : vector<128xf32> to vector<1x128xf32>
    %add3A_302 = vector.broadcast %broadcast_in_dim3A_301 : vector<1x128xf32> to vector<400x128xf32>
    %add3A_303 = arith.addf %dot_general3A_298, %add3A_302 : vector<400x128xf32>
    %get3A_304 = arith.constant 3 : index
    %get3A_305 = arith.constant 0 : index
    %get3A_306 = arith.constant 0 : index
    %get3A_307 = vector.load %arg3[%get3A_304, %get3A_305, %get3A_306] : memref<4x400x128xf32, #tpu.memory_space<vmem>>, vector<1x400x128xf32>
    %get3A_308 = vector.shape_cast %get3A_307 : vector<1x400x128xf32> to vector<400x128xf32>
    %get3A_309 = arith.constant 0 : index
    %get3A_310 = arith.constant 0 : index
    %get3A_311 = vector.load %arg9[%get3A_309, %get3A_310] : memref<128x128xf32, #tpu.memory_space<vmem>>, vector<128x128xf32>
    %transpose3A_312 = tpu.transpose %get3A_311, [1, 0] : vector<128x128xf32> -> vector<128x128xf32>
    %dot_general3A_313 = arith.constant dense<0.000000e+00> : vector<400x128xf32>
    %dot_general3A_314 = tpu.matmul %get3A_308, %transpose3A_312, %dot_general3A_313 {dimension_numbers = #tpu.dot_dimension_numbers<[1], [0], [0], [1], [0, 0, 1, 1], [], []>, transpose_lhs_hint = false} : vector<400x128xf32>, vector<128x128xf32>, vector<400x128xf32> -> vector<400x128xf32>
    %get3A_315 = arith.constant 0 : index
    %get3A_316 = vector.load %arg10[%get3A_315] : memref<128xf32, #tpu.memory_space<vmem>>, vector<128xf32>
    %broadcast_in_dim3A_317 = vector.shape_cast %get3A_316 : vector<128xf32> to vector<1x128xf32>
    %add3A_318 = vector.broadcast %broadcast_in_dim3A_317 : vector<1x128xf32> to vector<400x128xf32>
    %add3A_319 = arith.addf %dot_general3A_314, %add3A_318 : vector<400x128xf32>
    %broadcast_in_dim3A_320 = vector.shape_cast %select_n3A : vector<400xf32> to vector<400x1xf32>
    %mul3A_321 = vector.broadcast %broadcast_in_dim3A_320 : vector<400x1xf32> to vector<400x128xf32>
    %mul3A_322 = arith.mulf %add3A_287, %mul3A_321 : vector<400x128xf32>
    %swap3A_323 = arith.constant 3 : index
    %swap3A_324 = arith.constant 0 : index
    %swap3A_325 = arith.constant 0 : index
    %swap3A_326 = vector.load %arg11[%swap3A_323, %swap3A_324, %swap3A_325] : memref<16x400x128xf32, #tpu.memory_space<vmem>>, vector<1x400x128xf32>
    %swap3A_327 = vector.shape_cast %swap3A_326 : vector<1x400x128xf32> to vector<400x128xf32>
    %swap3A_328 = vector.shape_cast %mul3A_322 : vector<400x128xf32> to vector<1x400x128xf32>
    tpu.vector_store %arg11[%swap3A_323, %swap3A_324, %swap3A_325], %swap3A_328 {strides = array<i32>} : memref<16x400x128xf32, #tpu.memory_space<vmem>>, vector<1x400x128xf32>,
    %swap3A_329 = arith.constant 7 : index
    %swap3A_330 = arith.constant 0 : index
    %swap3A_331 = arith.constant 0 : index
    %swap3A_332 = vector.load %arg11[%swap3A_329, %swap3A_330, %swap3A_331] : memref<16x400x128xf32, #tpu.memory_space<vmem>>, vector<1x400x128xf32>
    %swap3A_333 = vector.shape_cast %swap3A_332 : vector<1x400x128xf32> to vector<400x128xf32>
    %swap3A_334 = vector.shape_cast %add3A_287 : vector<400x128xf32> to vector<1x400x128xf32>
    tpu.vector_store %arg11[%swap3A_329, %swap3A_330, %swap3A_331], %swap3A_334 {strides = array<i32>} : memref<16x400x128xf32, #tpu.memory_space<vmem>>, vector<1x400x128xf32>,
    %broadcast_in_dim3A_335 = vector.shape_cast %select_n3A_24 : vector<400xf32> to vector<400x1xf32>
    %mul3A_336 = vector.broadcast %broadcast_in_dim3A_335 : vector<400x1xf32> to vector<400x128xf32>
    %mul3A_337 = arith.mulf %add3A_303, %mul3A_336 : vector<400x128xf32>
    %swap3A_338 = arith.constant 11 : index
    %swap3A_339 = arith.constant 0 : index
    %swap3A_340 = arith.constant 0 : index
    %swap3A_341 = vector.load %arg11[%swap3A_338, %swap3A_339, %swap3A_340] : memref<16x400x128xf32, #tpu.memory_space<vmem>>, vector<1x400x128xf32>
    %swap3A_342 = vector.shape_cast %swap3A_341 : vector<1x400x128xf32> to vector<400x128xf32>
    %swap3A_343 = vector.shape_cast %mul3A_337 : vector<400x128xf32> to vector<1x400x128xf32>
    tpu.vector_store %arg11[%swap3A_338, %swap3A_339, %swap3A_340], %swap3A_343 {strides = array<i32>} : memref<16x400x128xf32, #tpu.memory_space<vmem>>, vector<1x400x128xf32>,
    %swap3A_344 = arith.constant 15 : index
    %swap3A_345 = arith.constant 0 : index
    %swap3A_346 = arith.constant 0 : index
    %swap3A_347 = vector.load %arg11[%swap3A_344, %swap3A_345, %swap3A_346] : memref<16x400x128xf32, #tpu.memory_space<vmem>>, vector<1x400x128xf32>
    %swap3A_348 = vector.shape_cast %swap3A_347 : vector<1x400x128xf32> to vector<400x128xf32>
    %swap3A_349 = vector.shape_cast %add3A_303 : vector<400x128xf32> to vector<1x400x128xf32>
    tpu.vector_store %arg11[%swap3A_344, %swap3A_345, %swap3A_346], %swap3A_349 {strides = array<i32>} : memref<16x400x128xf32, #tpu.memory_space<vmem>>, vector<1x400x128xf32>,
    %swap3A_350 = arith.constant 3 : index
    %swap3A_351 = arith.constant 0 : index
    %swap3A_352 = arith.constant 0 : index
    %swap3A_353 = vector.load %arg12[%swap3A_350, %swap3A_351, %swap3A_352] : memref<4x400x128xf32, #tpu.memory_space<vmem>>, vector<1x400x128xf32>
    %swap3A_354 = vector.shape_cast %swap3A_353 : vector<1x400x128xf32> to vector<400x128xf32>
    %swap3A_355 = vector.shape_cast %add3A_319 : vector<400x128xf32> to vector<1x400x128xf32>
    tpu.vector_store %arg12[%swap3A_350, %swap3A_351, %swap3A_352], %swap3A_355 {strides = array<i32>} : memref<4x400x128xf32, #tpu.memory_space<vmem>>, vector<1x400x128xf32>,
    return
  }
  func.func @transform_0(%arg0: i32) -> (i32, i32, i32) {
    %c0_i32 = arith.constant 0 : i32
    %c0_i32_0 = arith.constant 0 : i32
    %c0_i32_1 = arith.constant 0 : i32
    return %c0_i32, %arg0, %c0_i32_0 : i32, i32, i32
  }
  func.func @transform_1(%arg0: i32) -> (i32, i32, i32) {
    %c0_i32 = arith.constant 0 : i32
    %c0_i32_0 = arith.constant 0 : i32
    %c0_i32_1 = arith.constant 0 : i32
    return %c0_i32, %arg0, %c0_i32_0 : i32, i32, i32
  }
  func.func @transform_2(%arg0: i32) -> (i32, i32, i32) {
    %c0_i32 = arith.constant 0 : i32
    %c0_i32_0 = arith.constant 0 : i32
    %c0_i32_1 = arith.constant 0 : i32
    return %c0_i32, %arg0, %c0_i32_0 : i32, i32, i32
  }
  func.func @transform_3(%arg0: i32) -> (i32, i32, i32) {
    %c0_i32 = arith.constant 0 : i32
    %c0_i32_0 = arith.constant 0 : i32
    %c0_i32_1 = arith.constant 0 : i32
    return %arg0, %c0_i32, %c0_i32_0 : i32, i32, i32
  }
  func.func @transform_4(%arg0: i32) -> (i32, i32) {
    %c0_i32 = arith.constant 0 : i32
    %c0_i32_0 = arith.constant 0 : i32
    %c0_i32_1 = arith.constant 0 : i32
    return %c0_i32, %c0_i32_0 : i32, i32
  }
  func.func @transform_5(%arg0: i32) -> i32 {
    %c0_i32 = arith.constant 0 : i32
    %c0_i32_0 = arith.constant 0 : i32
    return %c0_i32 : i32
  }
  func.func @transform_6(%arg0: i32) -> (i32, i32) {
    %c0_i32 = arith.constant 0 : i32
    %c0_i32_0 = arith.constant 0 : i32
    %c0_i32_1 = arith.constant 0 : i32
    return %c0_i32, %c0_i32_0 : i32, i32
  }
  func.func @transform_7(%arg0: i32) -> i32 {
    %c0_i32 = arith.constant 0 : i32
    %c0_i32_0 = arith.constant 0 : i32
    return %c0_i32 : i32
  }
  func.func @transform_8(%arg0: i32) -> (i32, i32) {
    %c0_i32 = arith.constant 0 : i32
    %c0_i32_0 = arith.constant 0 : i32
    %c0_i32_1 = arith.constant 0 : i32
    return %c0_i32, %c0_i32_0 : i32, i32
  }
  func.func @transform_9(%arg0: i32) -> i32 {
    %c0_i32 = arith.constant 0 : i32
    %c0_i32_0 = arith.constant 0 : i32
    return %c0_i32 : i32
  }
  func.func @transform_10(%arg0: i32) -> (i32, i32, i32) {
    %c0_i32 = arith.constant 0 : i32
    %c0_i32_0 = arith.constant 0 : i32
    %c0_i32_1 = arith.constant 0 : i32
    return %c0_i32, %arg0, %c0_i32_0 : i32, i32, i32
  }
  func.func @transform_11(%arg0: i32) -> (i32, i32, i32) {
    %c0_i32 = arith.constant 0 : i32
    %c0_i32_0 = arith.constant 0 : i32
    %c0_i32_1 = arith.constant 0 : i32
    return %c0_i32, %arg0, %c0_i32_0 : i32, i32, i32
  }
}

module attributes {stable_mosaic.version = 14 : i64} {
  func.func @_post_body(%arg0: i32, %arg1: memref<20x400x128xf32, #tpu.memory_space<vmem>>, %arg2: memref<16x400x128xf32, #tpu.memory_space<vmem>>, %arg3: memref<4x400x128xf32, #tpu.memory_space<vmem>>, %arg4: memref<400x5x16xf32, #tpu.memory_space<vmem>>, %arg5: memref<128x128xf32, #tpu.memory_space<vmem>>, %arg6: memref<128xf32, #tpu.memory_space<vmem>>, %arg7: memref<128x128xf32, #tpu.memory_space<vmem>>, %arg8: memref<128xf32, #tpu.memory_space<vmem>>, %arg9: memref<128x128xf32, #tpu.memory_space<vmem>>, %arg10: memref<128xf32, #tpu.memory_space<vmem>>, %arg11: memref<128x128xf32, #tpu.memory_space<vmem>>, %arg12: memref<128x128xf32, #tpu.memory_space<vmem>>, %arg13: memref<128xf32, #tpu.memory_space<vmem>>, %arg14: memref<128x128xf32, #tpu.memory_space<vmem>>, %arg15: memref<128x128xf32, #tpu.memory_space<vmem>>, %arg16: memref<128xf32, #tpu.memory_space<vmem>>, %arg17: memref<128x128xf32, #tpu.memory_space<vmem>>, %arg18: memref<384x128xf32, #tpu.memory_space<vmem>>, %arg19: memref<384x128xf32, #tpu.memory_space<vmem>>, %arg20: memref<384xf32, #tpu.memory_space<vmem>>, %arg21: memref<384xf32, #tpu.memory_space<vmem>>, %arg22: memref<128x384xf32, #tpu.memory_space<vmem>>, %arg23: memref<128xf32, #tpu.memory_space<vmem>>, %arg24: memref<128xf32, #tpu.memory_space<vmem>>, %arg25: memref<3x128xf32, #tpu.memory_space<vmem>>) attributes {dimension_semantics = [#tpu.dimension_semantics<arbitrary>], iteration_bounds = array<i64: 25>, scalar_prefetch = 0 : i64, scratch_operands = 1 : i64, tpu.core_type = #tpu.core_type<tc>, window_params = [{transform_indices = @transform_0, window_bounds = array<i64: 20, 400, 128>}, {transform_indices = @transform_1, window_bounds = array<i64: 16, 400, 128>}, {transform_indices = @transform_2, window_bounds = array<i64: 4, 400, 128>}, {transform_indices = @transform_3, window_bounds = array<i64: 400, 5, 16>}, {pipeline_mode = #tpu.pipeline_mode<synchronous>, transform_indices = @transform_4, window_bounds = array<i64: 128, 128>}, {pipeline_mode = #tpu.pipeline_mode<synchronous>, transform_indices = @transform_5, window_bounds = array<i64: 128>}, {pipeline_mode = #tpu.pipeline_mode<synchronous>, transform_indices = @transform_6, window_bounds = array<i64: 128, 128>}, {pipeline_mode = #tpu.pipeline_mode<synchronous>, transform_indices = @transform_7, window_bounds = array<i64: 128>}, {pipeline_mode = #tpu.pipeline_mode<synchronous>, transform_indices = @transform_8, window_bounds = array<i64: 128, 128>}, {pipeline_mode = #tpu.pipeline_mode<synchronous>, transform_indices = @transform_9, window_bounds = array<i64: 128>}, {pipeline_mode = #tpu.pipeline_mode<synchronous>, transform_indices = @transform_10, window_bounds = array<i64: 128, 128>}, {pipeline_mode = #tpu.pipeline_mode<synchronous>, transform_indices = @transform_11, window_bounds = array<i64: 128, 128>}, {pipeline_mode = #tpu.pipeline_mode<synchronous>, transform_indices = @transform_12, window_bounds = array<i64: 128>}, {pipeline_mode = #tpu.pipeline_mode<synchronous>, transform_indices = @transform_13, window_bounds = array<i64: 128, 128>}, {pipeline_mode = #tpu.pipeline_mode<synchronous>, transform_indices = @transform_14, window_bounds = array<i64: 128, 128>}, {pipeline_mode = #tpu.pipeline_mode<synchronous>, transform_indices = @transform_15, window_bounds = array<i64: 128>}, {pipeline_mode = #tpu.pipeline_mode<synchronous>, transform_indices = @transform_16, window_bounds = array<i64: 128, 128>}, {pipeline_mode = #tpu.pipeline_mode<synchronous>, transform_indices = @transform_17, window_bounds = array<i64: 384, 128>}, {pipeline_mode = #tpu.pipeline_mode<synchronous>, transform_indices = @transform_18, window_bounds = array<i64: 384, 128>}, {pipeline_mode = #tpu.pipeline_mode<synchronous>, transform_indices = @transform_19, window_bounds = array<i64: 384>}, {pipeline_mode = #tpu.pipeline_mode<synchronous>, transform_indices = @transform_20, window_bounds = array<i64: 384>}, {pipeline_mode = #tpu.pipeline_mode<synchronous>, transform_indices = @transform_21, window_bounds = array<i64: 128, 384>}, {pipeline_mode = #tpu.pipeline_mode<synchronous>, transform_indices = @transform_22, window_bounds = array<i64: 128>}, {pipeline_mode = #tpu.pipeline_mode<synchronous>, transform_indices = @transform_23, window_bounds = array<i64: 128>}]} {
    %eq3A = arith.constant 0 : i32
    %eq3A_0 = arith.cmpi eq, %arg0, %eq3A : i32
    %convert_element_type3A = arith.extui %eq3A_0 : i1 to i32
    %cond3A = arith.constant 0 : i32
    %cond3A_1 = arith.cmpi ne, %convert_element_type3A, %cond3A : i32
    scf.if %cond3A_1 {
      %broadcast_in_dim3A_1212 = arith.constant 0.000000e+00 : f32
      %broadcast_in_dim3A_1213 = vector.broadcast %broadcast_in_dim3A_1212 : f32 to vector<3x128xf32>
      %swap3A_1214 = arith.constant 0 : index
      %swap3A_1215 = arith.constant 0 : index
      %swap3A_1216 = vector.load %arg25[%swap3A_1214, %swap3A_1215] : memref<3x128xf32, #tpu.memory_space<vmem>>, vector<3x128xf32>
      tpu.vector_store %arg25[%swap3A_1214, %swap3A_1215], %broadcast_in_dim3A_1213 {strides = array<i32>} : memref<3x128xf32, #tpu.memory_space<vmem>>, vector<3x128xf32>,
    } else {
    }
    %get3A = arith.constant 0 : index
    %get3A_2 = arith.constant 0 : index
    %get3A_3 = arith.constant 0 : index
    %get3A_4 = vector.load %arg4[%get3A, %get3A_2, %get3A_3] : memref<400x5x16xf32, #tpu.memory_space<vmem>>, vector<400x5x16xf32>
    %slice3A = vector.extract_strided_slice %get3A_4 {offsets = [0, 0, 0], sizes = [400, 5, 1], strides = [1, 1, 1]} : vector<400x5x16xf32> to vector<400x5x1xf32>
    %squeeze3A = vector.shape_cast %slice3A : vector<400x5x1xf32> to vector<400x5xf32>
    %slice3A_5 = vector.extract_strided_slice %squeeze3A {offsets = [0, 0], sizes = [400, 1], strides = [1, 1]} : vector<400x5xf32> to vector<400x1xf32>
    %squeeze3A_6 = vector.shape_cast %slice3A_5 : vector<400x1xf32> to vector<400xf32>
    %gt3A = arith.constant 0.000000e+00 : f32
    %gt3A_7 = vector.broadcast %gt3A : f32 to vector<400xf32>
    %gt3A_8 = arith.cmpf ogt, %squeeze3A_6, %gt3A_7 : vector<400xf32>
    %slice3A_9 = vector.extract_strided_slice %squeeze3A {offsets = [0, 0], sizes = [400, 1], strides = [1, 1]} : vector<400x5xf32> to vector<400x1xf32>
    %squeeze3A_10 = vector.shape_cast %slice3A_9 : vector<400x1xf32> to vector<400xf32>
    %max3A = arith.constant 1.000000e+00 : f32
    %max3A_11 = vector.broadcast %max3A : f32 to vector<400xf32>
    %max3A_12 = arith.maximumf %squeeze3A_10, %max3A_11 : vector<400xf32>
    %rsqrt3A = math.rsqrt %max3A_12 : vector<400xf32>
    %jit3A = arith.constant 0.000000e+00 : f32
    %broadcast_in_dim3A = vector.broadcast %jit3A : f32 to vector<400xf32>
    %select_n3A = arith.select %gt3A_8, %rsqrt3A, %broadcast_in_dim3A : vector<400xi1>, vector<400xf32>
    %slice3A_13 = vector.extract_strided_slice %squeeze3A {offsets = [0, 1], sizes = [400, 1], strides = [1, 1]} : vector<400x5xf32> to vector<400x1xf32>
    %squeeze3A_14 = vector.shape_cast %slice3A_13 : vector<400x1xf32> to vector<400xf32>
    %max3A_15 = arith.constant 1.000000e+00 : f32
    %max3A_16 = vector.broadcast %max3A_15 : f32 to vector<400xf32>
    %max3A_17 = arith.maximumf %squeeze3A_14, %max3A_16 : vector<400xf32>
    %div3A = arith.constant 1.000000e+00 : f32
    %div3A_18 = vector.broadcast %div3A : f32 to vector<400xf32>
    %div3A_19 = arith.divf %div3A_18, %max3A_17 : vector<400xf32>
    %slice3A_20 = vector.extract_strided_slice %squeeze3A {offsets = [0, 2], sizes = [400, 1], strides = [1, 1]} : vector<400x5xf32> to vector<400x1xf32>
    %squeeze3A_21 = vector.shape_cast %slice3A_20 : vector<400x1xf32> to vector<400xf32>
    %gt3A_22 = arith.constant 0.000000e+00 : f32
    %gt3A_23 = vector.broadcast %gt3A_22 : f32 to vector<400xf32>
    %gt3A_24 = arith.cmpf ogt, %squeeze3A_21, %gt3A_23 : vector<400xf32>
    %slice3A_25 = vector.extract_strided_slice %squeeze3A {offsets = [0, 2], sizes = [400, 1], strides = [1, 1]} : vector<400x5xf32> to vector<400x1xf32>
    %squeeze3A_26 = vector.shape_cast %slice3A_25 : vector<400x1xf32> to vector<400xf32>
    %max3A_27 = arith.constant 1.000000e+00 : f32
    %max3A_28 = vector.broadcast %max3A_27 : f32 to vector<400xf32>
    %max3A_29 = arith.maximumf %squeeze3A_26, %max3A_28 : vector<400xf32>
    %rsqrt3A_30 = math.rsqrt %max3A_29 : vector<400xf32>
    %jit3A_31 = arith.constant 0.000000e+00 : f32
    %broadcast_in_dim3A_32 = vector.broadcast %jit3A_31 : f32 to vector<400xf32>
    %select_n3A_33 = arith.select %gt3A_24, %rsqrt3A_30, %broadcast_in_dim3A_32 : vector<400xi1>, vector<400xf32>
    %slice3A_34 = vector.extract_strided_slice %squeeze3A {offsets = [0, 3], sizes = [400, 1], strides = [1, 1]} : vector<400x5xf32> to vector<400x1xf32>
    %squeeze3A_35 = vector.shape_cast %slice3A_34 : vector<400x1xf32> to vector<400xf32>
    %max3A_36 = arith.constant 1.000000e+00 : f32
    %max3A_37 = vector.broadcast %max3A_36 : f32 to vector<400xf32>
    %max3A_38 = arith.maximumf %squeeze3A_35, %max3A_37 : vector<400xf32>
    %div3A_39 = arith.constant 1.000000e+00 : f32
    %div3A_40 = vector.broadcast %div3A_39 : f32 to vector<400xf32>
    %div3A_41 = arith.divf %div3A_40, %max3A_38 : vector<400xf32>
    %slice3A_42 = vector.extract_strided_slice %squeeze3A {offsets = [0, 4], sizes = [400, 1], strides = [1, 1]} : vector<400x5xf32> to vector<400x1xf32>
    %squeeze3A_43 = vector.shape_cast %slice3A_42 : vector<400x1xf32> to vector<400xf32>
    %max3A_44 = arith.constant 1.000000e+00 : f32
    %max3A_45 = vector.broadcast %max3A_44 : f32 to vector<400xf32>
    %max3A_46 = arith.maximumf %squeeze3A_43, %max3A_45 : vector<400xf32>
    %div3A_47 = arith.constant 1.000000e+00 : f32
    %div3A_48 = vector.broadcast %div3A_47 : f32 to vector<400xf32>
    %div3A_49 = arith.divf %div3A_48, %max3A_46 : vector<400xf32>
    %get3A_50 = arith.constant 0 : index
    %get3A_51 = arith.constant 0 : index
    %get3A_52 = arith.constant 0 : index
    %get3A_53 = vector.load %arg1[%get3A_50, %get3A_51, %get3A_52] : memref<20x400x128xf32, #tpu.memory_space<vmem>>, vector<1x400x128xf32>
    %get3A_54 = vector.shape_cast %get3A_53 : vector<1x400x128xf32> to vector<400x128xf32>
    %broadcast_in_dim3A_55 = vector.shape_cast %select_n3A : vector<400xf32> to vector<400x1xf32>
    %mul3A = vector.broadcast %broadcast_in_dim3A_55 : vector<400x1xf32> to vector<400x128xf32>
    %mul3A_56 = arith.mulf %get3A_54, %mul3A : vector<400x128xf32>
    %get3A_57 = arith.constant 0 : index
    %get3A_58 = arith.constant 0 : index
    %get3A_59 = vector.load %arg5[%get3A_57, %get3A_58] : memref<128x128xf32, #tpu.memory_space<vmem>>, vector<128x128xf32>
    %transpose3A = tpu.transpose %get3A_59, [1, 0] : vector<128x128xf32> -> vector<128x128xf32>
    %dot_general3A = arith.constant dense<0.000000e+00> : vector<400x128xf32>
    %dot_general3A_60 = tpu.matmul %mul3A_56, %transpose3A, %dot_general3A {dimension_numbers = #tpu.dot_dimension_numbers<[1], [0], [0], [1], [0, 0, 1, 1], [], []>, transpose_lhs_hint = false} : vector<400x128xf32>, vector<128x128xf32>, vector<400x128xf32> -> vector<400x128xf32>
    %get3A_61 = arith.constant 0 : index
    %get3A_62 = vector.load %arg6[%get3A_61] : memref<128xf32, #tpu.memory_space<vmem>>, vector<128xf32>
    %broadcast_in_dim3A_63 = vector.shape_cast %get3A_62 : vector<128xf32> to vector<1x128xf32>
    %add3A = vector.broadcast %broadcast_in_dim3A_63 : vector<1x128xf32> to vector<400x128xf32>
    %add3A_64 = arith.addf %dot_general3A_60, %add3A : vector<400x128xf32>
    %get3A_65 = arith.constant 4 : index
    %get3A_66 = arith.constant 0 : index
    %get3A_67 = arith.constant 0 : index
    %get3A_68 = vector.load %arg1[%get3A_65, %get3A_66, %get3A_67] : memref<20x400x128xf32, #tpu.memory_space<vmem>>, vector<1x400x128xf32>
    %get3A_69 = vector.shape_cast %get3A_68 : vector<1x400x128xf32> to vector<400x128xf32>
    %broadcast_in_dim3A_70 = vector.shape_cast %div3A_19 : vector<400xf32> to vector<400x1xf32>
    %mul3A_71 = vector.broadcast %broadcast_in_dim3A_70 : vector<400x1xf32> to vector<400x128xf32>
    %mul3A_72 = arith.mulf %get3A_69, %mul3A_71 : vector<400x128xf32>
    %get3A_73 = arith.constant 0 : index
    %get3A_74 = arith.constant 0 : index
    %get3A_75 = vector.load %arg9[%get3A_73, %get3A_74] : memref<128x128xf32, #tpu.memory_space<vmem>>, vector<128x128xf32>
    %transpose3A_76 = tpu.transpose %get3A_75, [1, 0] : vector<128x128xf32> -> vector<128x128xf32>
    %dot_general3A_77 = arith.constant dense<0.000000e+00> : vector<400x128xf32>
    %dot_general3A_78 = tpu.matmul %mul3A_72, %transpose3A_76, %dot_general3A_77 {dimension_numbers = #tpu.dot_dimension_numbers<[1], [0], [0], [1], [0, 0, 1, 1], [], []>, transpose_lhs_hint = false} : vector<400x128xf32>, vector<128x128xf32>, vector<400x128xf32> -> vector<400x128xf32>
    %get3A_79 = arith.constant 0 : index
    %get3A_80 = vector.load %arg10[%get3A_79] : memref<128xf32, #tpu.memory_space<vmem>>, vector<128xf32>
    %broadcast_in_dim3A_81 = vector.shape_cast %get3A_80 : vector<128xf32> to vector<1x128xf32>
    %add3A_82 = vector.broadcast %broadcast_in_dim3A_81 : vector<1x128xf32> to vector<400x128xf32>
    %add3A_83 = arith.addf %dot_general3A_78, %add3A_82 : vector<400x128xf32>
    %get3A_84 = arith.constant 12 : index
    %get3A_85 = arith.constant 0 : index
    %get3A_86 = arith.constant 0 : index
    %get3A_87 = vector.load %arg2[%get3A_84, %get3A_85, %get3A_86] : memref<16x400x128xf32, #tpu.memory_space<vmem>>, vector<1x400x128xf32>
    %get3A_88 = vector.shape_cast %get3A_87 : vector<1x400x128xf32> to vector<400x128xf32>
    %get3A_89 = arith.constant 0 : index
    %get3A_90 = arith.constant 0 : index
    %get3A_91 = vector.load %arg11[%get3A_89, %get3A_90] : memref<128x128xf32, #tpu.memory_space<vmem>>, vector<128x128xf32>
    %transpose3A_92 = tpu.transpose %get3A_91, [1, 0] : vector<128x128xf32> -> vector<128x128xf32>
    %dot_general3A_93 = arith.constant dense<0.000000e+00> : vector<400x128xf32>
    %dot_general3A_94 = tpu.matmul %get3A_88, %transpose3A_92, %dot_general3A_93 {dimension_numbers = #tpu.dot_dimension_numbers<[1], [0], [0], [1], [0, 0, 1, 1], [], []>, transpose_lhs_hint = false} : vector<400x128xf32>, vector<128x128xf32>, vector<400x128xf32> -> vector<400x128xf32>
    %add3A_95 = arith.addf %add3A_83, %dot_general3A_94 : vector<400x128xf32>
    %get3A_96 = arith.constant 8 : index
    %get3A_97 = arith.constant 0 : index
    %get3A_98 = arith.constant 0 : index
    %get3A_99 = vector.load %arg1[%get3A_96, %get3A_97, %get3A_98] : memref<20x400x128xf32, #tpu.memory_space<vmem>>, vector<1x400x128xf32>
    %get3A_100 = vector.shape_cast %get3A_99 : vector<1x400x128xf32> to vector<400x128xf32>
    %broadcast_in_dim3A_101 = vector.shape_cast %select_n3A_33 : vector<400xf32> to vector<400x1xf32>
    %mul3A_102 = vector.broadcast %broadcast_in_dim3A_101 : vector<400x1xf32> to vector<400x128xf32>
    %mul3A_103 = arith.mulf %get3A_100, %mul3A_102 : vector<400x128xf32>
    %get3A_104 = arith.constant 0 : index
    %get3A_105 = arith.constant 0 : index
    %get3A_106 = vector.load %arg7[%get3A_104, %get3A_105] : memref<128x128xf32, #tpu.memory_space<vmem>>, vector<128x128xf32>
    %transpose3A_107 = tpu.transpose %get3A_106, [1, 0] : vector<128x128xf32> -> vector<128x128xf32>
    %dot_general3A_108 = arith.constant dense<0.000000e+00> : vector<400x128xf32>
    %dot_general3A_109 = tpu.matmul %mul3A_103, %transpose3A_107, %dot_general3A_108 {dimension_numbers = #tpu.dot_dimension_numbers<[1], [0], [0], [1], [0, 0, 1, 1], [], []>, transpose_lhs_hint = false} : vector<400x128xf32>, vector<128x128xf32>, vector<400x128xf32> -> vector<400x128xf32>
    %add3A_110 = arith.addf %add3A_95, %dot_general3A_109 : vector<400x128xf32>
    %get3A_111 = arith.constant 0 : index
    %get3A_112 = vector.load %arg8[%get3A_111] : memref<128xf32, #tpu.memory_space<vmem>>, vector<128xf32>
    %broadcast_in_dim3A_113 = vector.shape_cast %get3A_112 : vector<128xf32> to vector<1x128xf32>
    %add3A_114 = vector.broadcast %broadcast_in_dim3A_113 : vector<1x128xf32> to vector<400x128xf32>
    %add3A_115 = arith.addf %add3A_110, %add3A_114 : vector<400x128xf32>
    %get3A_116 = arith.constant 12 : index
    %get3A_117 = arith.constant 0 : index
    %get3A_118 = arith.constant 0 : index
    %get3A_119 = vector.load %arg1[%get3A_116, %get3A_117, %get3A_118] : memref<20x400x128xf32, #tpu.memory_space<vmem>>, vector<1x400x128xf32>
    %get3A_120 = vector.shape_cast %get3A_119 : vector<1x400x128xf32> to vector<400x128xf32>
    %broadcast_in_dim3A_121 = vector.shape_cast %div3A_41 : vector<400xf32> to vector<400x1xf32>
    %mul3A_122 = vector.broadcast %broadcast_in_dim3A_121 : vector<400x1xf32> to vector<400x128xf32>
    %mul3A_123 = arith.mulf %get3A_120, %mul3A_122 : vector<400x128xf32>
    %get3A_124 = arith.constant 0 : index
    %get3A_125 = arith.constant 0 : index
    %get3A_126 = vector.load %arg12[%get3A_124, %get3A_125] : memref<128x128xf32, #tpu.memory_space<vmem>>, vector<128x128xf32>
    %transpose3A_127 = tpu.transpose %get3A_126, [1, 0] : vector<128x128xf32> -> vector<128x128xf32>
    %dot_general3A_128 = arith.constant dense<0.000000e+00> : vector<400x128xf32>
    %dot_general3A_129 = tpu.matmul %mul3A_123, %transpose3A_127, %dot_general3A_128 {dimension_numbers = #tpu.dot_dimension_numbers<[1], [0], [0], [1], [0, 0, 1, 1], [], []>, transpose_lhs_hint = false} : vector<400x128xf32>, vector<128x128xf32>, vector<400x128xf32> -> vector<400x128xf32>
    %get3A_130 = arith.constant 0 : index
    %get3A_131 = vector.load %arg13[%get3A_130] : memref<128xf32, #tpu.memory_space<vmem>>, vector<128xf32>
    %broadcast_in_dim3A_132 = vector.shape_cast %get3A_131 : vector<128xf32> to vector<1x128xf32>
    %add3A_133 = vector.broadcast %broadcast_in_dim3A_132 : vector<1x128xf32> to vector<400x128xf32>
    %add3A_134 = arith.addf %dot_general3A_129, %add3A_133 : vector<400x128xf32>
    %get3A_135 = arith.constant 0 : index
    %get3A_136 = arith.constant 0 : index
    %get3A_137 = arith.constant 0 : index
    %get3A_138 = vector.load %arg3[%get3A_135, %get3A_136, %get3A_137] : memref<4x400x128xf32, #tpu.memory_space<vmem>>, vector<1x400x128xf32>
    %get3A_139 = vector.shape_cast %get3A_138 : vector<1x400x128xf32> to vector<400x128xf32>
    %get3A_140 = arith.constant 0 : index
    %get3A_141 = arith.constant 0 : index
    %get3A_142 = vector.load %arg14[%get3A_140, %get3A_141] : memref<128x128xf32, #tpu.memory_space<vmem>>, vector<128x128xf32>
    %transpose3A_143 = tpu.transpose %get3A_142, [1, 0] : vector<128x128xf32> -> vector<128x128xf32>
    %dot_general3A_144 = arith.constant dense<0.000000e+00> : vector<400x128xf32>
    %dot_general3A_145 = tpu.matmul %get3A_139, %transpose3A_143, %dot_general3A_144 {dimension_numbers = #tpu.dot_dimension_numbers<[1], [0], [0], [1], [0, 0, 1, 1], [], []>, transpose_lhs_hint = false} : vector<400x128xf32>, vector<128x128xf32>, vector<400x128xf32> -> vector<400x128xf32>
    %add3A_146 = arith.addf %add3A_134, %dot_general3A_145 : vector<400x128xf32>
    %get3A_147 = arith.constant 16 : index
    %get3A_148 = arith.constant 0 : index
    %get3A_149 = arith.constant 0 : index
    %get3A_150 = vector.load %arg1[%get3A_147, %get3A_148, %get3A_149] : memref<20x400x128xf32, #tpu.memory_space<vmem>>, vector<1x400x128xf32>
    %get3A_151 = vector.shape_cast %get3A_150 : vector<1x400x128xf32> to vector<400x128xf32>
    %broadcast_in_dim3A_152 = vector.shape_cast %div3A_49 : vector<400xf32> to vector<400x1xf32>
    %mul3A_153 = vector.broadcast %broadcast_in_dim3A_152 : vector<400x1xf32> to vector<400x128xf32>
    %mul3A_154 = arith.mulf %get3A_151, %mul3A_153 : vector<400x128xf32>
    %get3A_155 = arith.constant 0 : index
    %get3A_156 = arith.constant 0 : index
    %get3A_157 = vector.load %arg15[%get3A_155, %get3A_156] : memref<128x128xf32, #tpu.memory_space<vmem>>, vector<128x128xf32>
    %transpose3A_158 = tpu.transpose %get3A_157, [1, 0] : vector<128x128xf32> -> vector<128x128xf32>
    %dot_general3A_159 = arith.constant dense<0.000000e+00> : vector<400x128xf32>
    %dot_general3A_160 = tpu.matmul %mul3A_154, %transpose3A_158, %dot_general3A_159 {dimension_numbers = #tpu.dot_dimension_numbers<[1], [0], [0], [1], [0, 0, 1, 1], [], []>, transpose_lhs_hint = false} : vector<400x128xf32>, vector<128x128xf32>, vector<400x128xf32> -> vector<400x128xf32>
    %add3A_161 = arith.addf %add3A_146, %dot_general3A_160 : vector<400x128xf32>
    %get3A_162 = arith.constant 0 : index
    %get3A_163 = vector.load %arg16[%get3A_162] : memref<128xf32, #tpu.memory_space<vmem>>, vector<128xf32>
    %broadcast_in_dim3A_164 = vector.shape_cast %get3A_163 : vector<128xf32> to vector<1x128xf32>
    %add3A_165 = vector.broadcast %broadcast_in_dim3A_164 : vector<1x128xf32> to vector<400x128xf32>
    %add3A_166 = arith.addf %add3A_161, %add3A_165 : vector<400x128xf32>
    %get3A_167 = arith.constant 0 : index
    %get3A_168 = arith.constant 0 : index
    %get3A_169 = arith.constant 0 : index
    %get3A_170 = vector.load %arg3[%get3A_167, %get3A_168, %get3A_169] : memref<4x400x128xf32, #tpu.memory_space<vmem>>, vector<1x400x128xf32>
    %get3A_171 = vector.shape_cast %get3A_170 : vector<1x400x128xf32> to vector<400x128xf32>
    %get3A_172 = arith.constant 0 : index
    %get3A_173 = arith.constant 0 : index
    %get3A_174 = vector.load %arg17[%get3A_172, %get3A_173] : memref<128x128xf32, #tpu.memory_space<vmem>>, vector<128x128xf32>
    %transpose3A_175 = tpu.transpose %get3A_174, [1, 0] : vector<128x128xf32> -> vector<128x128xf32>
    %dot_general3A_176 = arith.constant dense<0.000000e+00> : vector<400x128xf32>
    %dot_general3A_177 = tpu.matmul %get3A_171, %transpose3A_175, %dot_general3A_176 {dimension_numbers = #tpu.dot_dimension_numbers<[1], [0], [0], [1], [0, 0, 1, 1], [], []>, transpose_lhs_hint = false} : vector<400x128xf32>, vector<128x128xf32>, vector<400x128xf32> -> vector<400x128xf32>
    %add3A_178 = arith.addf %add3A_166, %dot_general3A_177 : vector<400x128xf32>
    %get3A_179 = arith.constant 1 : index
    %get3A_180 = arith.constant 0 : index
    %get3A_181 = arith.constant 0 : index
    %get3A_182 = vector.load %arg1[%get3A_179, %get3A_180, %get3A_181] : memref<20x400x128xf32, #tpu.memory_space<vmem>>, vector<1x400x128xf32>
    %get3A_183 = vector.shape_cast %get3A_182 : vector<1x400x128xf32> to vector<400x128xf32>
    %broadcast_in_dim3A_184 = vector.shape_cast %select_n3A : vector<400xf32> to vector<400x1xf32>
    %mul3A_185 = vector.broadcast %broadcast_in_dim3A_184 : vector<400x1xf32> to vector<400x128xf32>
    %mul3A_186 = arith.mulf %get3A_183, %mul3A_185 : vector<400x128xf32>
    %get3A_187 = arith.constant 0 : index
    %get3A_188 = arith.constant 0 : index
    %get3A_189 = vector.load %arg5[%get3A_187, %get3A_188] : memref<128x128xf32, #tpu.memory_space<vmem>>, vector<128x128xf32>
    %transpose3A_190 = tpu.transpose %get3A_189, [1, 0] : vector<128x128xf32> -> vector<128x128xf32>
    %dot_general3A_191 = arith.constant dense<0.000000e+00> : vector<400x128xf32>
    %dot_general3A_192 = tpu.matmul %mul3A_186, %transpose3A_190, %dot_general3A_191 {dimension_numbers = #tpu.dot_dimension_numbers<[1], [0], [0], [1], [0, 0, 1, 1], [], []>, transpose_lhs_hint = false} : vector<400x128xf32>, vector<128x128xf32>, vector<400x128xf32> -> vector<400x128xf32>
    %get3A_193 = arith.constant 0 : index
    %get3A_194 = vector.load %arg6[%get3A_193] : memref<128xf32, #tpu.memory_space<vmem>>, vector<128xf32>
    %broadcast_in_dim3A_195 = vector.shape_cast %get3A_194 : vector<128xf32> to vector<1x128xf32>
    %add3A_196 = vector.broadcast %broadcast_in_dim3A_195 : vector<1x128xf32> to vector<400x128xf32>
    %add3A_197 = arith.addf %dot_general3A_192, %add3A_196 : vector<400x128xf32>
    %get3A_198 = arith.constant 5 : index
    %get3A_199 = arith.constant 0 : index
    %get3A_200 = arith.constant 0 : index
    %get3A_201 = vector.load %arg1[%get3A_198, %get3A_199, %get3A_200] : memref<20x400x128xf32, #tpu.memory_space<vmem>>, vector<1x400x128xf32>
    %get3A_202 = vector.shape_cast %get3A_201 : vector<1x400x128xf32> to vector<400x128xf32>
    %broadcast_in_dim3A_203 = vector.shape_cast %div3A_19 : vector<400xf32> to vector<400x1xf32>
    %mul3A_204 = vector.broadcast %broadcast_in_dim3A_203 : vector<400x1xf32> to vector<400x128xf32>
    %mul3A_205 = arith.mulf %get3A_202, %mul3A_204 : vector<400x128xf32>
    %get3A_206 = arith.constant 0 : index
    %get3A_207 = arith.constant 0 : index
    %get3A_208 = vector.load %arg9[%get3A_206, %get3A_207] : memref<128x128xf32, #tpu.memory_space<vmem>>, vector<128x128xf32>
    %transpose3A_209 = tpu.transpose %get3A_208, [1, 0] : vector<128x128xf32> -> vector<128x128xf32>
    %dot_general3A_210 = arith.constant dense<0.000000e+00> : vector<400x128xf32>
    %dot_general3A_211 = tpu.matmul %mul3A_205, %transpose3A_209, %dot_general3A_210 {dimension_numbers = #tpu.dot_dimension_numbers<[1], [0], [0], [1], [0, 0, 1, 1], [], []>, transpose_lhs_hint = false} : vector<400x128xf32>, vector<128x128xf32>, vector<400x128xf32> -> vector<400x128xf32>
    %get3A_212 = arith.constant 0 : index
    %get3A_213 = vector.load %arg10[%get3A_212] : memref<128xf32, #tpu.memory_space<vmem>>, vector<128xf32>
    %broadcast_in_dim3A_214 = vector.shape_cast %get3A_213 : vector<128xf32> to vector<1x128xf32>
    %add3A_215 = vector.broadcast %broadcast_in_dim3A_214 : vector<1x128xf32> to vector<400x128xf32>
    %add3A_216 = arith.addf %dot_general3A_211, %add3A_215 : vector<400x128xf32>
    %get3A_217 = arith.constant 13 : index
    %get3A_218 = arith.constant 0 : index
    %get3A_219 = arith.constant 0 : index
    %get3A_220 = vector.load %arg2[%get3A_217, %get3A_218, %get3A_219] : memref<16x400x128xf32, #tpu.memory_space<vmem>>, vector<1x400x128xf32>
    %get3A_221 = vector.shape_cast %get3A_220 : vector<1x400x128xf32> to vector<400x128xf32>
    %get3A_222 = arith.constant 0 : index
    %get3A_223 = arith.constant 0 : index
    %get3A_224 = vector.load %arg11[%get3A_222, %get3A_223] : memref<128x128xf32, #tpu.memory_space<vmem>>, vector<128x128xf32>
    %transpose3A_225 = tpu.transpose %get3A_224, [1, 0] : vector<128x128xf32> -> vector<128x128xf32>
    %dot_general3A_226 = arith.constant dense<0.000000e+00> : vector<400x128xf32>
    %dot_general3A_227 = tpu.matmul %get3A_221, %transpose3A_225, %dot_general3A_226 {dimension_numbers = #tpu.dot_dimension_numbers<[1], [0], [0], [1], [0, 0, 1, 1], [], []>, transpose_lhs_hint = false} : vector<400x128xf32>, vector<128x128xf32>, vector<400x128xf32> -> vector<400x128xf32>
    %add3A_228 = arith.addf %add3A_216, %dot_general3A_227 : vector<400x128xf32>
    %get3A_229 = arith.constant 9 : index
    %get3A_230 = arith.constant 0 : index
    %get3A_231 = arith.constant 0 : index
    %get3A_232 = vector.load %arg1[%get3A_229, %get3A_230, %get3A_231] : memref<20x400x128xf32, #tpu.memory_space<vmem>>, vector<1x400x128xf32>
    %get3A_233 = vector.shape_cast %get3A_232 : vector<1x400x128xf32> to vector<400x128xf32>
    %broadcast_in_dim3A_234 = vector.shape_cast %select_n3A_33 : vector<400xf32> to vector<400x1xf32>
    %mul3A_235 = vector.broadcast %broadcast_in_dim3A_234 : vector<400x1xf32> to vector<400x128xf32>
    %mul3A_236 = arith.mulf %get3A_233, %mul3A_235 : vector<400x128xf32>
    %get3A_237 = arith.constant 0 : index
    %get3A_238 = arith.constant 0 : index
    %get3A_239 = vector.load %arg7[%get3A_237, %get3A_238] : memref<128x128xf32, #tpu.memory_space<vmem>>, vector<128x128xf32>
    %transpose3A_240 = tpu.transpose %get3A_239, [1, 0] : vector<128x128xf32> -> vector<128x128xf32>
    %dot_general3A_241 = arith.constant dense<0.000000e+00> : vector<400x128xf32>
    %dot_general3A_242 = tpu.matmul %mul3A_236, %transpose3A_240, %dot_general3A_241 {dimension_numbers = #tpu.dot_dimension_numbers<[1], [0], [0], [1], [0, 0, 1, 1], [], []>, transpose_lhs_hint = false} : vector<400x128xf32>, vector<128x128xf32>, vector<400x128xf32> -> vector<400x128xf32>
    %add3A_243 = arith.addf %add3A_228, %dot_general3A_242 : vector<400x128xf32>
    %get3A_244 = arith.constant 0 : index
    %get3A_245 = vector.load %arg8[%get3A_244] : memref<128xf32, #tpu.memory_space<vmem>>, vector<128xf32>
    %broadcast_in_dim3A_246 = vector.shape_cast %get3A_245 : vector<128xf32> to vector<1x128xf32>
    %add3A_247 = vector.broadcast %broadcast_in_dim3A_246 : vector<1x128xf32> to vector<400x128xf32>
    %add3A_248 = arith.addf %add3A_243, %add3A_247 : vector<400x128xf32>
    %get3A_249 = arith.constant 13 : index
    %get3A_250 = arith.constant 0 : index
    %get3A_251 = arith.constant 0 : index
    %get3A_252 = vector.load %arg1[%get3A_249, %get3A_250, %get3A_251] : memref<20x400x128xf32, #tpu.memory_space<vmem>>, vector<1x400x128xf32>
    %get3A_253 = vector.shape_cast %get3A_252 : vector<1x400x128xf32> to vector<400x128xf32>
    %broadcast_in_dim3A_254 = vector.shape_cast %div3A_41 : vector<400xf32> to vector<400x1xf32>
    %mul3A_255 = vector.broadcast %broadcast_in_dim3A_254 : vector<400x1xf32> to vector<400x128xf32>
    %mul3A_256 = arith.mulf %get3A_253, %mul3A_255 : vector<400x128xf32>
    %get3A_257 = arith.constant 0 : index
    %get3A_258 = arith.constant 0 : index
    %get3A_259 = vector.load %arg12[%get3A_257, %get3A_258] : memref<128x128xf32, #tpu.memory_space<vmem>>, vector<128x128xf32>
    %transpose3A_260 = tpu.transpose %get3A_259, [1, 0] : vector<128x128xf32> -> vector<128x128xf32>
    %dot_general3A_261 = arith.constant dense<0.000000e+00> : vector<400x128xf32>
    %dot_general3A_262 = tpu.matmul %mul3A_256, %transpose3A_260, %dot_general3A_261 {dimension_numbers = #tpu.dot_dimension_numbers<[1], [0], [0], [1], [0, 0, 1, 1], [], []>, transpose_lhs_hint = false} : vector<400x128xf32>, vector<128x128xf32>, vector<400x128xf32> -> vector<400x128xf32>
    %get3A_263 = arith.constant 0 : index
    %get3A_264 = vector.load %arg13[%get3A_263] : memref<128xf32, #tpu.memory_space<vmem>>, vector<128xf32>
    %broadcast_in_dim3A_265 = vector.shape_cast %get3A_264 : vector<128xf32> to vector<1x128xf32>
    %add3A_266 = vector.broadcast %broadcast_in_dim3A_265 : vector<1x128xf32> to vector<400x128xf32>
    %add3A_267 = arith.addf %dot_general3A_262, %add3A_266 : vector<400x128xf32>
    %get3A_268 = arith.constant 1 : index
    %get3A_269 = arith.constant 0 : index
    %get3A_270 = arith.constant 0 : index
    %get3A_271 = vector.load %arg3[%get3A_268, %get3A_269, %get3A_270] : memref<4x400x128xf32, #tpu.memory_space<vmem>>, vector<1x400x128xf32>
    %get3A_272 = vector.shape_cast %get3A_271 : vector<1x400x128xf32> to vector<400x128xf32>
    %get3A_273 = arith.constant 0 : index
    %get3A_274 = arith.constant 0 : index
    %get3A_275 = vector.load %arg14[%get3A_273, %get3A_274] : memref<128x128xf32, #tpu.memory_space<vmem>>, vector<128x128xf32>
    %transpose3A_276 = tpu.transpose %get3A_275, [1, 0] : vector<128x128xf32> -> vector<128x128xf32>
    %dot_general3A_277 = arith.constant dense<0.000000e+00> : vector<400x128xf32>
    %dot_general3A_278 = tpu.matmul %get3A_272, %transpose3A_276, %dot_general3A_277 {dimension_numbers = #tpu.dot_dimension_numbers<[1], [0], [0], [1], [0, 0, 1, 1], [], []>, transpose_lhs_hint = false} : vector<400x128xf32>, vector<128x128xf32>, vector<400x128xf32> -> vector<400x128xf32>
    %add3A_279 = arith.addf %add3A_267, %dot_general3A_278 : vector<400x128xf32>
    %get3A_280 = arith.constant 17 : index
    %get3A_281 = arith.constant 0 : index
    %get3A_282 = arith.constant 0 : index
    %get3A_283 = vector.load %arg1[%get3A_280, %get3A_281, %get3A_282] : memref<20x400x128xf32, #tpu.memory_space<vmem>>, vector<1x400x128xf32>
    %get3A_284 = vector.shape_cast %get3A_283 : vector<1x400x128xf32> to vector<400x128xf32>
    %broadcast_in_dim3A_285 = vector.shape_cast %div3A_49 : vector<400xf32> to vector<400x1xf32>
    %mul3A_286 = vector.broadcast %broadcast_in_dim3A_285 : vector<400x1xf32> to vector<400x128xf32>
    %mul3A_287 = arith.mulf %get3A_284, %mul3A_286 : vector<400x128xf32>
    %get3A_288 = arith.constant 0 : index
    %get3A_289 = arith.constant 0 : index
    %get3A_290 = vector.load %arg15[%get3A_288, %get3A_289] : memref<128x128xf32, #tpu.memory_space<vmem>>, vector<128x128xf32>
    %transpose3A_291 = tpu.transpose %get3A_290, [1, 0] : vector<128x128xf32> -> vector<128x128xf32>
    %dot_general3A_292 = arith.constant dense<0.000000e+00> : vector<400x128xf32>
    %dot_general3A_293 = tpu.matmul %mul3A_287, %transpose3A_291, %dot_general3A_292 {dimension_numbers = #tpu.dot_dimension_numbers<[1], [0], [0], [1], [0, 0, 1, 1], [], []>, transpose_lhs_hint = false} : vector<400x128xf32>, vector<128x128xf32>, vector<400x128xf32> -> vector<400x128xf32>
    %add3A_294 = arith.addf %add3A_279, %dot_general3A_293 : vector<400x128xf32>
    %get3A_295 = arith.constant 0 : index
    %get3A_296 = vector.load %arg16[%get3A_295] : memref<128xf32, #tpu.memory_space<vmem>>, vector<128xf32>
    %broadcast_in_dim3A_297 = vector.shape_cast %get3A_296 : vector<128xf32> to vector<1x128xf32>
    %add3A_298 = vector.broadcast %broadcast_in_dim3A_297 : vector<1x128xf32> to vector<400x128xf32>
    %add3A_299 = arith.addf %add3A_294, %add3A_298 : vector<400x128xf32>
    %get3A_300 = arith.constant 1 : index
    %get3A_301 = arith.constant 0 : index
    %get3A_302 = arith.constant 0 : index
    %get3A_303 = vector.load %arg3[%get3A_300, %get3A_301, %get3A_302] : memref<4x400x128xf32, #tpu.memory_space<vmem>>, vector<1x400x128xf32>
    %get3A_304 = vector.shape_cast %get3A_303 : vector<1x400x128xf32> to vector<400x128xf32>
    %get3A_305 = arith.constant 0 : index
    %get3A_306 = arith.constant 0 : index
    %get3A_307 = vector.load %arg17[%get3A_305, %get3A_306] : memref<128x128xf32, #tpu.memory_space<vmem>>, vector<128x128xf32>
    %transpose3A_308 = tpu.transpose %get3A_307, [1, 0] : vector<128x128xf32> -> vector<128x128xf32>
    %dot_general3A_309 = arith.constant dense<0.000000e+00> : vector<400x128xf32>
    %dot_general3A_310 = tpu.matmul %get3A_304, %transpose3A_308, %dot_general3A_309 {dimension_numbers = #tpu.dot_dimension_numbers<[1], [0], [0], [1], [0, 0, 1, 1], [], []>, transpose_lhs_hint = false} : vector<400x128xf32>, vector<128x128xf32>, vector<400x128xf32> -> vector<400x128xf32>
    %add3A_311 = arith.addf %add3A_299, %dot_general3A_310 : vector<400x128xf32>
    %get3A_312 = arith.constant 2 : index
    %get3A_313 = arith.constant 0 : index
    %get3A_314 = arith.constant 0 : index
    %get3A_315 = vector.load %arg1[%get3A_312, %get3A_313, %get3A_314] : memref<20x400x128xf32, #tpu.memory_space<vmem>>, vector<1x400x128xf32>
    %get3A_316 = vector.shape_cast %get3A_315 : vector<1x400x128xf32> to vector<400x128xf32>
    %broadcast_in_dim3A_317 = vector.shape_cast %select_n3A : vector<400xf32> to vector<400x1xf32>
    %mul3A_318 = vector.broadcast %broadcast_in_dim3A_317 : vector<400x1xf32> to vector<400x128xf32>
    %mul3A_319 = arith.mulf %get3A_316, %mul3A_318 : vector<400x128xf32>
    %get3A_320 = arith.constant 0 : index
    %get3A_321 = arith.constant 0 : index
    %get3A_322 = vector.load %arg5[%get3A_320, %get3A_321] : memref<128x128xf32, #tpu.memory_space<vmem>>, vector<128x128xf32>
    %transpose3A_323 = tpu.transpose %get3A_322, [1, 0] : vector<128x128xf32> -> vector<128x128xf32>
    %dot_general3A_324 = arith.constant dense<0.000000e+00> : vector<400x128xf32>
    %dot_general3A_325 = tpu.matmul %mul3A_319, %transpose3A_323, %dot_general3A_324 {dimension_numbers = #tpu.dot_dimension_numbers<[1], [0], [0], [1], [0, 0, 1, 1], [], []>, transpose_lhs_hint = false} : vector<400x128xf32>, vector<128x128xf32>, vector<400x128xf32> -> vector<400x128xf32>
    %get3A_326 = arith.constant 0 : index
    %get3A_327 = vector.load %arg6[%get3A_326] : memref<128xf32, #tpu.memory_space<vmem>>, vector<128xf32>
    %broadcast_in_dim3A_328 = vector.shape_cast %get3A_327 : vector<128xf32> to vector<1x128xf32>
    %add3A_329 = vector.broadcast %broadcast_in_dim3A_328 : vector<1x128xf32> to vector<400x128xf32>
    %add3A_330 = arith.addf %dot_general3A_325, %add3A_329 : vector<400x128xf32>
    %get3A_331 = arith.constant 6 : index
    %get3A_332 = arith.constant 0 : index
    %get3A_333 = arith.constant 0 : index
    %get3A_334 = vector.load %arg1[%get3A_331, %get3A_332, %get3A_333] : memref<20x400x128xf32, #tpu.memory_space<vmem>>, vector<1x400x128xf32>
    %get3A_335 = vector.shape_cast %get3A_334 : vector<1x400x128xf32> to vector<400x128xf32>
    %broadcast_in_dim3A_336 = vector.shape_cast %div3A_19 : vector<400xf32> to vector<400x1xf32>
    %mul3A_337 = vector.broadcast %broadcast_in_dim3A_336 : vector<400x1xf32> to vector<400x128xf32>
    %mul3A_338 = arith.mulf %get3A_335, %mul3A_337 : vector<400x128xf32>
    %get3A_339 = arith.constant 0 : index
    %get3A_340 = arith.constant 0 : index
    %get3A_341 = vector.load %arg9[%get3A_339, %get3A_340] : memref<128x128xf32, #tpu.memory_space<vmem>>, vector<128x128xf32>
    %transpose3A_342 = tpu.transpose %get3A_341, [1, 0] : vector<128x128xf32> -> vector<128x128xf32>
    %dot_general3A_343 = arith.constant dense<0.000000e+00> : vector<400x128xf32>
    %dot_general3A_344 = tpu.matmul %mul3A_338, %transpose3A_342, %dot_general3A_343 {dimension_numbers = #tpu.dot_dimension_numbers<[1], [0], [0], [1], [0, 0, 1, 1], [], []>, transpose_lhs_hint = false} : vector<400x128xf32>, vector<128x128xf32>, vector<400x128xf32> -> vector<400x128xf32>
    %get3A_345 = arith.constant 0 : index
    %get3A_346 = vector.load %arg10[%get3A_345] : memref<128xf32, #tpu.memory_space<vmem>>, vector<128xf32>
    %broadcast_in_dim3A_347 = vector.shape_cast %get3A_346 : vector<128xf32> to vector<1x128xf32>
    %add3A_348 = vector.broadcast %broadcast_in_dim3A_347 : vector<1x128xf32> to vector<400x128xf32>
    %add3A_349 = arith.addf %dot_general3A_344, %add3A_348 : vector<400x128xf32>
    %get3A_350 = arith.constant 14 : index
    %get3A_351 = arith.constant 0 : index
    %get3A_352 = arith.constant 0 : index
    %get3A_353 = vector.load %arg2[%get3A_350, %get3A_351, %get3A_352] : memref<16x400x128xf32, #tpu.memory_space<vmem>>, vector<1x400x128xf32>
    %get3A_354 = vector.shape_cast %get3A_353 : vector<1x400x128xf32> to vector<400x128xf32>
    %get3A_355 = arith.constant 0 : index
    %get3A_356 = arith.constant 0 : index
    %get3A_357 = vector.load %arg11[%get3A_355, %get3A_356] : memref<128x128xf32, #tpu.memory_space<vmem>>, vector<128x128xf32>
    %transpose3A_358 = tpu.transpose %get3A_357, [1, 0] : vector<128x128xf32> -> vector<128x128xf32>
    %dot_general3A_359 = arith.constant dense<0.000000e+00> : vector<400x128xf32>
    %dot_general3A_360 = tpu.matmul %get3A_354, %transpose3A_358, %dot_general3A_359 {dimension_numbers = #tpu.dot_dimension_numbers<[1], [0], [0], [1], [0, 0, 1, 1], [], []>, transpose_lhs_hint = false} : vector<400x128xf32>, vector<128x128xf32>, vector<400x128xf32> -> vector<400x128xf32>
    %add3A_361 = arith.addf %add3A_349, %dot_general3A_360 : vector<400x128xf32>
    %get3A_362 = arith.constant 10 : index
    %get3A_363 = arith.constant 0 : index
    %get3A_364 = arith.constant 0 : index
    %get3A_365 = vector.load %arg1[%get3A_362, %get3A_363, %get3A_364] : memref<20x400x128xf32, #tpu.memory_space<vmem>>, vector<1x400x128xf32>
    %get3A_366 = vector.shape_cast %get3A_365 : vector<1x400x128xf32> to vector<400x128xf32>
    %broadcast_in_dim3A_367 = vector.shape_cast %select_n3A_33 : vector<400xf32> to vector<400x1xf32>
    %mul3A_368 = vector.broadcast %broadcast_in_dim3A_367 : vector<400x1xf32> to vector<400x128xf32>
    %mul3A_369 = arith.mulf %get3A_366, %mul3A_368 : vector<400x128xf32>
    %get3A_370 = arith.constant 0 : index
    %get3A_371 = arith.constant 0 : index
    %get3A_372 = vector.load %arg7[%get3A_370, %get3A_371] : memref<128x128xf32, #tpu.memory_space<vmem>>, vector<128x128xf32>
    %transpose3A_373 = tpu.transpose %get3A_372, [1, 0] : vector<128x128xf32> -> vector<128x128xf32>
    %dot_general3A_374 = arith.constant dense<0.000000e+00> : vector<400x128xf32>
    %dot_general3A_375 = tpu.matmul %mul3A_369, %transpose3A_373, %dot_general3A_374 {dimension_numbers = #tpu.dot_dimension_numbers<[1], [0], [0], [1], [0, 0, 1, 1], [], []>, transpose_lhs_hint = false} : vector<400x128xf32>, vector<128x128xf32>, vector<400x128xf32> -> vector<400x128xf32>
    %add3A_376 = arith.addf %add3A_361, %dot_general3A_375 : vector<400x128xf32>
    %get3A_377 = arith.constant 0 : index
    %get3A_378 = vector.load %arg8[%get3A_377] : memref<128xf32, #tpu.memory_space<vmem>>, vector<128xf32>
    %broadcast_in_dim3A_379 = vector.shape_cast %get3A_378 : vector<128xf32> to vector<1x128xf32>
    %add3A_380 = vector.broadcast %broadcast_in_dim3A_379 : vector<1x128xf32> to vector<400x128xf32>
    %add3A_381 = arith.addf %add3A_376, %add3A_380 : vector<400x128xf32>
    %get3A_382 = arith.constant 14 : index
    %get3A_383 = arith.constant 0 : index
    %get3A_384 = arith.constant 0 : index
    %get3A_385 = vector.load %arg1[%get3A_382, %get3A_383, %get3A_384] : memref<20x400x128xf32, #tpu.memory_space<vmem>>, vector<1x400x128xf32>
    %get3A_386 = vector.shape_cast %get3A_385 : vector<1x400x128xf32> to vector<400x128xf32>
    %broadcast_in_dim3A_387 = vector.shape_cast %div3A_41 : vector<400xf32> to vector<400x1xf32>
    %mul3A_388 = vector.broadcast %broadcast_in_dim3A_387 : vector<400x1xf32> to vector<400x128xf32>
    %mul3A_389 = arith.mulf %get3A_386, %mul3A_388 : vector<400x128xf32>
    %get3A_390 = arith.constant 0 : index
    %get3A_391 = arith.constant 0 : index
    %get3A_392 = vector.load %arg12[%get3A_390, %get3A_391] : memref<128x128xf32, #tpu.memory_space<vmem>>, vector<128x128xf32>
    %transpose3A_393 = tpu.transpose %get3A_392, [1, 0] : vector<128x128xf32> -> vector<128x128xf32>
    %dot_general3A_394 = arith.constant dense<0.000000e+00> : vector<400x128xf32>
    %dot_general3A_395 = tpu.matmul %mul3A_389, %transpose3A_393, %dot_general3A_394 {dimension_numbers = #tpu.dot_dimension_numbers<[1], [0], [0], [1], [0, 0, 1, 1], [], []>, transpose_lhs_hint = false} : vector<400x128xf32>, vector<128x128xf32>, vector<400x128xf32> -> vector<400x128xf32>
    %get3A_396 = arith.constant 0 : index
    %get3A_397 = vector.load %arg13[%get3A_396] : memref<128xf32, #tpu.memory_space<vmem>>, vector<128xf32>
    %broadcast_in_dim3A_398 = vector.shape_cast %get3A_397 : vector<128xf32> to vector<1x128xf32>
    %add3A_399 = vector.broadcast %broadcast_in_dim3A_398 : vector<1x128xf32> to vector<400x128xf32>
    %add3A_400 = arith.addf %dot_general3A_395, %add3A_399 : vector<400x128xf32>
    %get3A_401 = arith.constant 2 : index
    %get3A_402 = arith.constant 0 : index
    %get3A_403 = arith.constant 0 : index
    %get3A_404 = vector.load %arg3[%get3A_401, %get3A_402, %get3A_403] : memref<4x400x128xf32, #tpu.memory_space<vmem>>, vector<1x400x128xf32>
    %get3A_405 = vector.shape_cast %get3A_404 : vector<1x400x128xf32> to vector<400x128xf32>
    %get3A_406 = arith.constant 0 : index
    %get3A_407 = arith.constant 0 : index
    %get3A_408 = vector.load %arg14[%get3A_406, %get3A_407] : memref<128x128xf32, #tpu.memory_space<vmem>>, vector<128x128xf32>
    %transpose3A_409 = tpu.transpose %get3A_408, [1, 0] : vector<128x128xf32> -> vector<128x128xf32>
    %dot_general3A_410 = arith.constant dense<0.000000e+00> : vector<400x128xf32>
    %dot_general3A_411 = tpu.matmul %get3A_405, %transpose3A_409, %dot_general3A_410 {dimension_numbers = #tpu.dot_dimension_numbers<[1], [0], [0], [1], [0, 0, 1, 1], [], []>, transpose_lhs_hint = false} : vector<400x128xf32>, vector<128x128xf32>, vector<400x128xf32> -> vector<400x128xf32>
    %add3A_412 = arith.addf %add3A_400, %dot_general3A_411 : vector<400x128xf32>
    %get3A_413 = arith.constant 18 : index
    %get3A_414 = arith.constant 0 : index
    %get3A_415 = arith.constant 0 : index
    %get3A_416 = vector.load %arg1[%get3A_413, %get3A_414, %get3A_415] : memref<20x400x128xf32, #tpu.memory_space<vmem>>, vector<1x400x128xf32>
    %get3A_417 = vector.shape_cast %get3A_416 : vector<1x400x128xf32> to vector<400x128xf32>
    %broadcast_in_dim3A_418 = vector.shape_cast %div3A_49 : vector<400xf32> to vector<400x1xf32>
    %mul3A_419 = vector.broadcast %broadcast_in_dim3A_418 : vector<400x1xf32> to vector<400x128xf32>
    %mul3A_420 = arith.mulf %get3A_417, %mul3A_419 : vector<400x128xf32>
    %get3A_421 = arith.constant 0 : index
    %get3A_422 = arith.constant 0 : index
    %get3A_423 = vector.load %arg15[%get3A_421, %get3A_422] : memref<128x128xf32, #tpu.memory_space<vmem>>, vector<128x128xf32>
    %transpose3A_424 = tpu.transpose %get3A_423, [1, 0] : vector<128x128xf32> -> vector<128x128xf32>
    %dot_general3A_425 = arith.constant dense<0.000000e+00> : vector<400x128xf32>
    %dot_general3A_426 = tpu.matmul %mul3A_420, %transpose3A_424, %dot_general3A_425 {dimension_numbers = #tpu.dot_dimension_numbers<[1], [0], [0], [1], [0, 0, 1, 1], [], []>, transpose_lhs_hint = false} : vector<400x128xf32>, vector<128x128xf32>, vector<400x128xf32> -> vector<400x128xf32>
    %add3A_427 = arith.addf %add3A_412, %dot_general3A_426 : vector<400x128xf32>
    %get3A_428 = arith.constant 0 : index
    %get3A_429 = vector.load %arg16[%get3A_428] : memref<128xf32, #tpu.memory_space<vmem>>, vector<128xf32>
    %broadcast_in_dim3A_430 = vector.shape_cast %get3A_429 : vector<128xf32> to vector<1x128xf32>
    %add3A_431 = vector.broadcast %broadcast_in_dim3A_430 : vector<1x128xf32> to vector<400x128xf32>
    %add3A_432 = arith.addf %add3A_427, %add3A_431 : vector<400x128xf32>
    %get3A_433 = arith.constant 2 : index
    %get3A_434 = arith.constant 0 : index
    %get3A_435 = arith.constant 0 : index
    %get3A_436 = vector.load %arg3[%get3A_433, %get3A_434, %get3A_435] : memref<4x400x128xf32, #tpu.memory_space<vmem>>, vector<1x400x128xf32>
    %get3A_437 = vector.shape_cast %get3A_436 : vector<1x400x128xf32> to vector<400x128xf32>
    %get3A_438 = arith.constant 0 : index
    %get3A_439 = arith.constant 0 : index
    %get3A_440 = vector.load %arg17[%get3A_438, %get3A_439] : memref<128x128xf32, #tpu.memory_space<vmem>>, vector<128x128xf32>
    %transpose3A_441 = tpu.transpose %get3A_440, [1, 0] : vector<128x128xf32> -> vector<128x128xf32>
    %dot_general3A_442 = arith.constant dense<0.000000e+00> : vector<400x128xf32>
    %dot_general3A_443 = tpu.matmul %get3A_437, %transpose3A_441, %dot_general3A_442 {dimension_numbers = #tpu.dot_dimension_numbers<[1], [0], [0], [1], [0, 0, 1, 1], [], []>, transpose_lhs_hint = false} : vector<400x128xf32>, vector<128x128xf32>, vector<400x128xf32> -> vector<400x128xf32>
    %add3A_444 = arith.addf %add3A_432, %dot_general3A_443 : vector<400x128xf32>
    %get3A_445 = arith.constant 3 : index
    %get3A_446 = arith.constant 0 : index
    %get3A_447 = arith.constant 0 : index
    %get3A_448 = vector.load %arg1[%get3A_445, %get3A_446, %get3A_447] : memref<20x400x128xf32, #tpu.memory_space<vmem>>, vector<1x400x128xf32>
    %get3A_449 = vector.shape_cast %get3A_448 : vector<1x400x128xf32> to vector<400x128xf32>
    %broadcast_in_dim3A_450 = vector.shape_cast %select_n3A : vector<400xf32> to vector<400x1xf32>
    %mul3A_451 = vector.broadcast %broadcast_in_dim3A_450 : vector<400x1xf32> to vector<400x128xf32>
    %mul3A_452 = arith.mulf %get3A_449, %mul3A_451 : vector<400x128xf32>
    %get3A_453 = arith.constant 0 : index
    %get3A_454 = arith.constant 0 : index
    %get3A_455 = vector.load %arg5[%get3A_453, %get3A_454] : memref<128x128xf32, #tpu.memory_space<vmem>>, vector<128x128xf32>
    %transpose3A_456 = tpu.transpose %get3A_455, [1, 0] : vector<128x128xf32> -> vector<128x128xf32>
    %dot_general3A_457 = arith.constant dense<0.000000e+00> : vector<400x128xf32>
    %dot_general3A_458 = tpu.matmul %mul3A_452, %transpose3A_456, %dot_general3A_457 {dimension_numbers = #tpu.dot_dimension_numbers<[1], [0], [0], [1], [0, 0, 1, 1], [], []>, transpose_lhs_hint = false} : vector<400x128xf32>, vector<128x128xf32>, vector<400x128xf32> -> vector<400x128xf32>
    %get3A_459 = arith.constant 0 : index
    %get3A_460 = vector.load %arg6[%get3A_459] : memref<128xf32, #tpu.memory_space<vmem>>, vector<128xf32>
    %broadcast_in_dim3A_461 = vector.shape_cast %get3A_460 : vector<128xf32> to vector<1x128xf32>
    %add3A_462 = vector.broadcast %broadcast_in_dim3A_461 : vector<1x128xf32> to vector<400x128xf32>
    %add3A_463 = arith.addf %dot_general3A_458, %add3A_462 : vector<400x128xf32>
    %get3A_464 = arith.constant 7 : index
    %get3A_465 = arith.constant 0 : index
    %get3A_466 = arith.constant 0 : index
    %get3A_467 = vector.load %arg1[%get3A_464, %get3A_465, %get3A_466] : memref<20x400x128xf32, #tpu.memory_space<vmem>>, vector<1x400x128xf32>
    %get3A_468 = vector.shape_cast %get3A_467 : vector<1x400x128xf32> to vector<400x128xf32>
    %broadcast_in_dim3A_469 = vector.shape_cast %div3A_19 : vector<400xf32> to vector<400x1xf32>
    %mul3A_470 = vector.broadcast %broadcast_in_dim3A_469 : vector<400x1xf32> to vector<400x128xf32>
    %mul3A_471 = arith.mulf %get3A_468, %mul3A_470 : vector<400x128xf32>
    %get3A_472 = arith.constant 0 : index
    %get3A_473 = arith.constant 0 : index
    %get3A_474 = vector.load %arg9[%get3A_472, %get3A_473] : memref<128x128xf32, #tpu.memory_space<vmem>>, vector<128x128xf32>
    %transpose3A_475 = tpu.transpose %get3A_474, [1, 0] : vector<128x128xf32> -> vector<128x128xf32>
    %dot_general3A_476 = arith.constant dense<0.000000e+00> : vector<400x128xf32>
    %dot_general3A_477 = tpu.matmul %mul3A_471, %transpose3A_475, %dot_general3A_476 {dimension_numbers = #tpu.dot_dimension_numbers<[1], [0], [0], [1], [0, 0, 1, 1], [], []>, transpose_lhs_hint = false} : vector<400x128xf32>, vector<128x128xf32>, vector<400x128xf32> -> vector<400x128xf32>
    %get3A_478 = arith.constant 0 : index
    %get3A_479 = vector.load %arg10[%get3A_478] : memref<128xf32, #tpu.memory_space<vmem>>, vector<128xf32>
    %broadcast_in_dim3A_480 = vector.shape_cast %get3A_479 : vector<128xf32> to vector<1x128xf32>
    %add3A_481 = vector.broadcast %broadcast_in_dim3A_480 : vector<1x128xf32> to vector<400x128xf32>
    %add3A_482 = arith.addf %dot_general3A_477, %add3A_481 : vector<400x128xf32>
    %get3A_483 = arith.constant 15 : index
    %get3A_484 = arith.constant 0 : index
    %get3A_485 = arith.constant 0 : index
    %get3A_486 = vector.load %arg2[%get3A_483, %get3A_484, %get3A_485] : memref<16x400x128xf32, #tpu.memory_space<vmem>>, vector<1x400x128xf32>
    %get3A_487 = vector.shape_cast %get3A_486 : vector<1x400x128xf32> to vector<400x128xf32>
    %get3A_488 = arith.constant 0 : index
    %get3A_489 = arith.constant 0 : index
    %get3A_490 = vector.load %arg11[%get3A_488, %get3A_489] : memref<128x128xf32, #tpu.memory_space<vmem>>, vector<128x128xf32>
    %transpose3A_491 = tpu.transpose %get3A_490, [1, 0] : vector<128x128xf32> -> vector<128x128xf32>
    %dot_general3A_492 = arith.constant dense<0.000000e+00> : vector<400x128xf32>
    %dot_general3A_493 = tpu.matmul %get3A_487, %transpose3A_491, %dot_general3A_492 {dimension_numbers = #tpu.dot_dimension_numbers<[1], [0], [0], [1], [0, 0, 1, 1], [], []>, transpose_lhs_hint = false} : vector<400x128xf32>, vector<128x128xf32>, vector<400x128xf32> -> vector<400x128xf32>
    %add3A_494 = arith.addf %add3A_482, %dot_general3A_493 : vector<400x128xf32>
    %get3A_495 = arith.constant 11 : index
    %get3A_496 = arith.constant 0 : index
    %get3A_497 = arith.constant 0 : index
    %get3A_498 = vector.load %arg1[%get3A_495, %get3A_496, %get3A_497] : memref<20x400x128xf32, #tpu.memory_space<vmem>>, vector<1x400x128xf32>
    %get3A_499 = vector.shape_cast %get3A_498 : vector<1x400x128xf32> to vector<400x128xf32>
    %broadcast_in_dim3A_500 = vector.shape_cast %select_n3A_33 : vector<400xf32> to vector<400x1xf32>
    %mul3A_501 = vector.broadcast %broadcast_in_dim3A_500 : vector<400x1xf32> to vector<400x128xf32>
    %mul3A_502 = arith.mulf %get3A_499, %mul3A_501 : vector<400x128xf32>
    %get3A_503 = arith.constant 0 : index
    %get3A_504 = arith.constant 0 : index
    %get3A_505 = vector.load %arg7[%get3A_503, %get3A_504] : memref<128x128xf32, #tpu.memory_space<vmem>>, vector<128x128xf32>
    %transpose3A_506 = tpu.transpose %get3A_505, [1, 0] : vector<128x128xf32> -> vector<128x128xf32>
    %dot_general3A_507 = arith.constant dense<0.000000e+00> : vector<400x128xf32>
    %dot_general3A_508 = tpu.matmul %mul3A_502, %transpose3A_506, %dot_general3A_507 {dimension_numbers = #tpu.dot_dimension_numbers<[1], [0], [0], [1], [0, 0, 1, 1], [], []>, transpose_lhs_hint = false} : vector<400x128xf32>, vector<128x128xf32>, vector<400x128xf32> -> vector<400x128xf32>
    %add3A_509 = arith.addf %add3A_494, %dot_general3A_508 : vector<400x128xf32>
    %get3A_510 = arith.constant 0 : index
    %get3A_511 = vector.load %arg8[%get3A_510] : memref<128xf32, #tpu.memory_space<vmem>>, vector<128xf32>
    %broadcast_in_dim3A_512 = vector.shape_cast %get3A_511 : vector<128xf32> to vector<1x128xf32>
    %add3A_513 = vector.broadcast %broadcast_in_dim3A_512 : vector<1x128xf32> to vector<400x128xf32>
    %add3A_514 = arith.addf %add3A_509, %add3A_513 : vector<400x128xf32>
    %get3A_515 = arith.constant 15 : index
    %get3A_516 = arith.constant 0 : index
    %get3A_517 = arith.constant 0 : index
    %get3A_518 = vector.load %arg1[%get3A_515, %get3A_516, %get3A_517] : memref<20x400x128xf32, #tpu.memory_space<vmem>>, vector<1x400x128xf32>
    %get3A_519 = vector.shape_cast %get3A_518 : vector<1x400x128xf32> to vector<400x128xf32>
    %broadcast_in_dim3A_520 = vector.shape_cast %div3A_41 : vector<400xf32> to vector<400x1xf32>
    %mul3A_521 = vector.broadcast %broadcast_in_dim3A_520 : vector<400x1xf32> to vector<400x128xf32>
    %mul3A_522 = arith.mulf %get3A_519, %mul3A_521 : vector<400x128xf32>
    %get3A_523 = arith.constant 0 : index
    %get3A_524 = arith.constant 0 : index
    %get3A_525 = vector.load %arg12[%get3A_523, %get3A_524] : memref<128x128xf32, #tpu.memory_space<vmem>>, vector<128x128xf32>
    %transpose3A_526 = tpu.transpose %get3A_525, [1, 0] : vector<128x128xf32> -> vector<128x128xf32>
    %dot_general3A_527 = arith.constant dense<0.000000e+00> : vector<400x128xf32>
    %dot_general3A_528 = tpu.matmul %mul3A_522, %transpose3A_526, %dot_general3A_527 {dimension_numbers = #tpu.dot_dimension_numbers<[1], [0], [0], [1], [0, 0, 1, 1], [], []>, transpose_lhs_hint = false} : vector<400x128xf32>, vector<128x128xf32>, vector<400x128xf32> -> vector<400x128xf32>
    %get3A_529 = arith.constant 0 : index
    %get3A_530 = vector.load %arg13[%get3A_529] : memref<128xf32, #tpu.memory_space<vmem>>, vector<128xf32>
    %broadcast_in_dim3A_531 = vector.shape_cast %get3A_530 : vector<128xf32> to vector<1x128xf32>
    %add3A_532 = vector.broadcast %broadcast_in_dim3A_531 : vector<1x128xf32> to vector<400x128xf32>
    %add3A_533 = arith.addf %dot_general3A_528, %add3A_532 : vector<400x128xf32>
    %get3A_534 = arith.constant 3 : index
    %get3A_535 = arith.constant 0 : index
    %get3A_536 = arith.constant 0 : index
    %get3A_537 = vector.load %arg3[%get3A_534, %get3A_535, %get3A_536] : memref<4x400x128xf32, #tpu.memory_space<vmem>>, vector<1x400x128xf32>
    %get3A_538 = vector.shape_cast %get3A_537 : vector<1x400x128xf32> to vector<400x128xf32>
    %get3A_539 = arith.constant 0 : index
    %get3A_540 = arith.constant 0 : index
    %get3A_541 = vector.load %arg14[%get3A_539, %get3A_540] : memref<128x128xf32, #tpu.memory_space<vmem>>, vector<128x128xf32>
    %transpose3A_542 = tpu.transpose %get3A_541, [1, 0] : vector<128x128xf32> -> vector<128x128xf32>
    %dot_general3A_543 = arith.constant dense<0.000000e+00> : vector<400x128xf32>
    %dot_general3A_544 = tpu.matmul %get3A_538, %transpose3A_542, %dot_general3A_543 {dimension_numbers = #tpu.dot_dimension_numbers<[1], [0], [0], [1], [0, 0, 1, 1], [], []>, transpose_lhs_hint = false} : vector<400x128xf32>, vector<128x128xf32>, vector<400x128xf32> -> vector<400x128xf32>
    %add3A_545 = arith.addf %add3A_533, %dot_general3A_544 : vector<400x128xf32>
    %get3A_546 = arith.constant 19 : index
    %get3A_547 = arith.constant 0 : index
    %get3A_548 = arith.constant 0 : index
    %get3A_549 = vector.load %arg1[%get3A_546, %get3A_547, %get3A_548] : memref<20x400x128xf32, #tpu.memory_space<vmem>>, vector<1x400x128xf32>
    %get3A_550 = vector.shape_cast %get3A_549 : vector<1x400x128xf32> to vector<400x128xf32>
    %broadcast_in_dim3A_551 = vector.shape_cast %div3A_49 : vector<400xf32> to vector<400x1xf32>
    %mul3A_552 = vector.broadcast %broadcast_in_dim3A_551 : vector<400x1xf32> to vector<400x128xf32>
    %mul3A_553 = arith.mulf %get3A_550, %mul3A_552 : vector<400x128xf32>
    %get3A_554 = arith.constant 0 : index
    %get3A_555 = arith.constant 0 : index
    %get3A_556 = vector.load %arg15[%get3A_554, %get3A_555] : memref<128x128xf32, #tpu.memory_space<vmem>>, vector<128x128xf32>
    %transpose3A_557 = tpu.transpose %get3A_556, [1, 0] : vector<128x128xf32> -> vector<128x128xf32>
    %dot_general3A_558 = arith.constant dense<0.000000e+00> : vector<400x128xf32>
    %dot_general3A_559 = tpu.matmul %mul3A_553, %transpose3A_557, %dot_general3A_558 {dimension_numbers = #tpu.dot_dimension_numbers<[1], [0], [0], [1], [0, 0, 1, 1], [], []>, transpose_lhs_hint = false} : vector<400x128xf32>, vector<128x128xf32>, vector<400x128xf32> -> vector<400x128xf32>
    %add3A_560 = arith.addf %add3A_545, %dot_general3A_559 : vector<400x128xf32>
    %get3A_561 = arith.constant 0 : index
    %get3A_562 = vector.load %arg16[%get3A_561] : memref<128xf32, #tpu.memory_space<vmem>>, vector<128xf32>
    %broadcast_in_dim3A_563 = vector.shape_cast %get3A_562 : vector<128xf32> to vector<1x128xf32>
    %add3A_564 = vector.broadcast %broadcast_in_dim3A_563 : vector<1x128xf32> to vector<400x128xf32>
    %add3A_565 = arith.addf %add3A_560, %add3A_564 : vector<400x128xf32>
    %get3A_566 = arith.constant 3 : index
    %get3A_567 = arith.constant 0 : index
    %get3A_568 = arith.constant 0 : index
    %get3A_569 = vector.load %arg3[%get3A_566, %get3A_567, %get3A_568] : memref<4x400x128xf32, #tpu.memory_space<vmem>>, vector<1x400x128xf32>
    %get3A_570 = vector.shape_cast %get3A_569 : vector<1x400x128xf32> to vector<400x128xf32>
    %get3A_571 = arith.constant 0 : index
    %get3A_572 = arith.constant 0 : index
    %get3A_573 = vector.load %arg17[%get3A_571, %get3A_572] : memref<128x128xf32, #tpu.memory_space<vmem>>, vector<128x128xf32>
    %transpose3A_574 = tpu.transpose %get3A_573, [1, 0] : vector<128x128xf32> -> vector<128x128xf32>
    %dot_general3A_575 = arith.constant dense<0.000000e+00> : vector<400x128xf32>
    %dot_general3A_576 = tpu.matmul %get3A_570, %transpose3A_574, %dot_general3A_575 {dimension_numbers = #tpu.dot_dimension_numbers<[1], [0], [0], [1], [0, 0, 1, 1], [], []>, transpose_lhs_hint = false} : vector<400x128xf32>, vector<128x128xf32>, vector<400x128xf32> -> vector<400x128xf32>
    %add3A_577 = arith.addf %add3A_565, %dot_general3A_576 : vector<400x128xf32>
    %broadcast_in_dim3A_578 = arith.constant 0.000000e+00 : f32
    %broadcast_in_dim3A_579 = vector.broadcast %broadcast_in_dim3A_578 : f32 to vector<400x128xf32>
    %get3A_580 = arith.constant 0 : index
    %get3A_581 = arith.constant 0 : index
    %get3A_582 = vector.load %arg18[%get3A_580, %get3A_581] : memref<384x128xf32, #tpu.memory_space<vmem>>, vector<384x128xf32>
    %transpose3A_583 = tpu.transpose %get3A_582, [1, 0] : vector<384x128xf32> -> vector<128x384xf32>
    %dot_general3A_584 = arith.constant dense<0.000000e+00> : vector<400x384xf32>
    %dot_general3A_585 = tpu.matmul %add3A_64, %transpose3A_583, %dot_general3A_584 {dimension_numbers = #tpu.dot_dimension_numbers<[1], [0], [0], [1], [0, 0, 1, 1], [], []>, transpose_lhs_hint = false} : vector<400x128xf32>, vector<128x384xf32>, vector<400x384xf32> -> vector<400x384xf32>
    %get3A_586 = arith.constant 0 : index
    %get3A_587 = vector.load %arg20[%get3A_586] : memref<384xf32, #tpu.memory_space<vmem>>, vector<384xf32>
    %broadcast_in_dim3A_588 = vector.shape_cast %get3A_587 : vector<384xf32> to vector<1x384xf32>
    %add3A_589 = vector.broadcast %broadcast_in_dim3A_588 : vector<1x384xf32> to vector<400x384xf32>
    %add3A_590 = arith.addf %dot_general3A_585, %add3A_589 : vector<400x384xf32>
    %get3A_591 = arith.constant 0 : index
    %get3A_592 = arith.constant 0 : index
    %get3A_593 = vector.load %arg19[%get3A_591, %get3A_592] : memref<384x128xf32, #tpu.memory_space<vmem>>, vector<384x128xf32>
    %transpose3A_594 = tpu.transpose %get3A_593, [1, 0] : vector<384x128xf32> -> vector<128x384xf32>
    %dot_general3A_595 = arith.constant dense<0.000000e+00> : vector<400x384xf32>
    %dot_general3A_596 = tpu.matmul %broadcast_in_dim3A_579, %transpose3A_594, %dot_general3A_595 {dimension_numbers = #tpu.dot_dimension_numbers<[1], [0], [0], [1], [0, 0, 1, 1], [], []>, transpose_lhs_hint = false} : vector<400x128xf32>, vector<128x384xf32>, vector<400x384xf32> -> vector<400x384xf32>
    %get3A_597 = arith.constant 0 : index
    %get3A_598 = vector.load %arg21[%get3A_597] : memref<384xf32, #tpu.memory_space<vmem>>, vector<384xf32>
    %broadcast_in_dim3A_599 = vector.shape_cast %get3A_598 : vector<384xf32> to vector<1x384xf32>
    %add3A_600 = vector.broadcast %broadcast_in_dim3A_599 : vector<1x384xf32> to vector<400x384xf32>
    %add3A_601 = arith.addf %dot_general3A_596, %add3A_600 : vector<400x384xf32>
    %slice3A_602 = vector.extract_strided_slice %add3A_590 {offsets = [0, 0], sizes = [400, 128], strides = [1, 1]} : vector<400x384xf32> to vector<400x128xf32>
    %slice3A_603 = vector.extract_strided_slice %add3A_590 {offsets = [0, 128], sizes = [400, 128], strides = [1, 1]} : vector<400x384xf32> to vector<400x128xf32>
    %slice3A_604 = vector.extract_strided_slice %add3A_590 {offsets = [0, 256], sizes = [400, 128], strides = [1, 1]} : vector<400x384xf32> to vector<400x128xf32>
    %slice3A_605 = vector.extract_strided_slice %add3A_601 {offsets = [0, 0], sizes = [400, 128], strides = [1, 1]} : vector<400x384xf32> to vector<400x128xf32>
    %slice3A_606 = vector.extract_strided_slice %add3A_601 {offsets = [0, 128], sizes = [400, 128], strides = [1, 1]} : vector<400x384xf32> to vector<400x128xf32>
    %slice3A_607 = vector.extract_strided_slice %add3A_601 {offsets = [0, 256], sizes = [400, 128], strides = [1, 1]} : vector<400x384xf32> to vector<400x128xf32>
    %add3A_608 = arith.addf %slice3A_602, %slice3A_605 : vector<400x128xf32>
    %logistic3A = arith.negf %add3A_608 : vector<400x128xf32>
    %logistic3A_609 = math.exp %logistic3A : vector<400x128xf32>
    %logistic3A_610 = arith.constant 1.000000e+00 : f32
    %logistic3A_611 = vector.broadcast %logistic3A_610 : f32 to vector<400x128xf32>
    %logistic3A_612 = arith.addf %logistic3A_611, %logistic3A_609 : vector<400x128xf32>
    %logistic3A_613 = arith.divf %logistic3A_611, %logistic3A_612 : vector<400x128xf32>
    %add3A_614 = arith.addf %slice3A_603, %slice3A_606 : vector<400x128xf32>
    %logistic3A_615 = arith.negf %add3A_614 : vector<400x128xf32>
    %logistic3A_616 = math.exp %logistic3A_615 : vector<400x128xf32>
    %logistic3A_617 = arith.constant 1.000000e+00 : f32
    %logistic3A_618 = vector.broadcast %logistic3A_617 : f32 to vector<400x128xf32>
    %logistic3A_619 = arith.addf %logistic3A_618, %logistic3A_616 : vector<400x128xf32>
    %logistic3A_620 = arith.divf %logistic3A_618, %logistic3A_619 : vector<400x128xf32>
    %mul3A_621 = arith.mulf %logistic3A_613, %slice3A_607 : vector<400x128xf32>
    %add3A_622 = arith.addf %slice3A_604, %mul3A_621 : vector<400x128xf32>
    %tanh3A = math.tanh %add3A_622 : vector<400x128xf32>
    %sub3A = arith.constant 1.000000e+00 : f32
    %sub3A_623 = vector.broadcast %sub3A : f32 to vector<400x128xf32>
    %sub3A_624 = arith.subf %sub3A_623, %logistic3A_620 : vector<400x128xf32>
    %mul3A_625 = arith.mulf %sub3A_624, %tanh3A : vector<400x128xf32>
    %mul3A_626 = arith.mulf %logistic3A_620, %broadcast_in_dim3A_579 : vector<400x128xf32>
    %add3A_627 = arith.addf %mul3A_625, %mul3A_626 : vector<400x128xf32>
    %get3A_628 = arith.constant 0 : index
    %get3A_629 = arith.constant 0 : index
    %get3A_630 = vector.load %arg18[%get3A_628, %get3A_629] : memref<384x128xf32, #tpu.memory_space<vmem>>, vector<384x128xf32>
    %transpose3A_631 = tpu.transpose %get3A_630, [1, 0] : vector<384x128xf32> -> vector<128x384xf32>
    %dot_general3A_632 = arith.constant dense<0.000000e+00> : vector<400x384xf32>
    %dot_general3A_633 = tpu.matmul %add3A_197, %transpose3A_631, %dot_general3A_632 {dimension_numbers = #tpu.dot_dimension_numbers<[1], [0], [0], [1], [0, 0, 1, 1], [], []>, transpose_lhs_hint = false} : vector<400x128xf32>, vector<128x384xf32>, vector<400x384xf32> -> vector<400x384xf32>
    %get3A_634 = arith.constant 0 : index
    %get3A_635 = vector.load %arg20[%get3A_634] : memref<384xf32, #tpu.memory_space<vmem>>, vector<384xf32>
    %broadcast_in_dim3A_636 = vector.shape_cast %get3A_635 : vector<384xf32> to vector<1x384xf32>
    %add3A_637 = vector.broadcast %broadcast_in_dim3A_636 : vector<1x384xf32> to vector<400x384xf32>
    %add3A_638 = arith.addf %dot_general3A_633, %add3A_637 : vector<400x384xf32>
    %get3A_639 = arith.constant 0 : index
    %get3A_640 = arith.constant 0 : index
    %get3A_641 = vector.load %arg19[%get3A_639, %get3A_640] : memref<384x128xf32, #tpu.memory_space<vmem>>, vector<384x128xf32>
    %transpose3A_642 = tpu.transpose %get3A_641, [1, 0] : vector<384x128xf32> -> vector<128x384xf32>
    %dot_general3A_643 = arith.constant dense<0.000000e+00> : vector<400x384xf32>
    %dot_general3A_644 = tpu.matmul %add3A_627, %transpose3A_642, %dot_general3A_643 {dimension_numbers = #tpu.dot_dimension_numbers<[1], [0], [0], [1], [0, 0, 1, 1], [], []>, transpose_lhs_hint = false} : vector<400x128xf32>, vector<128x384xf32>, vector<400x384xf32> -> vector<400x384xf32>
    %get3A_645 = arith.constant 0 : index
    %get3A_646 = vector.load %arg21[%get3A_645] : memref<384xf32, #tpu.memory_space<vmem>>, vector<384xf32>
    %broadcast_in_dim3A_647 = vector.shape_cast %get3A_646 : vector<384xf32> to vector<1x384xf32>
    %add3A_648 = vector.broadcast %broadcast_in_dim3A_647 : vector<1x384xf32> to vector<400x384xf32>
    %add3A_649 = arith.addf %dot_general3A_644, %add3A_648 : vector<400x384xf32>
    %slice3A_650 = vector.extract_strided_slice %add3A_638 {offsets = [0, 0], sizes = [400, 128], strides = [1, 1]} : vector<400x384xf32> to vector<400x128xf32>
    %slice3A_651 = vector.extract_strided_slice %add3A_638 {offsets = [0, 128], sizes = [400, 128], strides = [1, 1]} : vector<400x384xf32> to vector<400x128xf32>
    %slice3A_652 = vector.extract_strided_slice %add3A_638 {offsets = [0, 256], sizes = [400, 128], strides = [1, 1]} : vector<400x384xf32> to vector<400x128xf32>
    %slice3A_653 = vector.extract_strided_slice %add3A_649 {offsets = [0, 0], sizes = [400, 128], strides = [1, 1]} : vector<400x384xf32> to vector<400x128xf32>
    %slice3A_654 = vector.extract_strided_slice %add3A_649 {offsets = [0, 128], sizes = [400, 128], strides = [1, 1]} : vector<400x384xf32> to vector<400x128xf32>
    %slice3A_655 = vector.extract_strided_slice %add3A_649 {offsets = [0, 256], sizes = [400, 128], strides = [1, 1]} : vector<400x384xf32> to vector<400x128xf32>
    %add3A_656 = arith.addf %slice3A_650, %slice3A_653 : vector<400x128xf32>
    %logistic3A_657 = arith.negf %add3A_656 : vector<400x128xf32>
    %logistic3A_658 = math.exp %logistic3A_657 : vector<400x128xf32>
    %logistic3A_659 = arith.constant 1.000000e+00 : f32
    %logistic3A_660 = vector.broadcast %logistic3A_659 : f32 to vector<400x128xf32>
    %logistic3A_661 = arith.addf %logistic3A_660, %logistic3A_658 : vector<400x128xf32>
    %logistic3A_662 = arith.divf %logistic3A_660, %logistic3A_661 : vector<400x128xf32>
    %add3A_663 = arith.addf %slice3A_651, %slice3A_654 : vector<400x128xf32>
    %logistic3A_664 = arith.negf %add3A_663 : vector<400x128xf32>
    %logistic3A_665 = math.exp %logistic3A_664 : vector<400x128xf32>
    %logistic3A_666 = arith.constant 1.000000e+00 : f32
    %logistic3A_667 = vector.broadcast %logistic3A_666 : f32 to vector<400x128xf32>
    %logistic3A_668 = arith.addf %logistic3A_667, %logistic3A_665 : vector<400x128xf32>
    %logistic3A_669 = arith.divf %logistic3A_667, %logistic3A_668 : vector<400x128xf32>
    %mul3A_670 = arith.mulf %logistic3A_662, %slice3A_655 : vector<400x128xf32>
    %add3A_671 = arith.addf %slice3A_652, %mul3A_670 : vector<400x128xf32>
    %tanh3A_672 = math.tanh %add3A_671 : vector<400x128xf32>
    %sub3A_673 = arith.constant 1.000000e+00 : f32
    %sub3A_674 = vector.broadcast %sub3A_673 : f32 to vector<400x128xf32>
    %sub3A_675 = arith.subf %sub3A_674, %logistic3A_669 : vector<400x128xf32>
    %mul3A_676 = arith.mulf %sub3A_675, %tanh3A_672 : vector<400x128xf32>
    %mul3A_677 = arith.mulf %logistic3A_669, %add3A_627 : vector<400x128xf32>
    %add3A_678 = arith.addf %mul3A_676, %mul3A_677 : vector<400x128xf32>
    %get3A_679 = arith.constant 0 : index
    %get3A_680 = arith.constant 0 : index
    %get3A_681 = vector.load %arg18[%get3A_679, %get3A_680] : memref<384x128xf32, #tpu.memory_space<vmem>>, vector<384x128xf32>
    %transpose3A_682 = tpu.transpose %get3A_681, [1, 0] : vector<384x128xf32> -> vector<128x384xf32>
    %dot_general3A_683 = arith.constant dense<0.000000e+00> : vector<400x384xf32>
    %dot_general3A_684 = tpu.matmul %add3A_330, %transpose3A_682, %dot_general3A_683 {dimension_numbers = #tpu.dot_dimension_numbers<[1], [0], [0], [1], [0, 0, 1, 1], [], []>, transpose_lhs_hint = false} : vector<400x128xf32>, vector<128x384xf32>, vector<400x384xf32> -> vector<400x384xf32>
    %get3A_685 = arith.constant 0 : index
    %get3A_686 = vector.load %arg20[%get3A_685] : memref<384xf32, #tpu.memory_space<vmem>>, vector<384xf32>
    %broadcast_in_dim3A_687 = vector.shape_cast %get3A_686 : vector<384xf32> to vector<1x384xf32>
    %add3A_688 = vector.broadcast %broadcast_in_dim3A_687 : vector<1x384xf32> to vector<400x384xf32>
    %add3A_689 = arith.addf %dot_general3A_684, %add3A_688 : vector<400x384xf32>
    %get3A_690 = arith.constant 0 : index
    %get3A_691 = arith.constant 0 : index
    %get3A_692 = vector.load %arg19[%get3A_690, %get3A_691] : memref<384x128xf32, #tpu.memory_space<vmem>>, vector<384x128xf32>
    %transpose3A_693 = tpu.transpose %get3A_692, [1, 0] : vector<384x128xf32> -> vector<128x384xf32>
    %dot_general3A_694 = arith.constant dense<0.000000e+00> : vector<400x384xf32>
    %dot_general3A_695 = tpu.matmul %add3A_678, %transpose3A_693, %dot_general3A_694 {dimension_numbers = #tpu.dot_dimension_numbers<[1], [0], [0], [1], [0, 0, 1, 1], [], []>, transpose_lhs_hint = false} : vector<400x128xf32>, vector<128x384xf32>, vector<400x384xf32> -> vector<400x384xf32>
    %get3A_696 = arith.constant 0 : index
    %get3A_697 = vector.load %arg21[%get3A_696] : memref<384xf32, #tpu.memory_space<vmem>>, vector<384xf32>
    %broadcast_in_dim3A_698 = vector.shape_cast %get3A_697 : vector<384xf32> to vector<1x384xf32>
    %add3A_699 = vector.broadcast %broadcast_in_dim3A_698 : vector<1x384xf32> to vector<400x384xf32>
    %add3A_700 = arith.addf %dot_general3A_695, %add3A_699 : vector<400x384xf32>
    %slice3A_701 = vector.extract_strided_slice %add3A_689 {offsets = [0, 0], sizes = [400, 128], strides = [1, 1]} : vector<400x384xf32> to vector<400x128xf32>
    %slice3A_702 = vector.extract_strided_slice %add3A_689 {offsets = [0, 128], sizes = [400, 128], strides = [1, 1]} : vector<400x384xf32> to vector<400x128xf32>
    %slice3A_703 = vector.extract_strided_slice %add3A_689 {offsets = [0, 256], sizes = [400, 128], strides = [1, 1]} : vector<400x384xf32> to vector<400x128xf32>
    %slice3A_704 = vector.extract_strided_slice %add3A_700 {offsets = [0, 0], sizes = [400, 128], strides = [1, 1]} : vector<400x384xf32> to vector<400x128xf32>
    %slice3A_705 = vector.extract_strided_slice %add3A_700 {offsets = [0, 128], sizes = [400, 128], strides = [1, 1]} : vector<400x384xf32> to vector<400x128xf32>
    %slice3A_706 = vector.extract_strided_slice %add3A_700 {offsets = [0, 256], sizes = [400, 128], strides = [1, 1]} : vector<400x384xf32> to vector<400x128xf32>
    %add3A_707 = arith.addf %slice3A_701, %slice3A_704 : vector<400x128xf32>
    %logistic3A_708 = arith.negf %add3A_707 : vector<400x128xf32>
    %logistic3A_709 = math.exp %logistic3A_708 : vector<400x128xf32>
    %logistic3A_710 = arith.constant 1.000000e+00 : f32
    %logistic3A_711 = vector.broadcast %logistic3A_710 : f32 to vector<400x128xf32>
    %logistic3A_712 = arith.addf %logistic3A_711, %logistic3A_709 : vector<400x128xf32>
    %logistic3A_713 = arith.divf %logistic3A_711, %logistic3A_712 : vector<400x128xf32>
    %add3A_714 = arith.addf %slice3A_702, %slice3A_705 : vector<400x128xf32>
    %logistic3A_715 = arith.negf %add3A_714 : vector<400x128xf32>
    %logistic3A_716 = math.exp %logistic3A_715 : vector<400x128xf32>
    %logistic3A_717 = arith.constant 1.000000e+00 : f32
    %logistic3A_718 = vector.broadcast %logistic3A_717 : f32 to vector<400x128xf32>
    %logistic3A_719 = arith.addf %logistic3A_718, %logistic3A_716 : vector<400x128xf32>
    %logistic3A_720 = arith.divf %logistic3A_718, %logistic3A_719 : vector<400x128xf32>
    %mul3A_721 = arith.mulf %logistic3A_713, %slice3A_706 : vector<400x128xf32>
    %add3A_722 = arith.addf %slice3A_703, %mul3A_721 : vector<400x128xf32>
    %tanh3A_723 = math.tanh %add3A_722 : vector<400x128xf32>
    %sub3A_724 = arith.constant 1.000000e+00 : f32
    %sub3A_725 = vector.broadcast %sub3A_724 : f32 to vector<400x128xf32>
    %sub3A_726 = arith.subf %sub3A_725, %logistic3A_720 : vector<400x128xf32>
    %mul3A_727 = arith.mulf %sub3A_726, %tanh3A_723 : vector<400x128xf32>
    %mul3A_728 = arith.mulf %logistic3A_720, %add3A_678 : vector<400x128xf32>
    %add3A_729 = arith.addf %mul3A_727, %mul3A_728 : vector<400x128xf32>
    %get3A_730 = arith.constant 0 : index
    %get3A_731 = arith.constant 0 : index
    %get3A_732 = vector.load %arg18[%get3A_730, %get3A_731] : memref<384x128xf32, #tpu.memory_space<vmem>>, vector<384x128xf32>
    %transpose3A_733 = tpu.transpose %get3A_732, [1, 0] : vector<384x128xf32> -> vector<128x384xf32>
    %dot_general3A_734 = arith.constant dense<0.000000e+00> : vector<400x384xf32>
    %dot_general3A_735 = tpu.matmul %add3A_463, %transpose3A_733, %dot_general3A_734 {dimension_numbers = #tpu.dot_dimension_numbers<[1], [0], [0], [1], [0, 0, 1, 1], [], []>, transpose_lhs_hint = false} : vector<400x128xf32>, vector<128x384xf32>, vector<400x384xf32> -> vector<400x384xf32>
    %get3A_736 = arith.constant 0 : index
    %get3A_737 = vector.load %arg20[%get3A_736] : memref<384xf32, #tpu.memory_space<vmem>>, vector<384xf32>
    %broadcast_in_dim3A_738 = vector.shape_cast %get3A_737 : vector<384xf32> to vector<1x384xf32>
    %add3A_739 = vector.broadcast %broadcast_in_dim3A_738 : vector<1x384xf32> to vector<400x384xf32>
    %add3A_740 = arith.addf %dot_general3A_735, %add3A_739 : vector<400x384xf32>
    %get3A_741 = arith.constant 0 : index
    %get3A_742 = arith.constant 0 : index
    %get3A_743 = vector.load %arg19[%get3A_741, %get3A_742] : memref<384x128xf32, #tpu.memory_space<vmem>>, vector<384x128xf32>
    %transpose3A_744 = tpu.transpose %get3A_743, [1, 0] : vector<384x128xf32> -> vector<128x384xf32>
    %dot_general3A_745 = arith.constant dense<0.000000e+00> : vector<400x384xf32>
    %dot_general3A_746 = tpu.matmul %add3A_729, %transpose3A_744, %dot_general3A_745 {dimension_numbers = #tpu.dot_dimension_numbers<[1], [0], [0], [1], [0, 0, 1, 1], [], []>, transpose_lhs_hint = false} : vector<400x128xf32>, vector<128x384xf32>, vector<400x384xf32> -> vector<400x384xf32>
    %get3A_747 = arith.constant 0 : index
    %get3A_748 = vector.load %arg21[%get3A_747] : memref<384xf32, #tpu.memory_space<vmem>>, vector<384xf32>
    %broadcast_in_dim3A_749 = vector.shape_cast %get3A_748 : vector<384xf32> to vector<1x384xf32>
    %add3A_750 = vector.broadcast %broadcast_in_dim3A_749 : vector<1x384xf32> to vector<400x384xf32>
    %add3A_751 = arith.addf %dot_general3A_746, %add3A_750 : vector<400x384xf32>
    %slice3A_752 = vector.extract_strided_slice %add3A_740 {offsets = [0, 0], sizes = [400, 128], strides = [1, 1]} : vector<400x384xf32> to vector<400x128xf32>
    %slice3A_753 = vector.extract_strided_slice %add3A_740 {offsets = [0, 128], sizes = [400, 128], strides = [1, 1]} : vector<400x384xf32> to vector<400x128xf32>
    %slice3A_754 = vector.extract_strided_slice %add3A_740 {offsets = [0, 256], sizes = [400, 128], strides = [1, 1]} : vector<400x384xf32> to vector<400x128xf32>
    %slice3A_755 = vector.extract_strided_slice %add3A_751 {offsets = [0, 0], sizes = [400, 128], strides = [1, 1]} : vector<400x384xf32> to vector<400x128xf32>
    %slice3A_756 = vector.extract_strided_slice %add3A_751 {offsets = [0, 128], sizes = [400, 128], strides = [1, 1]} : vector<400x384xf32> to vector<400x128xf32>
    %slice3A_757 = vector.extract_strided_slice %add3A_751 {offsets = [0, 256], sizes = [400, 128], strides = [1, 1]} : vector<400x384xf32> to vector<400x128xf32>
    %add3A_758 = arith.addf %slice3A_752, %slice3A_755 : vector<400x128xf32>
    %logistic3A_759 = arith.negf %add3A_758 : vector<400x128xf32>
    %logistic3A_760 = math.exp %logistic3A_759 : vector<400x128xf32>
    %logistic3A_761 = arith.constant 1.000000e+00 : f32
    %logistic3A_762 = vector.broadcast %logistic3A_761 : f32 to vector<400x128xf32>
    %logistic3A_763 = arith.addf %logistic3A_762, %logistic3A_760 : vector<400x128xf32>
    %logistic3A_764 = arith.divf %logistic3A_762, %logistic3A_763 : vector<400x128xf32>
    %add3A_765 = arith.addf %slice3A_753, %slice3A_756 : vector<400x128xf32>
    %logistic3A_766 = arith.negf %add3A_765 : vector<400x128xf32>
    %logistic3A_767 = math.exp %logistic3A_766 : vector<400x128xf32>
    %logistic3A_768 = arith.constant 1.000000e+00 : f32
    %logistic3A_769 = vector.broadcast %logistic3A_768 : f32 to vector<400x128xf32>
    %logistic3A_770 = arith.addf %logistic3A_769, %logistic3A_767 : vector<400x128xf32>
    %logistic3A_771 = arith.divf %logistic3A_769, %logistic3A_770 : vector<400x128xf32>
    %mul3A_772 = arith.mulf %logistic3A_764, %slice3A_757 : vector<400x128xf32>
    %add3A_773 = arith.addf %slice3A_754, %mul3A_772 : vector<400x128xf32>
    %tanh3A_774 = math.tanh %add3A_773 : vector<400x128xf32>
    %sub3A_775 = arith.constant 1.000000e+00 : f32
    %sub3A_776 = vector.broadcast %sub3A_775 : f32 to vector<400x128xf32>
    %sub3A_777 = arith.subf %sub3A_776, %logistic3A_771 : vector<400x128xf32>
    %mul3A_778 = arith.mulf %sub3A_777, %tanh3A_774 : vector<400x128xf32>
    %mul3A_779 = arith.mulf %logistic3A_771, %add3A_729 : vector<400x128xf32>
    %add3A_780 = arith.addf %mul3A_778, %mul3A_779 : vector<400x128xf32>
    %reduce_sum3A = arith.constant dense<0.000000e+00> : vector<128xf32>
    %reduce_sum3A_781 = vector.multi_reduction <add>, %add3A_780, %reduce_sum3A [0] : vector<400x128xf32> to vector<128xf32>
    %broadcast_in_dim3A_782 = arith.constant 0.000000e+00 : f32
    %broadcast_in_dim3A_783 = vector.broadcast %broadcast_in_dim3A_782 : f32 to vector<400x128xf32>
    %get3A_784 = arith.constant 0 : index
    %get3A_785 = arith.constant 0 : index
    %get3A_786 = vector.load %arg18[%get3A_784, %get3A_785] : memref<384x128xf32, #tpu.memory_space<vmem>>, vector<384x128xf32>
    %transpose3A_787 = tpu.transpose %get3A_786, [1, 0] : vector<384x128xf32> -> vector<128x384xf32>
    %dot_general3A_788 = arith.constant dense<0.000000e+00> : vector<400x384xf32>
    %dot_general3A_789 = tpu.matmul %add3A_115, %transpose3A_787, %dot_general3A_788 {dimension_numbers = #tpu.dot_dimension_numbers<[1], [0], [0], [1], [0, 0, 1, 1], [], []>, transpose_lhs_hint = false} : vector<400x128xf32>, vector<128x384xf32>, vector<400x384xf32> -> vector<400x384xf32>
    %get3A_790 = arith.constant 0 : index
    %get3A_791 = vector.load %arg20[%get3A_790] : memref<384xf32, #tpu.memory_space<vmem>>, vector<384xf32>
    %broadcast_in_dim3A_792 = vector.shape_cast %get3A_791 : vector<384xf32> to vector<1x384xf32>
    %add3A_793 = vector.broadcast %broadcast_in_dim3A_792 : vector<1x384xf32> to vector<400x384xf32>
    %add3A_794 = arith.addf %dot_general3A_789, %add3A_793 : vector<400x384xf32>
    %get3A_795 = arith.constant 0 : index
    %get3A_796 = arith.constant 0 : index
    %get3A_797 = vector.load %arg19[%get3A_795, %get3A_796] : memref<384x128xf32, #tpu.memory_space<vmem>>, vector<384x128xf32>
    %transpose3A_798 = tpu.transpose %get3A_797, [1, 0] : vector<384x128xf32> -> vector<128x384xf32>
    %dot_general3A_799 = arith.constant dense<0.000000e+00> : vector<400x384xf32>
    %dot_general3A_800 = tpu.matmul %broadcast_in_dim3A_783, %transpose3A_798, %dot_general3A_799 {dimension_numbers = #tpu.dot_dimension_numbers<[1], [0], [0], [1], [0, 0, 1, 1], [], []>, transpose_lhs_hint = false} : vector<400x128xf32>, vector<128x384xf32>, vector<400x384xf32> -> vector<400x384xf32>
    %get3A_801 = arith.constant 0 : index
    %get3A_802 = vector.load %arg21[%get3A_801] : memref<384xf32, #tpu.memory_space<vmem>>, vector<384xf32>
    %broadcast_in_dim3A_803 = vector.shape_cast %get3A_802 : vector<384xf32> to vector<1x384xf32>
    %add3A_804 = vector.broadcast %broadcast_in_dim3A_803 : vector<1x384xf32> to vector<400x384xf32>
    %add3A_805 = arith.addf %dot_general3A_800, %add3A_804 : vector<400x384xf32>
    %slice3A_806 = vector.extract_strided_slice %add3A_794 {offsets = [0, 0], sizes = [400, 128], strides = [1, 1]} : vector<400x384xf32> to vector<400x128xf32>
    %slice3A_807 = vector.extract_strided_slice %add3A_794 {offsets = [0, 128], sizes = [400, 128], strides = [1, 1]} : vector<400x384xf32> to vector<400x128xf32>
    %slice3A_808 = vector.extract_strided_slice %add3A_794 {offsets = [0, 256], sizes = [400, 128], strides = [1, 1]} : vector<400x384xf32> to vector<400x128xf32>
    %slice3A_809 = vector.extract_strided_slice %add3A_805 {offsets = [0, 0], sizes = [400, 128], strides = [1, 1]} : vector<400x384xf32> to vector<400x128xf32>
    %slice3A_810 = vector.extract_strided_slice %add3A_805 {offsets = [0, 128], sizes = [400, 128], strides = [1, 1]} : vector<400x384xf32> to vector<400x128xf32>
    %slice3A_811 = vector.extract_strided_slice %add3A_805 {offsets = [0, 256], sizes = [400, 128], strides = [1, 1]} : vector<400x384xf32> to vector<400x128xf32>
    %add3A_812 = arith.addf %slice3A_806, %slice3A_809 : vector<400x128xf32>
    %logistic3A_813 = arith.negf %add3A_812 : vector<400x128xf32>
    %logistic3A_814 = math.exp %logistic3A_813 : vector<400x128xf32>
    %logistic3A_815 = arith.constant 1.000000e+00 : f32
    %logistic3A_816 = vector.broadcast %logistic3A_815 : f32 to vector<400x128xf32>
    %logistic3A_817 = arith.addf %logistic3A_816, %logistic3A_814 : vector<400x128xf32>
    %logistic3A_818 = arith.divf %logistic3A_816, %logistic3A_817 : vector<400x128xf32>
    %add3A_819 = arith.addf %slice3A_807, %slice3A_810 : vector<400x128xf32>
    %logistic3A_820 = arith.negf %add3A_819 : vector<400x128xf32>
    %logistic3A_821 = math.exp %logistic3A_820 : vector<400x128xf32>
    %logistic3A_822 = arith.constant 1.000000e+00 : f32
    %logistic3A_823 = vector.broadcast %logistic3A_822 : f32 to vector<400x128xf32>
    %logistic3A_824 = arith.addf %logistic3A_823, %logistic3A_821 : vector<400x128xf32>
    %logistic3A_825 = arith.divf %logistic3A_823, %logistic3A_824 : vector<400x128xf32>
    %mul3A_826 = arith.mulf %logistic3A_818, %slice3A_811 : vector<400x128xf32>
    %add3A_827 = arith.addf %slice3A_808, %mul3A_826 : vector<400x128xf32>
    %tanh3A_828 = math.tanh %add3A_827 : vector<400x128xf32>
    %sub3A_829 = arith.constant 1.000000e+00 : f32
    %sub3A_830 = vector.broadcast %sub3A_829 : f32 to vector<400x128xf32>
    %sub3A_831 = arith.subf %sub3A_830, %logistic3A_825 : vector<400x128xf32>
    %mul3A_832 = arith.mulf %sub3A_831, %tanh3A_828 : vector<400x128xf32>
    %mul3A_833 = arith.mulf %logistic3A_825, %broadcast_in_dim3A_783 : vector<400x128xf32>
    %add3A_834 = arith.addf %mul3A_832, %mul3A_833 : vector<400x128xf32>
    %get3A_835 = arith.constant 0 : index
    %get3A_836 = arith.constant 0 : index
    %get3A_837 = vector.load %arg18[%get3A_835, %get3A_836] : memref<384x128xf32, #tpu.memory_space<vmem>>, vector<384x128xf32>
    %transpose3A_838 = tpu.transpose %get3A_837, [1, 0] : vector<384x128xf32> -> vector<128x384xf32>
    %dot_general3A_839 = arith.constant dense<0.000000e+00> : vector<400x384xf32>
    %dot_general3A_840 = tpu.matmul %add3A_248, %transpose3A_838, %dot_general3A_839 {dimension_numbers = #tpu.dot_dimension_numbers<[1], [0], [0], [1], [0, 0, 1, 1], [], []>, transpose_lhs_hint = false} : vector<400x128xf32>, vector<128x384xf32>, vector<400x384xf32> -> vector<400x384xf32>
    %get3A_841 = arith.constant 0 : index
    %get3A_842 = vector.load %arg20[%get3A_841] : memref<384xf32, #tpu.memory_space<vmem>>, vector<384xf32>
    %broadcast_in_dim3A_843 = vector.shape_cast %get3A_842 : vector<384xf32> to vector<1x384xf32>
    %add3A_844 = vector.broadcast %broadcast_in_dim3A_843 : vector<1x384xf32> to vector<400x384xf32>
    %add3A_845 = arith.addf %dot_general3A_840, %add3A_844 : vector<400x384xf32>
    %get3A_846 = arith.constant 0 : index
    %get3A_847 = arith.constant 0 : index
    %get3A_848 = vector.load %arg19[%get3A_846, %get3A_847] : memref<384x128xf32, #tpu.memory_space<vmem>>, vector<384x128xf32>
    %transpose3A_849 = tpu.transpose %get3A_848, [1, 0] : vector<384x128xf32> -> vector<128x384xf32>
    %dot_general3A_850 = arith.constant dense<0.000000e+00> : vector<400x384xf32>
    %dot_general3A_851 = tpu.matmul %add3A_834, %transpose3A_849, %dot_general3A_850 {dimension_numbers = #tpu.dot_dimension_numbers<[1], [0], [0], [1], [0, 0, 1, 1], [], []>, transpose_lhs_hint = false} : vector<400x128xf32>, vector<128x384xf32>, vector<400x384xf32> -> vector<400x384xf32>
    %get3A_852 = arith.constant 0 : index
    %get3A_853 = vector.load %arg21[%get3A_852] : memref<384xf32, #tpu.memory_space<vmem>>, vector<384xf32>
    %broadcast_in_dim3A_854 = vector.shape_cast %get3A_853 : vector<384xf32> to vector<1x384xf32>
    %add3A_855 = vector.broadcast %broadcast_in_dim3A_854 : vector<1x384xf32> to vector<400x384xf32>
    %add3A_856 = arith.addf %dot_general3A_851, %add3A_855 : vector<400x384xf32>
    %slice3A_857 = vector.extract_strided_slice %add3A_845 {offsets = [0, 0], sizes = [400, 128], strides = [1, 1]} : vector<400x384xf32> to vector<400x128xf32>
    %slice3A_858 = vector.extract_strided_slice %add3A_845 {offsets = [0, 128], sizes = [400, 128], strides = [1, 1]} : vector<400x384xf32> to vector<400x128xf32>
    %slice3A_859 = vector.extract_strided_slice %add3A_845 {offsets = [0, 256], sizes = [400, 128], strides = [1, 1]} : vector<400x384xf32> to vector<400x128xf32>
    %slice3A_860 = vector.extract_strided_slice %add3A_856 {offsets = [0, 0], sizes = [400, 128], strides = [1, 1]} : vector<400x384xf32> to vector<400x128xf32>
    %slice3A_861 = vector.extract_strided_slice %add3A_856 {offsets = [0, 128], sizes = [400, 128], strides = [1, 1]} : vector<400x384xf32> to vector<400x128xf32>
    %slice3A_862 = vector.extract_strided_slice %add3A_856 {offsets = [0, 256], sizes = [400, 128], strides = [1, 1]} : vector<400x384xf32> to vector<400x128xf32>
    %add3A_863 = arith.addf %slice3A_857, %slice3A_860 : vector<400x128xf32>
    %logistic3A_864 = arith.negf %add3A_863 : vector<400x128xf32>
    %logistic3A_865 = math.exp %logistic3A_864 : vector<400x128xf32>
    %logistic3A_866 = arith.constant 1.000000e+00 : f32
    %logistic3A_867 = vector.broadcast %logistic3A_866 : f32 to vector<400x128xf32>
    %logistic3A_868 = arith.addf %logistic3A_867, %logistic3A_865 : vector<400x128xf32>
    %logistic3A_869 = arith.divf %logistic3A_867, %logistic3A_868 : vector<400x128xf32>
    %add3A_870 = arith.addf %slice3A_858, %slice3A_861 : vector<400x128xf32>
    %logistic3A_871 = arith.negf %add3A_870 : vector<400x128xf32>
    %logistic3A_872 = math.exp %logistic3A_871 : vector<400x128xf32>
    %logistic3A_873 = arith.constant 1.000000e+00 : f32
    %logistic3A_874 = vector.broadcast %logistic3A_873 : f32 to vector<400x128xf32>
    %logistic3A_875 = arith.addf %logistic3A_874, %logistic3A_872 : vector<400x128xf32>
    %logistic3A_876 = arith.divf %logistic3A_874, %logistic3A_875 : vector<400x128xf32>
    %mul3A_877 = arith.mulf %logistic3A_869, %slice3A_862 : vector<400x128xf32>
    %add3A_878 = arith.addf %slice3A_859, %mul3A_877 : vector<400x128xf32>
    %tanh3A_879 = math.tanh %add3A_878 : vector<400x128xf32>
    %sub3A_880 = arith.constant 1.000000e+00 : f32
    %sub3A_881 = vector.broadcast %sub3A_880 : f32 to vector<400x128xf32>
    %sub3A_882 = arith.subf %sub3A_881, %logistic3A_876 : vector<400x128xf32>
    %mul3A_883 = arith.mulf %sub3A_882, %tanh3A_879 : vector<400x128xf32>
    %mul3A_884 = arith.mulf %logistic3A_876, %add3A_834 : vector<400x128xf32>
    %add3A_885 = arith.addf %mul3A_883, %mul3A_884 : vector<400x128xf32>
    %get3A_886 = arith.constant 0 : index
    %get3A_887 = arith.constant 0 : index
    %get3A_888 = vector.load %arg18[%get3A_886, %get3A_887] : memref<384x128xf32, #tpu.memory_space<vmem>>, vector<384x128xf32>
    %transpose3A_889 = tpu.transpose %get3A_888, [1, 0] : vector<384x128xf32> -> vector<128x384xf32>
    %dot_general3A_890 = arith.constant dense<0.000000e+00> : vector<400x384xf32>
    %dot_general3A_891 = tpu.matmul %add3A_381, %transpose3A_889, %dot_general3A_890 {dimension_numbers = #tpu.dot_dimension_numbers<[1], [0], [0], [1], [0, 0, 1, 1], [], []>, transpose_lhs_hint = false} : vector<400x128xf32>, vector<128x384xf32>, vector<400x384xf32> -> vector<400x384xf32>
    %get3A_892 = arith.constant 0 : index
    %get3A_893 = vector.load %arg20[%get3A_892] : memref<384xf32, #tpu.memory_space<vmem>>, vector<384xf32>
    %broadcast_in_dim3A_894 = vector.shape_cast %get3A_893 : vector<384xf32> to vector<1x384xf32>
    %add3A_895 = vector.broadcast %broadcast_in_dim3A_894 : vector<1x384xf32> to vector<400x384xf32>
    %add3A_896 = arith.addf %dot_general3A_891, %add3A_895 : vector<400x384xf32>
    %get3A_897 = arith.constant 0 : index
    %get3A_898 = arith.constant 0 : index
    %get3A_899 = vector.load %arg19[%get3A_897, %get3A_898] : memref<384x128xf32, #tpu.memory_space<vmem>>, vector<384x128xf32>
    %transpose3A_900 = tpu.transpose %get3A_899, [1, 0] : vector<384x128xf32> -> vector<128x384xf32>
    %dot_general3A_901 = arith.constant dense<0.000000e+00> : vector<400x384xf32>
    %dot_general3A_902 = tpu.matmul %add3A_885, %transpose3A_900, %dot_general3A_901 {dimension_numbers = #tpu.dot_dimension_numbers<[1], [0], [0], [1], [0, 0, 1, 1], [], []>, transpose_lhs_hint = false} : vector<400x128xf32>, vector<128x384xf32>, vector<400x384xf32> -> vector<400x384xf32>
    %get3A_903 = arith.constant 0 : index
    %get3A_904 = vector.load %arg21[%get3A_903] : memref<384xf32, #tpu.memory_space<vmem>>, vector<384xf32>
    %broadcast_in_dim3A_905 = vector.shape_cast %get3A_904 : vector<384xf32> to vector<1x384xf32>
    %add3A_906 = vector.broadcast %broadcast_in_dim3A_905 : vector<1x384xf32> to vector<400x384xf32>
    %add3A_907 = arith.addf %dot_general3A_902, %add3A_906 : vector<400x384xf32>
    %slice3A_908 = vector.extract_strided_slice %add3A_896 {offsets = [0, 0], sizes = [400, 128], strides = [1, 1]} : vector<400x384xf32> to vector<400x128xf32>
    %slice3A_909 = vector.extract_strided_slice %add3A_896 {offsets = [0, 128], sizes = [400, 128], strides = [1, 1]} : vector<400x384xf32> to vector<400x128xf32>
    %slice3A_910 = vector.extract_strided_slice %add3A_896 {offsets = [0, 256], sizes = [400, 128], strides = [1, 1]} : vector<400x384xf32> to vector<400x128xf32>
    %slice3A_911 = vector.extract_strided_slice %add3A_907 {offsets = [0, 0], sizes = [400, 128], strides = [1, 1]} : vector<400x384xf32> to vector<400x128xf32>
    %slice3A_912 = vector.extract_strided_slice %add3A_907 {offsets = [0, 128], sizes = [400, 128], strides = [1, 1]} : vector<400x384xf32> to vector<400x128xf32>
    %slice3A_913 = vector.extract_strided_slice %add3A_907 {offsets = [0, 256], sizes = [400, 128], strides = [1, 1]} : vector<400x384xf32> to vector<400x128xf32>
    %add3A_914 = arith.addf %slice3A_908, %slice3A_911 : vector<400x128xf32>
    %logistic3A_915 = arith.negf %add3A_914 : vector<400x128xf32>
    %logistic3A_916 = math.exp %logistic3A_915 : vector<400x128xf32>
    %logistic3A_917 = arith.constant 1.000000e+00 : f32
    %logistic3A_918 = vector.broadcast %logistic3A_917 : f32 to vector<400x128xf32>
    %logistic3A_919 = arith.addf %logistic3A_918, %logistic3A_916 : vector<400x128xf32>
    %logistic3A_920 = arith.divf %logistic3A_918, %logistic3A_919 : vector<400x128xf32>
    %add3A_921 = arith.addf %slice3A_909, %slice3A_912 : vector<400x128xf32>
    %logistic3A_922 = arith.negf %add3A_921 : vector<400x128xf32>
    %logistic3A_923 = math.exp %logistic3A_922 : vector<400x128xf32>
    %logistic3A_924 = arith.constant 1.000000e+00 : f32
    %logistic3A_925 = vector.broadcast %logistic3A_924 : f32 to vector<400x128xf32>
    %logistic3A_926 = arith.addf %logistic3A_925, %logistic3A_923 : vector<400x128xf32>
    %logistic3A_927 = arith.divf %logistic3A_925, %logistic3A_926 : vector<400x128xf32>
    %mul3A_928 = arith.mulf %logistic3A_920, %slice3A_913 : vector<400x128xf32>
    %add3A_929 = arith.addf %slice3A_910, %mul3A_928 : vector<400x128xf32>
    %tanh3A_930 = math.tanh %add3A_929 : vector<400x128xf32>
    %sub3A_931 = arith.constant 1.000000e+00 : f32
    %sub3A_932 = vector.broadcast %sub3A_931 : f32 to vector<400x128xf32>
    %sub3A_933 = arith.subf %sub3A_932, %logistic3A_927 : vector<400x128xf32>
    %mul3A_934 = arith.mulf %sub3A_933, %tanh3A_930 : vector<400x128xf32>
    %mul3A_935 = arith.mulf %logistic3A_927, %add3A_885 : vector<400x128xf32>
    %add3A_936 = arith.addf %mul3A_934, %mul3A_935 : vector<400x128xf32>
    %get3A_937 = arith.constant 0 : index
    %get3A_938 = arith.constant 0 : index
    %get3A_939 = vector.load %arg18[%get3A_937, %get3A_938] : memref<384x128xf32, #tpu.memory_space<vmem>>, vector<384x128xf32>
    %transpose3A_940 = tpu.transpose %get3A_939, [1, 0] : vector<384x128xf32> -> vector<128x384xf32>
    %dot_general3A_941 = arith.constant dense<0.000000e+00> : vector<400x384xf32>
    %dot_general3A_942 = tpu.matmul %add3A_514, %transpose3A_940, %dot_general3A_941 {dimension_numbers = #tpu.dot_dimension_numbers<[1], [0], [0], [1], [0, 0, 1, 1], [], []>, transpose_lhs_hint = false} : vector<400x128xf32>, vector<128x384xf32>, vector<400x384xf32> -> vector<400x384xf32>
    %get3A_943 = arith.constant 0 : index
    %get3A_944 = vector.load %arg20[%get3A_943] : memref<384xf32, #tpu.memory_space<vmem>>, vector<384xf32>
    %broadcast_in_dim3A_945 = vector.shape_cast %get3A_944 : vector<384xf32> to vector<1x384xf32>
    %add3A_946 = vector.broadcast %broadcast_in_dim3A_945 : vector<1x384xf32> to vector<400x384xf32>
    %add3A_947 = arith.addf %dot_general3A_942, %add3A_946 : vector<400x384xf32>
    %get3A_948 = arith.constant 0 : index
    %get3A_949 = arith.constant 0 : index
    %get3A_950 = vector.load %arg19[%get3A_948, %get3A_949] : memref<384x128xf32, #tpu.memory_space<vmem>>, vector<384x128xf32>
    %transpose3A_951 = tpu.transpose %get3A_950, [1, 0] : vector<384x128xf32> -> vector<128x384xf32>
    %dot_general3A_952 = arith.constant dense<0.000000e+00> : vector<400x384xf32>
    %dot_general3A_953 = tpu.matmul %add3A_936, %transpose3A_951, %dot_general3A_952 {dimension_numbers = #tpu.dot_dimension_numbers<[1], [0], [0], [1], [0, 0, 1, 1], [], []>, transpose_lhs_hint = false} : vector<400x128xf32>, vector<128x384xf32>, vector<400x384xf32> -> vector<400x384xf32>
    %get3A_954 = arith.constant 0 : index
    %get3A_955 = vector.load %arg21[%get3A_954] : memref<384xf32, #tpu.memory_space<vmem>>, vector<384xf32>
    %broadcast_in_dim3A_956 = vector.shape_cast %get3A_955 : vector<384xf32> to vector<1x384xf32>
    %add3A_957 = vector.broadcast %broadcast_in_dim3A_956 : vector<1x384xf32> to vector<400x384xf32>
    %add3A_958 = arith.addf %dot_general3A_953, %add3A_957 : vector<400x384xf32>
    %slice3A_959 = vector.extract_strided_slice %add3A_947 {offsets = [0, 0], sizes = [400, 128], strides = [1, 1]} : vector<400x384xf32> to vector<400x128xf32>
    %slice3A_960 = vector.extract_strided_slice %add3A_947 {offsets = [0, 128], sizes = [400, 128], strides = [1, 1]} : vector<400x384xf32> to vector<400x128xf32>
    %slice3A_961 = vector.extract_strided_slice %add3A_947 {offsets = [0, 256], sizes = [400, 128], strides = [1, 1]} : vector<400x384xf32> to vector<400x128xf32>
    %slice3A_962 = vector.extract_strided_slice %add3A_958 {offsets = [0, 0], sizes = [400, 128], strides = [1, 1]} : vector<400x384xf32> to vector<400x128xf32>
    %slice3A_963 = vector.extract_strided_slice %add3A_958 {offsets = [0, 128], sizes = [400, 128], strides = [1, 1]} : vector<400x384xf32> to vector<400x128xf32>
    %slice3A_964 = vector.extract_strided_slice %add3A_958 {offsets = [0, 256], sizes = [400, 128], strides = [1, 1]} : vector<400x384xf32> to vector<400x128xf32>
    %add3A_965 = arith.addf %slice3A_959, %slice3A_962 : vector<400x128xf32>
    %logistic3A_966 = arith.negf %add3A_965 : vector<400x128xf32>
    %logistic3A_967 = math.exp %logistic3A_966 : vector<400x128xf32>
    %logistic3A_968 = arith.constant 1.000000e+00 : f32
    %logistic3A_969 = vector.broadcast %logistic3A_968 : f32 to vector<400x128xf32>
    %logistic3A_970 = arith.addf %logistic3A_969, %logistic3A_967 : vector<400x128xf32>
    %logistic3A_971 = arith.divf %logistic3A_969, %logistic3A_970 : vector<400x128xf32>
    %add3A_972 = arith.addf %slice3A_960, %slice3A_963 : vector<400x128xf32>
    %logistic3A_973 = arith.negf %add3A_972 : vector<400x128xf32>
    %logistic3A_974 = math.exp %logistic3A_973 : vector<400x128xf32>
    %logistic3A_975 = arith.constant 1.000000e+00 : f32
    %logistic3A_976 = vector.broadcast %logistic3A_975 : f32 to vector<400x128xf32>
    %logistic3A_977 = arith.addf %logistic3A_976, %logistic3A_974 : vector<400x128xf32>
    %logistic3A_978 = arith.divf %logistic3A_976, %logistic3A_977 : vector<400x128xf32>
    %mul3A_979 = arith.mulf %logistic3A_971, %slice3A_964 : vector<400x128xf32>
    %add3A_980 = arith.addf %slice3A_961, %mul3A_979 : vector<400x128xf32>
    %tanh3A_981 = math.tanh %add3A_980 : vector<400x128xf32>
    %sub3A_982 = arith.constant 1.000000e+00 : f32
    %sub3A_983 = vector.broadcast %sub3A_982 : f32 to vector<400x128xf32>
    %sub3A_984 = arith.subf %sub3A_983, %logistic3A_978 : vector<400x128xf32>
    %mul3A_985 = arith.mulf %sub3A_984, %tanh3A_981 : vector<400x128xf32>
    %mul3A_986 = arith.mulf %logistic3A_978, %add3A_936 : vector<400x128xf32>
    %add3A_987 = arith.addf %mul3A_985, %mul3A_986 : vector<400x128xf32>
    %reduce_sum3A_988 = arith.constant dense<0.000000e+00> : vector<128xf32>
    %reduce_sum3A_989 = vector.multi_reduction <add>, %add3A_987, %reduce_sum3A_988 [0] : vector<400x128xf32> to vector<128xf32>
    %broadcast_in_dim3A_990 = arith.constant 0.000000e+00 : f32
    %broadcast_in_dim3A_991 = vector.broadcast %broadcast_in_dim3A_990 : f32 to vector<400x128xf32>
    %get3A_992 = arith.constant 0 : index
    %get3A_993 = arith.constant 0 : index
    %get3A_994 = vector.load %arg18[%get3A_992, %get3A_993] : memref<384x128xf32, #tpu.memory_space<vmem>>, vector<384x128xf32>
    %transpose3A_995 = tpu.transpose %get3A_994, [1, 0] : vector<384x128xf32> -> vector<128x384xf32>
    %dot_general3A_996 = arith.constant dense<0.000000e+00> : vector<400x384xf32>
    %dot_general3A_997 = tpu.matmul %add3A_178, %transpose3A_995, %dot_general3A_996 {dimension_numbers = #tpu.dot_dimension_numbers<[1], [0], [0], [1], [0, 0, 1, 1], [], []>, transpose_lhs_hint = false} : vector<400x128xf32>, vector<128x384xf32>, vector<400x384xf32> -> vector<400x384xf32>
    %get3A_998 = arith.constant 0 : index
    %get3A_999 = vector.load %arg20[%get3A_998] : memref<384xf32, #tpu.memory_space<vmem>>, vector<384xf32>
    %broadcast_in_dim3A_1000 = vector.shape_cast %get3A_999 : vector<384xf32> to vector<1x384xf32>
    %add3A_1001 = vector.broadcast %broadcast_in_dim3A_1000 : vector<1x384xf32> to vector<400x384xf32>
    %add3A_1002 = arith.addf %dot_general3A_997, %add3A_1001 : vector<400x384xf32>
    %get3A_1003 = arith.constant 0 : index
    %get3A_1004 = arith.constant 0 : index
    %get3A_1005 = vector.load %arg19[%get3A_1003, %get3A_1004] : memref<384x128xf32, #tpu.memory_space<vmem>>, vector<384x128xf32>
    %transpose3A_1006 = tpu.transpose %get3A_1005, [1, 0] : vector<384x128xf32> -> vector<128x384xf32>
    %dot_general3A_1007 = arith.constant dense<0.000000e+00> : vector<400x384xf32>
    %dot_general3A_1008 = tpu.matmul %broadcast_in_dim3A_991, %transpose3A_1006, %dot_general3A_1007 {dimension_numbers = #tpu.dot_dimension_numbers<[1], [0], [0], [1], [0, 0, 1, 1], [], []>, transpose_lhs_hint = false} : vector<400x128xf32>, vector<128x384xf32>, vector<400x384xf32> -> vector<400x384xf32>
    %get3A_1009 = arith.constant 0 : index
    %get3A_1010 = vector.load %arg21[%get3A_1009] : memref<384xf32, #tpu.memory_space<vmem>>, vector<384xf32>
    %broadcast_in_dim3A_1011 = vector.shape_cast %get3A_1010 : vector<384xf32> to vector<1x384xf32>
    %add3A_1012 = vector.broadcast %broadcast_in_dim3A_1011 : vector<1x384xf32> to vector<400x384xf32>
    %add3A_1013 = arith.addf %dot_general3A_1008, %add3A_1012 : vector<400x384xf32>
    %slice3A_1014 = vector.extract_strided_slice %add3A_1002 {offsets = [0, 0], sizes = [400, 128], strides = [1, 1]} : vector<400x384xf32> to vector<400x128xf32>
    %slice3A_1015 = vector.extract_strided_slice %add3A_1002 {offsets = [0, 128], sizes = [400, 128], strides = [1, 1]} : vector<400x384xf32> to vector<400x128xf32>
    %slice3A_1016 = vector.extract_strided_slice %add3A_1002 {offsets = [0, 256], sizes = [400, 128], strides = [1, 1]} : vector<400x384xf32> to vector<400x128xf32>
    %slice3A_1017 = vector.extract_strided_slice %add3A_1013 {offsets = [0, 0], sizes = [400, 128], strides = [1, 1]} : vector<400x384xf32> to vector<400x128xf32>
    %slice3A_1018 = vector.extract_strided_slice %add3A_1013 {offsets = [0, 128], sizes = [400, 128], strides = [1, 1]} : vector<400x384xf32> to vector<400x128xf32>
    %slice3A_1019 = vector.extract_strided_slice %add3A_1013 {offsets = [0, 256], sizes = [400, 128], strides = [1, 1]} : vector<400x384xf32> to vector<400x128xf32>
    %add3A_1020 = arith.addf %slice3A_1014, %slice3A_1017 : vector<400x128xf32>
    %logistic3A_1021 = arith.negf %add3A_1020 : vector<400x128xf32>
    %logistic3A_1022 = math.exp %logistic3A_1021 : vector<400x128xf32>
    %logistic3A_1023 = arith.constant 1.000000e+00 : f32
    %logistic3A_1024 = vector.broadcast %logistic3A_1023 : f32 to vector<400x128xf32>
    %logistic3A_1025 = arith.addf %logistic3A_1024, %logistic3A_1022 : vector<400x128xf32>
    %logistic3A_1026 = arith.divf %logistic3A_1024, %logistic3A_1025 : vector<400x128xf32>
    %add3A_1027 = arith.addf %slice3A_1015, %slice3A_1018 : vector<400x128xf32>
    %logistic3A_1028 = arith.negf %add3A_1027 : vector<400x128xf32>
    %logistic3A_1029 = math.exp %logistic3A_1028 : vector<400x128xf32>
    %logistic3A_1030 = arith.constant 1.000000e+00 : f32
    %logistic3A_1031 = vector.broadcast %logistic3A_1030 : f32 to vector<400x128xf32>
    %logistic3A_1032 = arith.addf %logistic3A_1031, %logistic3A_1029 : vector<400x128xf32>
    %logistic3A_1033 = arith.divf %logistic3A_1031, %logistic3A_1032 : vector<400x128xf32>
    %mul3A_1034 = arith.mulf %logistic3A_1026, %slice3A_1019 : vector<400x128xf32>
    %add3A_1035 = arith.addf %slice3A_1016, %mul3A_1034 : vector<400x128xf32>
    %tanh3A_1036 = math.tanh %add3A_1035 : vector<400x128xf32>
    %sub3A_1037 = arith.constant 1.000000e+00 : f32
    %sub3A_1038 = vector.broadcast %sub3A_1037 : f32 to vector<400x128xf32>
    %sub3A_1039 = arith.subf %sub3A_1038, %logistic3A_1033 : vector<400x128xf32>
    %mul3A_1040 = arith.mulf %sub3A_1039, %tanh3A_1036 : vector<400x128xf32>
    %mul3A_1041 = arith.mulf %logistic3A_1033, %broadcast_in_dim3A_991 : vector<400x128xf32>
    %add3A_1042 = arith.addf %mul3A_1040, %mul3A_1041 : vector<400x128xf32>
    %get3A_1043 = arith.constant 0 : index
    %get3A_1044 = arith.constant 0 : index
    %get3A_1045 = vector.load %arg18[%get3A_1043, %get3A_1044] : memref<384x128xf32, #tpu.memory_space<vmem>>, vector<384x128xf32>
    %transpose3A_1046 = tpu.transpose %get3A_1045, [1, 0] : vector<384x128xf32> -> vector<128x384xf32>
    %dot_general3A_1047 = arith.constant dense<0.000000e+00> : vector<400x384xf32>
    %dot_general3A_1048 = tpu.matmul %add3A_311, %transpose3A_1046, %dot_general3A_1047 {dimension_numbers = #tpu.dot_dimension_numbers<[1], [0], [0], [1], [0, 0, 1, 1], [], []>, transpose_lhs_hint = false} : vector<400x128xf32>, vector<128x384xf32>, vector<400x384xf32> -> vector<400x384xf32>
    %get3A_1049 = arith.constant 0 : index
    %get3A_1050 = vector.load %arg20[%get3A_1049] : memref<384xf32, #tpu.memory_space<vmem>>, vector<384xf32>
    %broadcast_in_dim3A_1051 = vector.shape_cast %get3A_1050 : vector<384xf32> to vector<1x384xf32>
    %add3A_1052 = vector.broadcast %broadcast_in_dim3A_1051 : vector<1x384xf32> to vector<400x384xf32>
    %add3A_1053 = arith.addf %dot_general3A_1048, %add3A_1052 : vector<400x384xf32>
    %get3A_1054 = arith.constant 0 : index
    %get3A_1055 = arith.constant 0 : index
    %get3A_1056 = vector.load %arg19[%get3A_1054, %get3A_1055] : memref<384x128xf32, #tpu.memory_space<vmem>>, vector<384x128xf32>
    %transpose3A_1057 = tpu.transpose %get3A_1056, [1, 0] : vector<384x128xf32> -> vector<128x384xf32>
    %dot_general3A_1058 = arith.constant dense<0.000000e+00> : vector<400x384xf32>
    %dot_general3A_1059 = tpu.matmul %add3A_1042, %transpose3A_1057, %dot_general3A_1058 {dimension_numbers = #tpu.dot_dimension_numbers<[1], [0], [0], [1], [0, 0, 1, 1], [], []>, transpose_lhs_hint = false} : vector<400x128xf32>, vector<128x384xf32>, vector<400x384xf32> -> vector<400x384xf32>
    %get3A_1060 = arith.constant 0 : index
    %get3A_1061 = vector.load %arg21[%get3A_1060] : memref<384xf32, #tpu.memory_space<vmem>>, vector<384xf32>
    %broadcast_in_dim3A_1062 = vector.shape_cast %get3A_1061 : vector<384xf32> to vector<1x384xf32>
    %add3A_1063 = vector.broadcast %broadcast_in_dim3A_1062 : vector<1x384xf32> to vector<400x384xf32>
    %add3A_1064 = arith.addf %dot_general3A_1059, %add3A_1063 : vector<400x384xf32>
    %slice3A_1065 = vector.extract_strided_slice %add3A_1053 {offsets = [0, 0], sizes = [400, 128], strides = [1, 1]} : vector<400x384xf32> to vector<400x128xf32>
    %slice3A_1066 = vector.extract_strided_slice %add3A_1053 {offsets = [0, 128], sizes = [400, 128], strides = [1, 1]} : vector<400x384xf32> to vector<400x128xf32>
    %slice3A_1067 = vector.extract_strided_slice %add3A_1053 {offsets = [0, 256], sizes = [400, 128], strides = [1, 1]} : vector<400x384xf32> to vector<400x128xf32>
    %slice3A_1068 = vector.extract_strided_slice %add3A_1064 {offsets = [0, 0], sizes = [400, 128], strides = [1, 1]} : vector<400x384xf32> to vector<400x128xf32>
    %slice3A_1069 = vector.extract_strided_slice %add3A_1064 {offsets = [0, 128], sizes = [400, 128], strides = [1, 1]} : vector<400x384xf32> to vector<400x128xf32>
    %slice3A_1070 = vector.extract_strided_slice %add3A_1064 {offsets = [0, 256], sizes = [400, 128], strides = [1, 1]} : vector<400x384xf32> to vector<400x128xf32>
    %add3A_1071 = arith.addf %slice3A_1065, %slice3A_1068 : vector<400x128xf32>
    %logistic3A_1072 = arith.negf %add3A_1071 : vector<400x128xf32>
    %logistic3A_1073 = math.exp %logistic3A_1072 : vector<400x128xf32>
    %logistic3A_1074 = arith.constant 1.000000e+00 : f32
    %logistic3A_1075 = vector.broadcast %logistic3A_1074 : f32 to vector<400x128xf32>
    %logistic3A_1076 = arith.addf %logistic3A_1075, %logistic3A_1073 : vector<400x128xf32>
    %logistic3A_1077 = arith.divf %logistic3A_1075, %logistic3A_1076 : vector<400x128xf32>
    %add3A_1078 = arith.addf %slice3A_1066, %slice3A_1069 : vector<400x128xf32>
    %logistic3A_1079 = arith.negf %add3A_1078 : vector<400x128xf32>
    %logistic3A_1080 = math.exp %logistic3A_1079 : vector<400x128xf32>
    %logistic3A_1081 = arith.constant 1.000000e+00 : f32
    %logistic3A_1082 = vector.broadcast %logistic3A_1081 : f32 to vector<400x128xf32>
    %logistic3A_1083 = arith.addf %logistic3A_1082, %logistic3A_1080 : vector<400x128xf32>
    %logistic3A_1084 = arith.divf %logistic3A_1082, %logistic3A_1083 : vector<400x128xf32>
    %mul3A_1085 = arith.mulf %logistic3A_1077, %slice3A_1070 : vector<400x128xf32>
    %add3A_1086 = arith.addf %slice3A_1067, %mul3A_1085 : vector<400x128xf32>
    %tanh3A_1087 = math.tanh %add3A_1086 : vector<400x128xf32>
    %sub3A_1088 = arith.constant 1.000000e+00 : f32
    %sub3A_1089 = vector.broadcast %sub3A_1088 : f32 to vector<400x128xf32>
    %sub3A_1090 = arith.subf %sub3A_1089, %logistic3A_1084 : vector<400x128xf32>
    %mul3A_1091 = arith.mulf %sub3A_1090, %tanh3A_1087 : vector<400x128xf32>
    %mul3A_1092 = arith.mulf %logistic3A_1084, %add3A_1042 : vector<400x128xf32>
    %add3A_1093 = arith.addf %mul3A_1091, %mul3A_1092 : vector<400x128xf32>
    %get3A_1094 = arith.constant 0 : index
    %get3A_1095 = arith.constant 0 : index
    %get3A_1096 = vector.load %arg18[%get3A_1094, %get3A_1095] : memref<384x128xf32, #tpu.memory_space<vmem>>, vector<384x128xf32>
    %transpose3A_1097 = tpu.transpose %get3A_1096, [1, 0] : vector<384x128xf32> -> vector<128x384xf32>
    %dot_general3A_1098 = arith.constant dense<0.000000e+00> : vector<400x384xf32>
    %dot_general3A_1099 = tpu.matmul %add3A_444, %transpose3A_1097, %dot_general3A_1098 {dimension_numbers = #tpu.dot_dimension_numbers<[1], [0], [0], [1], [0, 0, 1, 1], [], []>, transpose_lhs_hint = false} : vector<400x128xf32>, vector<128x384xf32>, vector<400x384xf32> -> vector<400x384xf32>
    %get3A_1100 = arith.constant 0 : index
    %get3A_1101 = vector.load %arg20[%get3A_1100] : memref<384xf32, #tpu.memory_space<vmem>>, vector<384xf32>
    %broadcast_in_dim3A_1102 = vector.shape_cast %get3A_1101 : vector<384xf32> to vector<1x384xf32>
    %add3A_1103 = vector.broadcast %broadcast_in_dim3A_1102 : vector<1x384xf32> to vector<400x384xf32>
    %add3A_1104 = arith.addf %dot_general3A_1099, %add3A_1103 : vector<400x384xf32>
    %get3A_1105 = arith.constant 0 : index
    %get3A_1106 = arith.constant 0 : index
    %get3A_1107 = vector.load %arg19[%get3A_1105, %get3A_1106] : memref<384x128xf32, #tpu.memory_space<vmem>>, vector<384x128xf32>
    %transpose3A_1108 = tpu.transpose %get3A_1107, [1, 0] : vector<384x128xf32> -> vector<128x384xf32>
    %dot_general3A_1109 = arith.constant dense<0.000000e+00> : vector<400x384xf32>
    %dot_general3A_1110 = tpu.matmul %add3A_1093, %transpose3A_1108, %dot_general3A_1109 {dimension_numbers = #tpu.dot_dimension_numbers<[1], [0], [0], [1], [0, 0, 1, 1], [], []>, transpose_lhs_hint = false} : vector<400x128xf32>, vector<128x384xf32>, vector<400x384xf32> -> vector<400x384xf32>
    %get3A_1111 = arith.constant 0 : index
    %get3A_1112 = vector.load %arg21[%get3A_1111] : memref<384xf32, #tpu.memory_space<vmem>>, vector<384xf32>
    %broadcast_in_dim3A_1113 = vector.shape_cast %get3A_1112 : vector<384xf32> to vector<1x384xf32>
    %add3A_1114 = vector.broadcast %broadcast_in_dim3A_1113 : vector<1x384xf32> to vector<400x384xf32>
    %add3A_1115 = arith.addf %dot_general3A_1110, %add3A_1114 : vector<400x384xf32>
    %slice3A_1116 = vector.extract_strided_slice %add3A_1104 {offsets = [0, 0], sizes = [400, 128], strides = [1, 1]} : vector<400x384xf32> to vector<400x128xf32>
    %slice3A_1117 = vector.extract_strided_slice %add3A_1104 {offsets = [0, 128], sizes = [400, 128], strides = [1, 1]} : vector<400x384xf32> to vector<400x128xf32>
    %slice3A_1118 = vector.extract_strided_slice %add3A_1104 {offsets = [0, 256], sizes = [400, 128], strides = [1, 1]} : vector<400x384xf32> to vector<400x128xf32>
    %slice3A_1119 = vector.extract_strided_slice %add3A_1115 {offsets = [0, 0], sizes = [400, 128], strides = [1, 1]} : vector<400x384xf32> to vector<400x128xf32>
    %slice3A_1120 = vector.extract_strided_slice %add3A_1115 {offsets = [0, 128], sizes = [400, 128], strides = [1, 1]} : vector<400x384xf32> to vector<400x128xf32>
    %slice3A_1121 = vector.extract_strided_slice %add3A_1115 {offsets = [0, 256], sizes = [400, 128], strides = [1, 1]} : vector<400x384xf32> to vector<400x128xf32>
    %add3A_1122 = arith.addf %slice3A_1116, %slice3A_1119 : vector<400x128xf32>
    %logistic3A_1123 = arith.negf %add3A_1122 : vector<400x128xf32>
    %logistic3A_1124 = math.exp %logistic3A_1123 : vector<400x128xf32>
    %logistic3A_1125 = arith.constant 1.000000e+00 : f32
    %logistic3A_1126 = vector.broadcast %logistic3A_1125 : f32 to vector<400x128xf32>
    %logistic3A_1127 = arith.addf %logistic3A_1126, %logistic3A_1124 : vector<400x128xf32>
    %logistic3A_1128 = arith.divf %logistic3A_1126, %logistic3A_1127 : vector<400x128xf32>
    %add3A_1129 = arith.addf %slice3A_1117, %slice3A_1120 : vector<400x128xf32>
    %logistic3A_1130 = arith.negf %add3A_1129 : vector<400x128xf32>
    %logistic3A_1131 = math.exp %logistic3A_1130 : vector<400x128xf32>
    %logistic3A_1132 = arith.constant 1.000000e+00 : f32
    %logistic3A_1133 = vector.broadcast %logistic3A_1132 : f32 to vector<400x128xf32>
    %logistic3A_1134 = arith.addf %logistic3A_1133, %logistic3A_1131 : vector<400x128xf32>
    %logistic3A_1135 = arith.divf %logistic3A_1133, %logistic3A_1134 : vector<400x128xf32>
    %mul3A_1136 = arith.mulf %logistic3A_1128, %slice3A_1121 : vector<400x128xf32>
    %add3A_1137 = arith.addf %slice3A_1118, %mul3A_1136 : vector<400x128xf32>
    %tanh3A_1138 = math.tanh %add3A_1137 : vector<400x128xf32>
    %sub3A_1139 = arith.constant 1.000000e+00 : f32
    %sub3A_1140 = vector.broadcast %sub3A_1139 : f32 to vector<400x128xf32>
    %sub3A_1141 = arith.subf %sub3A_1140, %logistic3A_1135 : vector<400x128xf32>
    %mul3A_1142 = arith.mulf %sub3A_1141, %tanh3A_1138 : vector<400x128xf32>
    %mul3A_1143 = arith.mulf %logistic3A_1135, %add3A_1093 : vector<400x128xf32>
    %add3A_1144 = arith.addf %mul3A_1142, %mul3A_1143 : vector<400x128xf32>
    %get3A_1145 = arith.constant 0 : index
    %get3A_1146 = arith.constant 0 : index
    %get3A_1147 = vector.load %arg18[%get3A_1145, %get3A_1146] : memref<384x128xf32, #tpu.memory_space<vmem>>, vector<384x128xf32>
    %transpose3A_1148 = tpu.transpose %get3A_1147, [1, 0] : vector<384x128xf32> -> vector<128x384xf32>
    %dot_general3A_1149 = arith.constant dense<0.000000e+00> : vector<400x384xf32>
    %dot_general3A_1150 = tpu.matmul %add3A_577, %transpose3A_1148, %dot_general3A_1149 {dimension_numbers = #tpu.dot_dimension_numbers<[1], [0], [0], [1], [0, 0, 1, 1], [], []>, transpose_lhs_hint = false} : vector<400x128xf32>, vector<128x384xf32>, vector<400x384xf32> -> vector<400x384xf32>
    %get3A_1151 = arith.constant 0 : index
    %get3A_1152 = vector.load %arg20[%get3A_1151] : memref<384xf32, #tpu.memory_space<vmem>>, vector<384xf32>
    %broadcast_in_dim3A_1153 = vector.shape_cast %get3A_1152 : vector<384xf32> to vector<1x384xf32>
    %add3A_1154 = vector.broadcast %broadcast_in_dim3A_1153 : vector<1x384xf32> to vector<400x384xf32>
    %add3A_1155 = arith.addf %dot_general3A_1150, %add3A_1154 : vector<400x384xf32>
    %get3A_1156 = arith.constant 0 : index
    %get3A_1157 = arith.constant 0 : index
    %get3A_1158 = vector.load %arg19[%get3A_1156, %get3A_1157] : memref<384x128xf32, #tpu.memory_space<vmem>>, vector<384x128xf32>
    %transpose3A_1159 = tpu.transpose %get3A_1158, [1, 0] : vector<384x128xf32> -> vector<128x384xf32>
    %dot_general3A_1160 = arith.constant dense<0.000000e+00> : vector<400x384xf32>
    %dot_general3A_1161 = tpu.matmul %add3A_1144, %transpose3A_1159, %dot_general3A_1160 {dimension_numbers = #tpu.dot_dimension_numbers<[1], [0], [0], [1], [0, 0, 1, 1], [], []>, transpose_lhs_hint = false} : vector<400x128xf32>, vector<128x384xf32>, vector<400x384xf32> -> vector<400x384xf32>
    %get3A_1162 = arith.constant 0 : index
    %get3A_1163 = vector.load %arg21[%get3A_1162] : memref<384xf32, #tpu.memory_space<vmem>>, vector<384xf32>
    %broadcast_in_dim3A_1164 = vector.shape_cast %get3A_1163 : vector<384xf32> to vector<1x384xf32>
    %add3A_1165 = vector.broadcast %broadcast_in_dim3A_1164 : vector<1x384xf32> to vector<400x384xf32>
    %add3A_1166 = arith.addf %dot_general3A_1161, %add3A_1165 : vector<400x384xf32>
    %slice3A_1167 = vector.extract_strided_slice %add3A_1155 {offsets = [0, 0], sizes = [400, 128], strides = [1, 1]} : vector<400x384xf32> to vector<400x128xf32>
    %slice3A_1168 = vector.extract_strided_slice %add3A_1155 {offsets = [0, 128], sizes = [400, 128], strides = [1, 1]} : vector<400x384xf32> to vector<400x128xf32>
    %slice3A_1169 = vector.extract_strided_slice %add3A_1155 {offsets = [0, 256], sizes = [400, 128], strides = [1, 1]} : vector<400x384xf32> to vector<400x128xf32>
    %slice3A_1170 = vector.extract_strided_slice %add3A_1166 {offsets = [0, 0], sizes = [400, 128], strides = [1, 1]} : vector<400x384xf32> to vector<400x128xf32>
    %slice3A_1171 = vector.extract_strided_slice %add3A_1166 {offsets = [0, 128], sizes = [400, 128], strides = [1, 1]} : vector<400x384xf32> to vector<400x128xf32>
    %slice3A_1172 = vector.extract_strided_slice %add3A_1166 {offsets = [0, 256], sizes = [400, 128], strides = [1, 1]} : vector<400x384xf32> to vector<400x128xf32>
    %add3A_1173 = arith.addf %slice3A_1167, %slice3A_1170 : vector<400x128xf32>
    %logistic3A_1174 = arith.negf %add3A_1173 : vector<400x128xf32>
    %logistic3A_1175 = math.exp %logistic3A_1174 : vector<400x128xf32>
    %logistic3A_1176 = arith.constant 1.000000e+00 : f32
    %logistic3A_1177 = vector.broadcast %logistic3A_1176 : f32 to vector<400x128xf32>
    %logistic3A_1178 = arith.addf %logistic3A_1177, %logistic3A_1175 : vector<400x128xf32>
    %logistic3A_1179 = arith.divf %logistic3A_1177, %logistic3A_1178 : vector<400x128xf32>
    %add3A_1180 = arith.addf %slice3A_1168, %slice3A_1171 : vector<400x128xf32>
    %logistic3A_1181 = arith.negf %add3A_1180 : vector<400x128xf32>
    %logistic3A_1182 = math.exp %logistic3A_1181 : vector<400x128xf32>
    %logistic3A_1183 = arith.constant 1.000000e+00 : f32
    %logistic3A_1184 = vector.broadcast %logistic3A_1183 : f32 to vector<400x128xf32>
    %logistic3A_1185 = arith.addf %logistic3A_1184, %logistic3A_1182 : vector<400x128xf32>
    %logistic3A_1186 = arith.divf %logistic3A_1184, %logistic3A_1185 : vector<400x128xf32>
    %mul3A_1187 = arith.mulf %logistic3A_1179, %slice3A_1172 : vector<400x128xf32>
    %add3A_1188 = arith.addf %slice3A_1169, %mul3A_1187 : vector<400x128xf32>
    %tanh3A_1189 = math.tanh %add3A_1188 : vector<400x128xf32>
    %sub3A_1190 = arith.constant 1.000000e+00 : f32
    %sub3A_1191 = vector.broadcast %sub3A_1190 : f32 to vector<400x128xf32>
    %sub3A_1192 = arith.subf %sub3A_1191, %logistic3A_1186 : vector<400x128xf32>
    %mul3A_1193 = arith.mulf %sub3A_1192, %tanh3A_1189 : vector<400x128xf32>
    %mul3A_1194 = arith.mulf %logistic3A_1186, %add3A_1144 : vector<400x128xf32>
    %add3A_1195 = arith.addf %mul3A_1193, %mul3A_1194 : vector<400x128xf32>
    %reduce_sum3A_1196 = arith.constant dense<0.000000e+00> : vector<128xf32>
    %reduce_sum3A_1197 = vector.multi_reduction <add>, %add3A_1195, %reduce_sum3A_1196 [0] : vector<400x128xf32> to vector<128xf32>
    %get3A_1198 = arith.constant 0 : index
    %get3A_1199 = arith.constant 0 : index
    %get3A_1200 = vector.load %arg25[%get3A_1198, %get3A_1199] : memref<3x128xf32, #tpu.memory_space<vmem>>, vector<3x128xf32>
    %stack3A = vector.shape_cast %reduce_sum3A_781 : vector<128xf32> to vector<1x128xf32>
    %stack3A_1201 = vector.shape_cast %reduce_sum3A_989 : vector<128xf32> to vector<1x128xf32>
    %stack3A_1202 = vector.shape_cast %reduce_sum3A_1197 : vector<128xf32> to vector<1x128xf32>
    %stack3A_1203 = tpu.concatenate %stack3A, %stack3A_1201, %stack3A_1202 in 0 : vector<1x128xf32>, vector<1x128xf32>, vector<1x128xf32> -> vector<3x128xf32>
    %add3A_1204 = arith.addf %get3A_1200, %stack3A_1203 : vector<3x128xf32>
    %swap3A = arith.constant 0 : index
    %swap3A_1205 = arith.constant 0 : index
    %swap3A_1206 = vector.load %arg25[%swap3A, %swap3A_1205] : memref<3x128xf32, #tpu.memory_space<vmem>>, vector<3x128xf32>
    tpu.vector_store %arg25[%swap3A, %swap3A_1205], %add3A_1204 {strides = array<i32>} : memref<3x128xf32, #tpu.memory_space<vmem>>, vector<3x128xf32>,
    %eq3A_1207 = arith.constant 24 : i32
    %eq3A_1208 = arith.cmpi eq, %arg0, %eq3A_1207 : i32
    %convert_element_type3A_1209 = arith.extui %eq3A_1208 : i1 to i32
    %cond3A_1210 = arith.constant 0 : i32
    %cond3A_1211 = arith.cmpi ne, %convert_element_type3A_1209, %cond3A_1210 : i32
    scf.if %cond3A_1211 {
      %get3A_1212 = arith.constant 0 : index
      %get3A_1213 = arith.constant 0 : index
      %get3A_1214 = vector.load %arg25[%get3A_1212, %get3A_1213] : memref<3x128xf32, #tpu.memory_space<vmem>>, vector<3x128xf32>
      %div3A_1215 = arith.constant 1.000000e+04 : f32
      %div3A_1216 = vector.broadcast %div3A_1215 : f32 to vector<3x128xf32>
      %div3A_1217 = arith.divf %get3A_1214, %div3A_1216 : vector<3x128xf32>
      %reshape3A = vector.shape_cast %div3A_1217 : vector<3x128xf32> to vector<1x384xf32>
      %get3A_1218 = arith.constant 0 : index
      %get3A_1219 = arith.constant 0 : index
      %get3A_1220 = vector.load %arg22[%get3A_1218, %get3A_1219] : memref<128x384xf32, #tpu.memory_space<vmem>>, vector<128x384xf32>
      %transpose3A_1221 = tpu.transpose %get3A_1220, [1, 0] : vector<128x384xf32> -> vector<384x128xf32>
      %dot_general3A_1222 = arith.constant dense<0.000000e+00> : vector<1x128xf32>
      %dot_general3A_1223 = tpu.matmul %reshape3A, %transpose3A_1221, %dot_general3A_1222 {dimension_numbers = #tpu.dot_dimension_numbers<[1], [0], [0], [1], [0, 0, 1, 1], [], []>, transpose_lhs_hint = false} : vector<1x384xf32>, vector<384x128xf32>, vector<1x128xf32> -> vector<1x128xf32>
      %get3A_1224 = arith.constant 0 : index
      %get3A_1225 = vector.load %arg23[%get3A_1224] : memref<128xf32, #tpu.memory_space<vmem>>, vector<128xf32>
      %broadcast_in_dim3A_1226 = vector.shape_cast %get3A_1225 : vector<128xf32> to vector<1x128xf32>
      %add3A_1227 = arith.addf %dot_general3A_1223, %broadcast_in_dim3A_1226 : vector<1x128xf32>
      %squeeze3A_1228 = vector.shape_cast %add3A_1227 : vector<1x128xf32> to vector<128xf32>
      %swap3A_1229 = arith.constant 0 : index
      %swap3A_1230 = vector.load %arg24[%swap3A_1229] : memref<128xf32, #tpu.memory_space<vmem>>, vector<128xf32>
      tpu.vector_store %arg24[%swap3A_1229], %squeeze3A_1228 {strides = array<i32>} : memref<128xf32, #tpu.memory_space<vmem>>, vector<128xf32>,
    } else {
    }
    return
  }
  func.func @transform_0(%arg0: i32) -> (i32, i32, i32) {
    %c0_i32 = arith.constant 0 : i32
    %c0_i32_0 = arith.constant 0 : i32
    %c0_i32_1 = arith.constant 0 : i32
    return %c0_i32, %arg0, %c0_i32_0 : i32, i32, i32
  }
  func.func @transform_1(%arg0: i32) -> (i32, i32, i32) {
    %c0_i32 = arith.constant 0 : i32
    %c0_i32_0 = arith.constant 0 : i32
    %c0_i32_1 = arith.constant 0 : i32
    return %c0_i32, %arg0, %c0_i32_0 : i32, i32, i32
  }
  func.func @transform_2(%arg0: i32) -> (i32, i32, i32) {
    %c0_i32 = arith.constant 0 : i32
    %c0_i32_0 = arith.constant 0 : i32
    %c0_i32_1 = arith.constant 0 : i32
    return %c0_i32, %arg0, %c0_i32_0 : i32, i32, i32
  }
  func.func @transform_3(%arg0: i32) -> (i32, i32, i32) {
    %c0_i32 = arith.constant 0 : i32
    %c0_i32_0 = arith.constant 0 : i32
    %c0_i32_1 = arith.constant 0 : i32
    return %arg0, %c0_i32, %c0_i32_0 : i32, i32, i32
  }
  func.func @transform_4(%arg0: i32) -> (i32, i32) {
    %c0_i32 = arith.constant 0 : i32
    %c0_i32_0 = arith.constant 0 : i32
    %c0_i32_1 = arith.constant 0 : i32
    return %c0_i32, %c0_i32_0 : i32, i32
  }
  func.func @transform_5(%arg0: i32) -> i32 {
    %c0_i32 = arith.constant 0 : i32
    %c0_i32_0 = arith.constant 0 : i32
    return %c0_i32 : i32
  }
  func.func @transform_6(%arg0: i32) -> (i32, i32) {
    %c0_i32 = arith.constant 0 : i32
    %c0_i32_0 = arith.constant 0 : i32
    %c0_i32_1 = arith.constant 0 : i32
    return %c0_i32, %c0_i32_0 : i32, i32
  }
  func.func @transform_7(%arg0: i32) -> i32 {
    %c0_i32 = arith.constant 0 : i32
    %c0_i32_0 = arith.constant 0 : i32
    return %c0_i32 : i32
  }
  func.func @transform_8(%arg0: i32) -> (i32, i32) {
    %c0_i32 = arith.constant 0 : i32
    %c0_i32_0 = arith.constant 0 : i32
    %c0_i32_1 = arith.constant 0 : i32
    return %c0_i32, %c0_i32_0 : i32, i32
  }
  func.func @transform_9(%arg0: i32) -> i32 {
    %c0_i32 = arith.constant 0 : i32
    %c0_i32_0 = arith.constant 0 : i32
    return %c0_i32 : i32
  }
  func.func @transform_10(%arg0: i32) -> (i32, i32) {
    %c0_i32 = arith.constant 0 : i32
    %c0_i32_0 = arith.constant 0 : i32
    %c0_i32_1 = arith.constant 0 : i32
    return %c0_i32, %c0_i32_0 : i32, i32
  }
  func.func @transform_11(%arg0: i32) -> (i32, i32) {
    %c0_i32 = arith.constant 0 : i32
    %c0_i32_0 = arith.constant 0 : i32
    %c0_i32_1 = arith.constant 0 : i32
    return %c0_i32, %c0_i32_0 : i32, i32
  }
  func.func @transform_12(%arg0: i32) -> i32 {
    %c0_i32 = arith.constant 0 : i32
    %c0_i32_0 = arith.constant 0 : i32
    return %c0_i32 : i32
  }
  func.func @transform_13(%arg0: i32) -> (i32, i32) {
    %c0_i32 = arith.constant 0 : i32
    %c0_i32_0 = arith.constant 0 : i32
    %c0_i32_1 = arith.constant 0 : i32
    return %c0_i32, %c0_i32_0 : i32, i32
  }
  func.func @transform_14(%arg0: i32) -> (i32, i32) {
    %c0_i32 = arith.constant 0 : i32
    %c0_i32_0 = arith.constant 0 : i32
    %c0_i32_1 = arith.constant 0 : i32
    return %c0_i32, %c0_i32_0 : i32, i32
  }
  func.func @transform_15(%arg0: i32) -> i32 {
    %c0_i32 = arith.constant 0 : i32
    %c0_i32_0 = arith.constant 0 : i32
    return %c0_i32 : i32
  }
  func.func @transform_16(%arg0: i32) -> (i32, i32) {
    %c0_i32 = arith.constant 0 : i32
    %c0_i32_0 = arith.constant 0 : i32
    %c0_i32_1 = arith.constant 0 : i32
    return %c0_i32, %c0_i32_0 : i32, i32
  }
  func.func @transform_17(%arg0: i32) -> (i32, i32) {
    %c0_i32 = arith.constant 0 : i32
    %c0_i32_0 = arith.constant 0 : i32
    %c0_i32_1 = arith.constant 0 : i32
    return %c0_i32, %c0_i32_0 : i32, i32
  }
  func.func @transform_18(%arg0: i32) -> (i32, i32) {
    %c0_i32 = arith.constant 0 : i32
    %c0_i32_0 = arith.constant 0 : i32
    %c0_i32_1 = arith.constant 0 : i32
    return %c0_i32, %c0_i32_0 : i32, i32
  }
  func.func @transform_19(%arg0: i32) -> i32 {
    %c0_i32 = arith.constant 0 : i32
    %c0_i32_0 = arith.constant 0 : i32
    return %c0_i32 : i32
  }
  func.func @transform_20(%arg0: i32) -> i32 {
    %c0_i32 = arith.constant 0 : i32
    %c0_i32_0 = arith.constant 0 : i32
    return %c0_i32 : i32
  }
  func.func @transform_21(%arg0: i32) -> (i32, i32) {
    %c0_i32 = arith.constant 0 : i32
    %c0_i32_0 = arith.constant 0 : i32
    %c0_i32_1 = arith.constant 0 : i32
    return %c0_i32, %c0_i32_0 : i32, i32
  }
  func.func @transform_22(%arg0: i32) -> i32 {
    %c0_i32 = arith.constant 0 : i32
    %c0_i32_0 = arith.constant 0 : i32
    return %c0_i32 : i32
  }
  func.func @transform_23(%arg0: i32) -> i32 {
    %c0_i32 = arith.constant 0 : i32
    %c0_i32_0 = arith.constant 0 : i32
    return %c0_i32 : i32
  }
}

</mosaic_0001>

<sc_bundles>
// kernel: kernel.6.cloned.1.call-start
scs
__scs_entry_jumppad:
0x0: {  	(pc) =	sbr.rel $0x88, $3  }
0x1: {  	(tag) =	ssettag $0x0;
	lr =	simm.s32 $0x1  }
0x2: {  	[smem:$0x3F80] =	sst lr;
	_ =	strace $0xD0000000  }
0x3: {  	_ = 	snop  }
0x4: {  	_ = 	snop  }
0x5: {  	_ = 	snop  }
0x6: {  	_ = 	snop  }
0x7: {  	_ = 	snop  }
__scs_overlays_trampoline_lowered:
0x8: {  	[smem:$0x3F8F] =	sst s0  }
0x9: {  	[smem:$0x3F90] =	sst s1  }
0xa: {  	[smem:$0x3F91] =	sst s2  }
0xb: {  	[smem:$0x3F92] =	sst s3  }
0xc: {  	[smem:$0x3F93] =	sst s4  }
0xd: {  	[smem:$0x3F94] =	sst s5  }
0xe: {  	[smem:$0x3F95] =	sst s6  }
0xf: {  	[smem:$0x3F96] =	sst s7  }
0x10: {  	[smem:$0x3F97] =	sst s8  }
0x11: {  	[smem:$0x3F98] =	sst s9;
	s0 =	simm.s32 @!p0 $0x0  }
0x12: {  	s1 =	sld [smem:$0x3F7E];
	s0 =	simm.s32 @p0 $0x1  }
0x13: {  	[smem:$0x3F99] =	sst s0;
	s0 =	simm.s32 @!p1 $0x0  }
0x14: {  	s2 =	sld [smem:$0x3F7D];
	s0 =	simm.s32 @p1 $0x1  }
0x15: {  	[smem:$0x3F9A] =	sst s0;
	s0 =	simm.s32 @!p2 $0x0  }
0x16: {  	s3 =	sld [smem:$0x3FDB];
	s0 =	simm.s32 @p2 $0x1  }
0x17: {  	s4 =	simm.s32 $0x1BF5;
	[smem:$0x3F9C] =	sst s0  }
0x18: {  	s0 =	sld [smem:$0x3F7F];
	_ =	swait.ge [sflag:s4], $0x0  }
0x19: {  	s7 =	sld [smem:$0x3F80]  }
0x1a: {  	s8 =	sadd.s32 $0xFFFFE003, lr  }
0x1b: {  	s9 =	sadd.s32 $0xFFFFFEF7, lr;
	s5 =	simm.s32 $0xFFFFFFFF;
	p2 =	slt.u32 s8, $0xFFFFF086  }
0x1c: {  	p1 =	slt.u32 s9, $0xF7A;
	s5 =	simm.s32 @!p2 $0x0  }
0x1d: {  	s5 =	simm.s32 @p1 $0x1;
	p0 =	seq.s32 s7, s2  }
0x1e: {  	s7 =	smul.u32 @!p0 $0xF7A, s2;
	p2 =	seq.s32 @!p0 s5, $0x0  }
0x1f: {  	s9 =	smul.u32 $0xF7A, s1;
	s8 =	simm.s32 @!p0 $0x1BF5;
	p2 =	por !p2, p0  }
0x20: {  	[sflag:s8] =	ssyncset.s32 @!p0 $0xFFFFF086;
	s6 =	sadd.s32 @!p0 s3, s7;
	s7 =	simm.s32 @!p0 $0x108  }
0x21: {  	s3 =	sadd.s32 s3, s9;
	s6 =	sadd.s32 @!p0 $0x88, s6;
	s7 =	simm.s32 @p2 $0x1082  }
0x22: {  	[simem:s7], [sflag:s8] =	dma.local @!p0 [hbm:s6], $0xF7A  }
0x23: {  	s9 =	sor.u32 $0xD0000000, s2;
	s6 =	simm.s32 $0x108;
	_ =	swait.ge @!p0 [sflag:s8], $0x0  }
0x24: {  	s3 =	sadd.s32 $0x88, s3;
	s6 =	simm.s32 @!p1 $0x1082;
	[sflag:s4] =	ssyncset.s32 $0xFFFFF086  }
0x25: {  	[simem:s6], [sflag:s4] =	dma.local [hbm:s3], $0xF7A  }
0x26: {  	[smem:$0x3F80] =	sst s1;
	(tag) =	ssettag s2;
	_ =	strace s9  }
0x27: {  	s1 =	sld [smem:$0x3F90]  }
0x28: {  	s2 =	sld [smem:$0x3F91]  }
0x29: {  	s4 =	sld [smem:$0x3F93]  }
0x2a: {  	p0 =	seq.s32 s5, $0x0;
	s5 =	sld [smem:$0x3F94]  }
0x2b: {  	s6 =	sld [smem:$0x3F95]  }
0x2c: {  	s7 =	sld [smem:$0x3F96]  }
0x2d: {  	s3 =	simm.s32 $0x108;
	s8 =	sld [smem:$0x3F97]  }
0x2e: {  	s3 =	simm.s32 @!p0 $0x1082;
	s9 =	sld [smem:$0x3F98]  }
0x2f: {  	lr =	sadd.s32 s0, s3;
	s0 =	sld [smem:$0x3F8F]  }
0x30: {  	s3 =	sld [smem:$0x3F92]  }
0x31: {  	[smem:$0x3F9B] =	sst s10  }
0x32: {  	s10 =	sld [smem:$0x3F99];
	_ =	sdelay $0x3  }
0x33: {  	p0 =	seq.s32 s10, $0x1;
	s10 =	sld [smem:$0x3F9B];
	_ =	sdelay $0x3  }
0x34: {  	[smem:$0x3F9B] =	sst s10  }
0x35: {  	s10 =	sld [smem:$0x3F9A];
	_ =	sdelay $0x3  }
0x36: {  	p1 =	seq.s32 s10, $0x1;
	s10 =	sld [smem:$0x3F9B];
	_ =	sdelay $0x3  }
0x37: {  	[smem:$0x3F9B] =	sst s10  }
0x38: {  	s10 =	sld [smem:$0x3F9C]  }
0x39: {  	_ = 	snop;
	(pc) =	sbr.ind lr, $3  }
0x3a: {  	_ = 	snop  }
0x3b: {  	_ = 	snop  }
0x3c: {  	p2 =	seq.s32 s10, $0x1;
	s10 =	sld [smem:$0x3F9B]  }
0x3d: {  	_ =	shalt  }
0x3e: {  	_ =	shalt  }
0x3f: {  	_ =	shalt  }
0x40: {  	_ =	shalt  }
0x41: {  	_ =	shalt  }
0x42: {  	_ =	shalt  }
0x43: {  	_ =	shalt  }
0x44: {  	_ =	shalt  }
0x45: {  	_ =	shalt  }
0x46: {  	_ =	shalt  }
0x47: {  	_ =	shalt  }
0x48: {  	_ =	shalt  }
0x49: {  	_ =	shalt  }
0x4a: {  	_ =	shalt  }
0x4b: {  	_ =	shalt  }
0x4c: {  	_ =	shalt  }
0x4d: {  	_ =	shalt  }
0x4e: {  	_ =	shalt  }
0x4f: {  	_ =	shalt  }
0x50: {  	_ =	shalt  }
0x51: {  	_ =	shalt  }
0x52: {  	_ =	shalt  }
0x53: {  	_ =	shalt  }
0x54: {  	_ =	shalt  }
0x55: {  	_ =	shalt  }
0x56: {  	_ =	shalt  }
0x57: {  	_ =	shalt  }
0x58: {  	_ =	shalt  }
0x59: {  	_ =	shalt  }
0x5a: {  	_ =	shalt  }
0x5b: {  	_ =	shalt  }
0x5c: {  	_ =	shalt  }
0x5d: {  	_ =	shalt  }
0x5e: {  	_ =	shalt  }
0x5f: {  	_ =	shalt  }
0x60: {  	_ =	shalt  }
0x61: {  	_ =	shalt  }
0x62: {  	_ =	shalt  }
0x63: {  	_ =	shalt  }
0x64: {  	_ =	shalt  }
0x65: {  	_ =	shalt  }
0x66: {  	_ =	shalt  }
0x67: {  	_ =	shalt  }
0x68: {  	_ =	shalt  }
0x69: {  	_ =	shalt  }
0x6a: {  	_ =	shalt  }
0x6b: {  	_ =	shalt  }
0x6c: {  	_ =	shalt  }
0x6d: {  	_ =	shalt  }
0x6e: {  	_ =	shalt  }
0x6f: {  	_ =	shalt  }
0x70: {  	_ =	shalt  }
0x71: {  	_ =	shalt  }
0x72: {  	_ =	shalt  }
0x73: {  	_ =	shalt  }
0x74: {  	_ =	shalt  }
0x75: {  	_ =	shalt  }
0x76: {  	_ =	shalt  }
0x77: {  	_ =	shalt  }
0x78: {  	_ =	shalt  }
0x79: {  	_ =	shalt  }
0x7a: {  	_ =	shalt  }
0x7b: {  	_ =	shalt  }
0x7c: {  	_ =	shalt  }
0x7d: {  	_ =	shalt  }
0x7e: {  	_ =	shalt  }
0x7f: {  	_ =	shalt  }
0x80: {  	_ =	shalt  }
0x81: {  	_ =	shalt  }
0x82: {  	_ =	shalt  }
0x83: {  	_ =	shalt  }
0x84: {  	_ =	shalt  }
0x85: {  	_ =	shalt  }
0x86: {  	_ =	shalt  }
0x87: {  	_ =	shalt  }
.Lfunc_end0:
.L_simem_size_0:
called_computation_lowered:
.L_overlay_start_0:
0x88: {  	s2 =	sld [smem:$0x3FD9]  }
0x89: {  	s3 =	sld [smem:$0x3FFE];
	_ =	sdelay $0x1  }
0x8a: {  	s1 =	srdreg.scid  }
0x8b: {  	s0 =	sand.u32 $0x1, s1  }
0x8c: {  	s16 =	sshll.u32 s0, $0xA;
	s2 =	sadd.s32 s3, s2  }
0x8d: {  	s2 =	sadd.s32 s2, s16  }
0x8e: {  	[smem:$0x3FA7] =	sst s2  }
0x8f: {  	_ = 	snop  }
0x90: {  	(tm) =	ssettm $0x1  }
0x91: {  	s17 =	sld [smem:$0x3FFB];
	_ =	sdelay $0x3  }
0x92: {  	_ =	strace s17  }
0x93: {  	s2 =	sld [smem:$0x3FFC];
	_ =	sdelay $0x3  }
0x94: {  	_ =	strace s2  }
0x95: {  	s2 =	sld [smem:$0x3FFD];
	_ =	sdelay $0x3  }
0x96: {  	_ =	strace s2  }
0x97: {  	_ =	strace $0x8FFFFFFF  }
0x98: {  	s18 =	sld [smem:$0x3FDB];
	_ =	sdelay $0x1  }
0x99: {  	s19 =	simm.s32 $_scs_section_size  }
0x9a: {  	s4 =	simm.s32 $_size__tile_overlayer_lowered;
	s5 =	simm.s32 $_tile_overlayer_lowered  }
0x9b: {  	s22 =	simm.s32 $0x1BFF;
	s21 =	sshll.u32 s5, $0x1;
	s2 =	sadd.s32 s19, s18  }
0x9c: {  	s6 =	simm.s32 $0x0;
	s20 =	sshll.u32 s4, $0x1;
	s4 =	sadd.s32 s21, s2  }
0x9d: {  	[timem:s6], [sflag:s22] =	dma.local [hbm:s4], s20  }
0x9e: {  	_ =	swait.ge [sflag:s22], s20  }
0x9f: {  	s3 =	ssub.s32 $0x0, s20;
	[sflag:s22] =	ssyncset.done $0x0  }
0xa0: {  	[sflag:s22] =	ssyncadd.s32 s3;
	_ =	sdelay $0x1  }
0xa1: {  	s23 =	simm.s32 $0x1B8B  }
0xa2: {  	_ =	swait.ge [sflag:s23], $0x1  }
0xa3: {  	[sflag:s23] =	ssyncset.done $0x0  }
0xa4: {  	s25 =	simm.s32 $0x1B8E;
	s24 =	sld [smem:$0x3FFE];
	[sflag:s23] =	ssyncadd.s32 $0xFFFFFFFF  }
0xa5: {  	s26 =	simm.s32 $execute0_lowered;
	[smem:$0x3FD2] =	sst s25  }
0xa6: {  	s4 =	sshll.u32 s26, $0x1;
	_ =	strace $0x80000046;
	[dreg:$0x1] =	wrdreg $0xFFFFFFFF  }
0xa7: {  	s28 =	simm.s32 $_size_execute0_lowered;
	s2 =	sadd.s32 s2, s4;
	[dreg:$0x0] =	wrdreg $0x0  }
0xa8: {  	s4 =	sshll.u32 s28, $0x1;
	[dreg:$0x2] =	wrdreg s2  }
0xa9: {  	[dreg:$0x3] =	wrdreg s4  }
0xaa: {  	[dreg:$0x4] =	wrdreg $0xC0  }
0xab: {  	_ =	task [dreg:s6], $0x5FFFF  }
0xac: {  	[dreg:$0x1] =	wrdreg $0xFFFFFFFF  }
0xad: {  	[dreg:$0x0] =	wrdreg $0x60  }
0xae: {  	[dreg:$0x2] =	wrdreg s24  }
0xaf: {  	[dreg:$0x3] =	wrdreg $0x0  }
0xb0: {  	[dreg:$0x4] =	wrdreg $0x9  }
0xb1: {  	_ =	task.clear_ibuf [dreg:s6], $0x5FFFF;
	_ =	strace $0x90000046  }
0xb2: {  	s29 =	simm.s32 $0x9;
	_ =	strace $0x80000048  }
0xb3: {  	_ =	swait.ge [sflag:s29], $0x1  }
0xb4: {  	[sflag:s29] =	ssyncadd.s32 $0xFFFFFFFF  }
0xb5: {  	_ =	strace $0x90000048  }
0xb6: {  	_ =	sfence  }
0xb7: {  	s30 =	sld [smem:$0x0];
	_ =	sdelay $0x2  }
0xb8: {  	s31 =	sshll.u32 s1, $0xD;
	s1 =	sshrl.u32 s1, $0x2  }
0xb9: {  	s3 =	sand.u32 $0x4000, s31;
	s1 =	sadd.s32 s1, s30  }
0xba: {  	s0 =	sor.u32 s3, s0;
	s1 =	sshll.u32 s1, $0x11  }
0xbb: {  	s0 =	sor.u32 s1, s0  }
0xbc: {  	s0 =	sadd.s32 $0x8F2B, s0  }
0xbd: {  	[sflag:s0] =	ssyncadd.remote.s32 $0x1  }
0xbe: {  	_ =	sfence.sel $0xFFFF  }
0xbf: {  	[dreg:$0x0] =	wrdreg $0xFFFFFFFF;
	(pc) =	sbr.abs _section_cstart, $3  }
0xc0: {  	[dreg:$0x1] =	wrdreg $0xFFFFFFFF  }
0xc1: {  	_ =	task.clear_ibuf [dreg:s6], $0x2FFFF;
	_ =	strace $0x9FFFFFFF  }
0xc2: {  	(tm) =	ssettm $0x7FFFFFFF  }
0xc3: {  	_ =	shalt  }
tec
execute0_lowered:
.L_overlay_start_1:
0x0: {  	(tag) =	ssettag $0x1  }
0x1: {  	s0 =	srdreg.scid;
	s1 =	rddreg [dreg:$0x0]  }
0x2: {  	s6 =	stileid.u32;
	s3 =	rddreg [dreg:$0x1]  }
0x3: {  	s4 =	simm.s32 $0x0;
	s12 =	simm.s32 $0x3;
	s13 =	simm.s32 $0x2800  }
0x4: {  	s14 =	simm.s32 $0x3000;
	s15 =	simm.s32 $0x80;
	s16 =	simm.s32 $0x3800  }
0x5: {  	s17 =	simm.s32 $0x3080;
	s18 =	simm.s32 $0x4000;
	s19 =	simm.s32 $0x1  }
0x6: {  	s20 =	simm.s32 $0x3100;
	s21 =	simm.s32 $0x2;
	s28 =	simm.s32 $0x3400  }
0x7: {  	s29 =	simm.s32 $0x3480;
	s30 =	simm.s32 $0x3500;
	s31 =	simm.s32 $0x3580  }
0x8: {  	s7 =	sand.u32 $0x1, s0;
	s22 =	smul.u32 $0x5000, s6;
	[smem:$0x7FF] =	sst s4  }
0x9: {  	s8 =	smul.u32 $0x2800, s6;
	s9 =	sadd.s32 $0x33E00, s1;
	s26 =	sshll.u32 s6, $0x6  }
0xa: {  	s2 =	smul.u32 $0x50000, s7;
	_ =	strace $0x80000047;
	s23 =	ssub.s32 $0x2, s7  }
0xb: {  	[dreg:$0x5] =	wrdreg s9;
	s10 =	sor.u32 $0x1C03, s26;
	s26 =	simm.s32 $0x3380  }
0xc: {  	s9 =	simm.s32 $0x3780;
	[dreg:$0x3] =	wrdreg s7;
	s5 =	sshrl.u32 s23, $0x1  }
0xd: {  	[dreg:$0x4] =	wrdreg s8;
	s25 =	sadd.s32 s8, s3;
	s8 =	simm.s32 $0x3700  }
0xe: {  	[dreg:$0x9] =	wrdreg s10;
	s0 =	sadd.s32 s22, s2;
	s24 =	ssub.s32 s23, s5  }
0xf: {  	s11 =	sshrl.u32 s25, $0x3;
	s22 =	simm.s32 $0x3180;
	s23 =	simm.s32 $0x3200  }
.Ltmp0:
0x10: {  	s25 =	simm.s32 $0x3300;
	s0 =	sshrl.u32 s0, $0x3;
	(pc) =	sbr.rel .LBB2_1-.Ltmp0, $4  }
0x11: {  	[dreg:$0xa] =	wrdreg s11;
	s0 =	sadd.s32 s0, s1;
	s1 =	sadd.s32 $0x39400, s1  }
0x12: {  	s5 =	simm.s32 $0x0;
	[dreg:$0x6] =	wrdreg s1;
	s1 =	smax.u32 s24, $0x1  }
0x13: {  	s0 =	sadd.s32 $0x1E00, s0;
	s24 =	simm.s32 $0x3280;
	[dreg:$0x7] =	wrdreg s1  }
0x14: {  	[dreg:$0x8] =	wrdreg s0;
	s1 =	simm.s32 $0x3600;
	s0 =	simm.s32 $0x3680  }
.LBB2_7:
0x15: {  	s5 =	rddreg [dreg:$0xb]  }
0x16: {  	s2 =	rddreg [dreg:$0x7];
	s5 =	sadd.s32 $0x1, s5  }
0x17: {  	p0 =	sne.s32 s5, s2  }
.Ltmp1:
0x18: {  	_ = 	snop;
	(pc) =	sbr.rel @!p0 .LBB2_8-.Ltmp1, $1  }
0x19: {  	_ =	sdelay $0x3  }
.LBB2_1:
.Ltmp2:
0x1a: {  	(pc) =	sbr.rel .LBB2_2-.Ltmp2, $3  }
0x1b: {  	_ =	sdelay $0x1  }
0x1c: {  	[dreg:$0xb] =	wrdreg s5  }
0x1d: {  	s5 =	rddreg [dreg:$0x8];
	s6 =	simm.s32 $0x0  }
.LBB2_6:
0x1e: {  	s6 =	sadd.s32 $0x1, s6  }
0x1f: {  	p0 =	sne.s32 s6, $0x3  }
.Ltmp3:
0x20: {  	_ = 	snop;
	(pc) =	sbr.rel @!p0 .LBB2_7-.Ltmp3, $2  }
0x21: {  	_ =	sdelay $0x2  }
0x22: {  	s5 =	sadd.s32 $0x14000, s5  }
.LBB2_2:
0x23: {  	s2 =	sshll.u32 s6, $0x1  }
0x24: {  	s2 =	sor.u32 s7, s2  }
0x25: {  	p0 =	sgt.u32 s2, $0x4  }
.Ltmp4:
0x26: {  	_ = 	snop;
	(pc) =	sbr.rel @p0 .LBB2_6-.Ltmp4, $1  }
0x27: {  	_ =	sdelay $0x3  }
0x28: {  	[dreg:$0xc] =	wrdreg s2  }
0x29: {  	s7 =	rddreg [dreg:$0x5]  }
0x2a: {  	[spmem:s11], [sflag:s10] =	dma.local [hbm:s7], $0x500  }
0x2b: {  	_ =	swait.ge [sflag:s12], $0x500  }
0x2c: {  	[sflag:s12] =	ssyncset.done $0x0  }
0x2d: {  	[sflag:s12] =	ssyncadd.s32 $0xFFFFFB00  }
0x2e: {  	s11 =	sadd.s32 $0x0, s5;
	[bflag:$0x0] =	sbarrier.arrive $0xFFFF  }
0x2f: {  	[tilespmem:s13], [sflag:$0x3] =	stream.linear.gather [hbm4b:s11+s4], $0x800, $0x38;
	[tilespmem:$0x4800] =	vst v63  }
0x30: {  	_ =	swait.ge [sflag:s12], $0x800  }
0x31: {  	[sflag:s12] =	ssyncset.done $0x0  }
0x32: {  	[sflag:s12] =	ssyncadd.s32 $0xFFFFF800  }
0x33: {  	[tilespmem:s14], [sflag:$0x3] =	stream.linear.gather [hbm4b:s11+s4], $0x800, $0x38;
	[tilespmem:$0x4800] =	vst v63  }
0x34: {  	_ =	swait.ge [sflag:s12], $0x800  }
0x35: {  	[sflag:s12] =	ssyncset.done $0x0  }
0x36: {  	[sflag:s12] =	ssyncadd.s32 $0xFFFFF800  }
0x37: {  	[spmem:s3] =	stream.indirect.scatter.add.f32 [tilespmem:s16], [sflag:$0x1], $0x10, s14, s15, $0xb8;
	[tilespmem:$0x4800] =	vst v63  }
0x38: {  	_ = 	snop  }
0x39: {  	[spmem:s3] =	stream.indirect.scatter.add.f32 [tilespmem:s18], [sflag:$0x2], $0x10, s17, s15, $0xb8;
	[tilespmem:$0x4800] =	vst v63  }
0x3a: {  	_ =	swait.ge [sflag:s19], $0x800  }
0x3b: {  	[sflag:s19] =	ssyncset.done $0x0  }
0x3c: {  	[sflag:s19] =	ssyncadd.s32 $0xFFFFF800  }
0x3d: {  	[spmem:s3] =	stream.indirect.scatter.add.f32 [tilespmem:s16], [sflag:$0x1], $0x10, s20, s15, $0xb8;
	[tilespmem:$0x4800] =	vst v63  }
0x3e: {  	_ =	swait.ge [sflag:s21], $0x800  }
0x3f: {  	[sflag:s21] =	ssyncset.done $0x0  }
0x40: {  	[sflag:s21] =	ssyncadd.s32 $0xFFFFF800  }
0x41: {  	[spmem:s3] =	stream.indirect.scatter.add.f32 [tilespmem:s18], [sflag:$0x2], $0x10, s22, s15, $0xb8;
	[tilespmem:$0x4800] =	vst v63  }
0x42: {  	_ =	swait.ge [sflag:s19], $0x800  }
0x43: {  	[sflag:s19] =	ssyncset.done $0x0  }
0x44: {  	[sflag:s19] =	ssyncadd.s32 $0xFFFFF800  }
0x45: {  	[spmem:s3] =	stream.indirect.scatter.add.f32 [tilespmem:s16], [sflag:$0x1], $0x10, s23, s15, $0xb8;
	[tilespmem:$0x4800] =	vst v63  }
0x46: {  	_ =	swait.ge [sflag:s21], $0x800  }
0x47: {  	[sflag:s21] =	ssyncset.done $0x0  }
0x48: {  	[sflag:s21] =	ssyncadd.s32 $0xFFFFF800  }
0x49: {  	[spmem:s3] =	stream.indirect.scatter.add.f32 [tilespmem:s18], [sflag:$0x2], $0x10, s24, s15, $0xb8;
	[tilespmem:$0x4800] =	vst v63  }
0x4a: {  	_ =	swait.ge [sflag:s19], $0x800  }
0x4b: {  	[sflag:s19] =	ssyncset.done $0x0  }
0x4c: {  	[sflag:s19] =	ssyncadd.s32 $0xFFFFF800  }
0x4d: {  	[spmem:s3] =	stream.indirect.scatter.add.f32 [tilespmem:s16], [sflag:$0x1], $0x10, s25, s15, $0xb8;
	[tilespmem:$0x4800] =	vst v63  }
0x4e: {  	_ =	swait.ge [sflag:s21], $0x800  }
0x4f: {  	[sflag:s21] =	ssyncset.done $0x0  }
0x50: {  	[sflag:s21] =	ssyncadd.s32 $0xFFFFF800  }
0x51: {  	[spmem:s3] =	stream.indirect.scatter.add.f32 [tilespmem:s18], [sflag:$0x2], $0x10, s26, s15, $0xb8;
	[tilespmem:$0x4800] =	vst v63  }
0x52: {  	_ =	swait.ge [sflag:s19], $0x800  }
0x53: {  	[sflag:s19] =	ssyncset.done $0x0  }
0x54: {  	[sflag:s19] =	ssyncadd.s32 $0xFFFFF800  }
0x55: {  	[spmem:s3] =	stream.indirect.scatter.add.f32 [tilespmem:s16], [sflag:$0x1], $0x10, s28, s15, $0xb8;
	[tilespmem:$0x4800] =	vst v63  }
0x56: {  	_ =	swait.ge [sflag:s21], $0x800  }
0x57: {  	[sflag:s21] =	ssyncset.done $0x0  }
0x58: {  	[sflag:s21] =	ssyncadd.s32 $0xFFFFF800  }
0x59: {  	[spmem:s3] =	stream.indirect.scatter.add.f32 [tilespmem:s18], [sflag:$0x2], $0x10, s29, s15, $0xb8;
	[tilespmem:$0x4800] =	vst v63  }
0x5a: {  	_ =	swait.ge [sflag:s19], $0x800  }
0x5b: {  	[sflag:s19] =	ssyncset.done $0x0  }
0x5c: {  	[sflag:s19] =	ssyncadd.s32 $0xFFFFF800  }
0x5d: {  	[spmem:s3] =	stream.indirect.scatter.add.f32 [tilespmem:s16], [sflag:$0x1], $0x10, s30, s15, $0xb8;
	[tilespmem:$0x4800] =	vst v63  }
0x5e: {  	_ =	swait.ge [sflag:s21], $0x800  }
0x5f: {  	[sflag:s21] =	ssyncset.done $0x0  }
0x60: {  	[sflag:s21] =	ssyncadd.s32 $0xFFFFF800  }
0x61: {  	[spmem:s3] =	stream.indirect.scatter.add.f32 [tilespmem:s18], [sflag:$0x2], $0x10, s31, s15, $0xb8;
	[tilespmem:$0x4800] =	vst v63  }
0x62: {  	_ =	swait.ge [sflag:s19], $0x800  }
0x63: {  	[sflag:s19] =	ssyncset.done $0x0  }
0x64: {  	[sflag:s19] =	ssyncadd.s32 $0xFFFFF800  }
0x65: {  	[spmem:s3] =	stream.indirect.scatter.add.f32 [tilespmem:s16], [sflag:$0x1], $0x10, s1, s15, $0xb8;
	[tilespmem:$0x4800] =	vst v63  }
0x66: {  	_ =	swait.ge [sflag:s21], $0x800  }
0x67: {  	[sflag:s21] =	ssyncset.done $0x0  }
0x68: {  	[sflag:s21] =	ssyncadd.s32 $0xFFFFF800  }
0x69: {  	[spmem:s3] =	stream.indirect.scatter.add.f32 [tilespmem:s18], [sflag:$0x2], $0x10, s0, s15, $0xb8;
	[tilespmem:$0x4800] =	vst v63  }
0x6a: {  	_ =	swait.ge [sflag:s19], $0x800  }
0x6b: {  	[sflag:s19] =	ssyncset.done $0x0  }
0x6c: {  	[sflag:s19] =	ssyncadd.s32 $0xFFFFF800  }
0x6d: {  	[spmem:s3] =	stream.indirect.scatter.add.f32 [tilespmem:s16], [sflag:$0x1], $0x10, s8, s15, $0xb8;
	[tilespmem:$0x4800] =	vst v63  }
0x6e: {  	_ =	swait.ge [sflag:s21], $0x800  }
0x6f: {  	[sflag:s21] =	ssyncset.done $0x0  }
0x70: {  	[sflag:s21] =	ssyncadd.s32 $0xFFFFF800  }
0x71: {  	[spmem:s3] =	stream.indirect.scatter.add.f32 [tilespmem:s18], [sflag:$0x2], $0x10, s9, s15, $0xb8;
	[tilespmem:$0x4800] =	vst v63  }
0x72: {  	_ =	swait.ge [sflag:s19], $0x800  }
0x73: {  	[sflag:s19] =	ssyncset.done $0x0  }
0x74: {  	[sflag:s19] =	ssyncadd.s32 $0xFFFFF800  }
0x75: {  	_ =	swait.ge [sflag:s21], $0x800  }
0x76: {  	s2 =	simm.s32 $0x100;
	s10 =	simm.s32 $0x200;
	[sflag:s21] =	ssyncset.done $0x0  }
.LBB2_4:
0x77: {  	s7 =	sadd.s32 s2, s5  }
0x78: {  	[sflag:s21] =	ssyncadd.s32 $0xFFFFF800;
	s2 =	smov.u32 s10;
	s11 =	sadd.s32 $0x100, s10  }
0x79: {  	[tilespmem:s13], [sflag:$0x3] =	stream.linear.gather [hbm4b:s7+s4], $0x800, $0x38;
	[tilespmem:$0x4800] =	vst v63  }
0x7a: {  	p0 =	sne.s32 s10, $0x900;
	_ =	swait.ge [sflag:s12], $0x800  }
0x7b: {  	[sflag:s12] =	ssyncset.done $0x0  }
0x7c: {  	[sflag:s12] =	ssyncadd.s32 $0xFFFFF800  }
0x7d: {  	[tilespmem:s14], [sflag:$0x3] =	stream.linear.gather [hbm4b:s7+s4], $0x800, $0x38;
	[tilespmem:$0x4800] =	vst v63  }
0x7e: {  	_ =	swait.ge [sflag:s12], $0x800  }
0x7f: {  	[sflag:s12] =	ssyncset.done $0x0  }
0x80: {  	[sflag:s12] =	ssyncadd.s32 $0xFFFFF800  }
0x81: {  	[spmem:s3] =	stream.indirect.scatter.add.f32 [tilespmem:s16], [sflag:$0x1], $0x10, s14, s15, $0xb8;
	[tilespmem:$0x4800] =	vst v63  }
0x82: {  	_ = 	snop  }
0x83: {  	[spmem:s3] =	stream.indirect.scatter.add.f32 [tilespmem:s18], [sflag:$0x2], $0x10, s17, s15, $0xb8;
	[tilespmem:$0x4800] =	vst v63  }
0x84: {  	_ =	swait.ge [sflag:s19], $0x800  }
0x85: {  	[sflag:s19] =	ssyncset.done $0x0  }
0x86: {  	[sflag:s19] =	ssyncadd.s32 $0xFFFFF800  }
0x87: {  	[spmem:s3] =	stream.indirect.scatter.add.f32 [tilespmem:s16], [sflag:$0x1], $0x10, s20, s15, $0xb8;
	[tilespmem:$0x4800] =	vst v63  }
0x88: {  	_ =	swait.ge [sflag:s21], $0x800  }
0x89: {  	[sflag:s21] =	ssyncset.done $0x0  }
0x8a: {  	[sflag:s21] =	ssyncadd.s32 $0xFFFFF800  }
0x8b: {  	[spmem:s3] =	stream.indirect.scatter.add.f32 [tilespmem:s18], [sflag:$0x2], $0x10, s22, s15, $0xb8;
	[tilespmem:$0x4800] =	vst v63  }
0x8c: {  	_ =	swait.ge [sflag:s19], $0x800  }
0x8d: {  	[sflag:s19] =	ssyncset.done $0x0  }
0x8e: {  	[sflag:s19] =	ssyncadd.s32 $0xFFFFF800  }
0x8f: {  	[spmem:s3] =	stream.indirect.scatter.add.f32 [tilespmem:s16], [sflag:$0x1], $0x10, s23, s15, $0xb8;
	[tilespmem:$0x4800] =	vst v63  }
0x90: {  	_ =	swait.ge [sflag:s21], $0x800  }
0x91: {  	[sflag:s21] =	ssyncset.done $0x0  }
0x92: {  	[sflag:s21] =	ssyncadd.s32 $0xFFFFF800  }
0x93: {  	[spmem:s3] =	stream.indirect.scatter.add.f32 [tilespmem:s18], [sflag:$0x2], $0x10, s24, s15, $0xb8;
	[tilespmem:$0x4800] =	vst v63  }
0x94: {  	_ =	swait.ge [sflag:s19], $0x800  }
0x95: {  	[sflag:s19] =	ssyncset.done $0x0  }
0x96: {  	[sflag:s19] =	ssyncadd.s32 $0xFFFFF800  }
0x97: {  	[spmem:s3] =	stream.indirect.scatter.add.f32 [tilespmem:s16], [sflag:$0x1], $0x10, s25, s15, $0xb8;
	[tilespmem:$0x4800] =	vst v63  }
0x98: {  	_ =	swait.ge [sflag:s21], $0x800  }
0x99: {  	[sflag:s21] =	ssyncset.done $0x0  }
0x9a: {  	[sflag:s21] =	ssyncadd.s32 $0xFFFFF800  }
0x9b: {  	[spmem:s3] =	stream.indirect.scatter.add.f32 [tilespmem:s18], [sflag:$0x2], $0x10, s26, s15, $0xb8;
	[tilespmem:$0x4800] =	vst v63  }
0x9c: {  	_ =	swait.ge [sflag:s19], $0x800  }
0x9d: {  	[sflag:s19] =	ssyncset.done $0x0  }
0x9e: {  	[sflag:s19] =	ssyncadd.s32 $0xFFFFF800  }
0x9f: {  	[spmem:s3] =	stream.indirect.scatter.add.f32 [tilespmem:s16], [sflag:$0x1], $0x10, s28, s15, $0xb8;
	[tilespmem:$0x4800] =	vst v63  }
0xa0: {  	_ =	swait.ge [sflag:s21], $0x800  }
0xa1: {  	[sflag:s21] =	ssyncset.done $0x0  }
0xa2: {  	[sflag:s21] =	ssyncadd.s32 $0xFFFFF800  }
0xa3: {  	[spmem:s3] =	stream.indirect.scatter.add.f32 [tilespmem:s18], [sflag:$0x2], $0x10, s29, s15, $0xb8;
	[tilespmem:$0x4800] =	vst v63  }
0xa4: {  	_ =	swait.ge [sflag:s19], $0x800  }
0xa5: {  	[sflag:s19] =	ssyncset.done $0x0  }
0xa6: {  	[sflag:s19] =	ssyncadd.s32 $0xFFFFF800  }
0xa7: {  	[spmem:s3] =	stream.indirect.scatter.add.f32 [tilespmem:s16], [sflag:$0x1], $0x10, s30, s15, $0xb8;
	[tilespmem:$0x4800] =	vst v63  }
0xa8: {  	_ =	swait.ge [sflag:s21], $0x800  }
0xa9: {  	[sflag:s21] =	ssyncset.done $0x0  }
0xaa: {  	[sflag:s21] =	ssyncadd.s32 $0xFFFFF800  }
0xab: {  	[spmem:s3] =	stream.indirect.scatter.add.f32 [tilespmem:s18], [sflag:$0x2], $0x10, s31, s15, $0xb8;
	[tilespmem:$0x4800] =	vst v63  }
0xac: {  	_ =	swait.ge [sflag:s19], $0x800  }
0xad: {  	[sflag:s19] =	ssyncset.done $0x0  }
0xae: {  	[sflag:s19] =	ssyncadd.s32 $0xFFFFF800  }
0xaf: {  	[spmem:s3] =	stream.indirect.scatter.add.f32 [tilespmem:s16], [sflag:$0x1], $0x10, s1, s15, $0xb8;
	[tilespmem:$0x4800] =	vst v63  }
0xb0: {  	_ =	swait.ge [sflag:s21], $0x800  }
0xb1: {  	[sflag:s21] =	ssyncset.done $0x0  }
0xb2: {  	[sflag:s21] =	ssyncadd.s32 $0xFFFFF800  }
0xb3: {  	[spmem:s3] =	stream.indirect.scatter.add.f32 [tilespmem:s18], [sflag:$0x2], $0x10, s0, s15, $0xb8;
	[tilespmem:$0x4800] =	vst v63  }
0xb4: {  	_ =	swait.ge [sflag:s19], $0x800  }
0xb5: {  	[sflag:s19] =	ssyncset.done $0x0  }
0xb6: {  	[sflag:s19] =	ssyncadd.s32 $0xFFFFF800  }
0xb7: {  	[spmem:s3] =	stream.indirect.scatter.add.f32 [tilespmem:s16], [sflag:$0x1], $0x10, s8, s15, $0xb8;
	[tilespmem:$0x4800] =	vst v63  }
0xb8: {  	_ =	swait.ge [sflag:s21], $0x800  }
0xb9: {  	[sflag:s21] =	ssyncset.done $0x0  }
0xba: {  	[sflag:s21] =	ssyncadd.s32 $0xFFFFF800  }
0xbb: {  	[spmem:s3] =	stream.indirect.scatter.add.f32 [tilespmem:s18], [sflag:$0x2], $0x10, s9, s15, $0xb8;
	[tilespmem:$0x4800] =	vst v63  }
.Ltmp5:
0xbc: {  	_ =	swait.ge [sflag:s19], $0x800;
	(pc) =	sbr.rel @p0 .LBB2_4-.Ltmp5, $4  }
0xbd: {  	[sflag:s19] =	ssyncset.done $0x0  }
0xbe: {  	[sflag:s19] =	ssyncadd.s32 $0xFFFFF800  }
0xbf: {  	_ =	swait.ge [sflag:s21], $0x800  }
0xc0: {  	s10 =	smov.u32 s11;
	[sflag:s21] =	ssyncset.done $0x0  }
0xc1: {  	s2 =	sadd.s32 s2, s5;
	[sflag:s21] =	ssyncadd.s32 $0xFFFFF800  }
0xc2: {  	[tilespmem:s13], [sflag:$0x3] =	stream.linear.gather [hbm4b:s2+s4], $0x800, $0x38;
	[tilespmem:$0x4800] =	vst v63  }
0xc3: {  	_ =	swait.ge [sflag:s12], $0x800  }
0xc4: {  	[sflag:s12] =	ssyncset.done $0x0  }
0xc5: {  	[sflag:s12] =	ssyncadd.s32 $0xFFFFF800  }
0xc6: {  	[tilespmem:s14], [sflag:$0x3] =	stream.linear.gather [hbm4b:s2+s4], $0x800, $0x38;
	[tilespmem:$0x4800] =	vst v63  }
0xc7: {  	_ =	swait.ge [sflag:s12], $0x800  }
0xc8: {  	[sflag:s12] =	ssyncset.done $0x0  }
0xc9: {  	[sflag:s12] =	ssyncadd.s32 $0xFFFFF800  }
0xca: {  	[spmem:s3] =	stream.indirect.scatter.add.f32 [tilespmem:s16], [sflag:$0x1], $0x10, s14, s15, $0xb8;
	[tilespmem:$0x4800] =	vst v63  }
0xcb: {  	_ = 	snop  }
0xcc: {  	[spmem:s3] =	stream.indirect.scatter.add.f32 [tilespmem:s18], [sflag:$0x2], $0x10, s17, s15, $0xb8;
	[tilespmem:$0x4800] =	vst v63  }
0xcd: {  	_ =	swait.ge [sflag:s19], $0x800  }
0xce: {  	[sflag:s19] =	ssyncset.done $0x0  }
0xcf: {  	[sflag:s19] =	ssyncadd.s32 $0xFFFFF800  }
0xd0: {  	[spmem:s3] =	stream.indirect.scatter.add.f32 [tilespmem:s16], [sflag:$0x1], $0x10, s20, s15, $0xb8;
	[tilespmem:$0x4800] =	vst v63  }
0xd1: {  	_ =	swait.ge [sflag:s21], $0x800  }
0xd2: {  	[sflag:s21] =	ssyncset.done $0x0  }
0xd3: {  	[sflag:s21] =	ssyncadd.s32 $0xFFFFF800  }
0xd4: {  	[spmem:s3] =	stream.indirect.scatter.add.f32 [tilespmem:s18], [sflag:$0x2], $0x10, s22, s15, $0xb8;
	[tilespmem:$0x4800] =	vst v63  }
0xd5: {  	_ =	swait.ge [sflag:s19], $0x800  }
0xd6: {  	[sflag:s19] =	ssyncset.done $0x0  }
0xd7: {  	[sflag:s19] =	ssyncadd.s32 $0xFFFFF800  }
0xd8: {  	[spmem:s3] =	stream.indirect.scatter.add.f32 [tilespmem:s16], [sflag:$0x1], $0x10, s23, s15, $0xb8;
	[tilespmem:$0x4800] =	vst v63  }
0xd9: {  	_ =	swait.ge [sflag:s21], $0x800  }
0xda: {  	[sflag:s21] =	ssyncset.done $0x0  }
0xdb: {  	[sflag:s21] =	ssyncadd.s32 $0xFFFFF800  }
0xdc: {  	[spmem:s3] =	stream.indirect.scatter.add.f32 [tilespmem:s18], [sflag:$0x2], $0x10, s24, s15, $0xb8;
	[tilespmem:$0x4800] =	vst v63  }
0xdd: {  	_ =	swait.ge [sflag:s19], $0x800  }
0xde: {  	[sflag:s19] =	ssyncset.done $0x0  }
0xdf: {  	[sflag:s19] =	ssyncadd.s32 $0xFFFFF800  }
0xe0: {  	[spmem:s3] =	stream.indirect.scatter.add.f32 [tilespmem:s16], [sflag:$0x1], $0x10, s25, s15, $0xb8;
	[tilespmem:$0x4800] =	vst v63  }
0xe1: {  	_ =	swait.ge [sflag:s21], $0x800  }
0xe2: {  	[sflag:s21] =	ssyncset.done $0x0  }
0xe3: {  	[sflag:s21] =	ssyncadd.s32 $0xFFFFF800  }
0xe4: {  	[spmem:s3] =	stream.indirect.scatter.add.f32 [tilespmem:s18], [sflag:$0x2], $0x10, s26, s15, $0xb8;
	[tilespmem:$0x4800] =	vst v63  }
0xe5: {  	_ =	swait.ge [sflag:s19], $0x800  }
0xe6: {  	[sflag:s19] =	ssyncset.done $0x0  }
0xe7: {  	[sflag:s19] =	ssyncadd.s32 $0xFFFFF800  }
0xe8: {  	[spmem:s3] =	stream.indirect.scatter.add.f32 [tilespmem:s16], [sflag:$0x1], $0x10, s28, s15, $0xb8;
	[tilespmem:$0x4800] =	vst v63  }
0xe9: {  	_ =	swait.ge [sflag:s21], $0x800  }
0xea: {  	[sflag:s21] =	ssyncset.done $0x0  }
0xeb: {  	[sflag:s21] =	ssyncadd.s32 $0xFFFFF800  }
0xec: {  	[spmem:s3] =	stream.indirect.scatter.add.f32 [tilespmem:s18], [sflag:$0x2], $0x10, s29, s15, $0xb8;
	[tilespmem:$0x4800] =	vst v63  }
0xed: {  	_ =	swait.ge [sflag:s19], $0x800  }
0xee: {  	[sflag:s19] =	ssyncset.done $0x0  }
0xef: {  	[sflag:s19] =	ssyncadd.s32 $0xFFFFF800  }
0xf0: {  	[spmem:s3] =	stream.indirect.scatter.add.f32 [tilespmem:s16], [sflag:$0x1], $0x10, s30, s15, $0xb8;
	[tilespmem:$0x4800] =	vst v63  }
0xf1: {  	_ =	swait.ge [sflag:s21], $0x800  }
0xf2: {  	[sflag:s21] =	ssyncset.done $0x0  }
0xf3: {  	[sflag:s21] =	ssyncadd.s32 $0xFFFFF800  }
0xf4: {  	[spmem:s3] =	stream.indirect.scatter.add.f32 [tilespmem:s18], [sflag:$0x2], $0x10, s31, s15, $0xb8;
	[tilespmem:$0x4800] =	vst v63  }
0xf5: {  	_ =	swait.ge [sflag:s19], $0x800  }
0xf6: {  	[sflag:s19] =	ssyncset.done $0x0  }
0xf7: {  	[sflag:s19] =	ssyncadd.s32 $0xFFFFF800  }
0xf8: {  	[spmem:s3] =	stream.indirect.scatter.add.f32 [tilespmem:s16], [sflag:$0x1], $0x10, s1, s15, $0xb8;
	[tilespmem:$0x4800] =	vst v63  }
0xf9: {  	_ =	swait.ge [sflag:s21], $0x800  }
0xfa: {  	[sflag:s21] =	ssyncset.done $0x0  }
0xfb: {  	[sflag:s21] =	ssyncadd.s32 $0xFFFFF800  }
0xfc: {  	[spmem:s3] =	stream.indirect.scatter.add.f32 [tilespmem:s18], [sflag:$0x2], $0x10, s0, s15, $0xb8;
	[tilespmem:$0x4800] =	vst v63  }
0xfd: {  	_ =	swait.ge [sflag:s19], $0x800  }
0xfe: {  	[sflag:s19] =	ssyncset.done $0x0  }
0xff: {  	[sflag:s19] =	ssyncadd.s32 $0xFFFFF800  }
0x100: {  	[spmem:s3] =	stream.indirect.scatter.add.f32 [tilespmem:s16], [sflag:$0x1], $0x10, s8, s15, $0xb8;
	[tilespmem:$0x4800] =	vst v63  }
0x101: {  	_ =	swait.ge [sflag:s21], $0x800  }
0x102: {  	[sflag:s21] =	ssyncset.done $0x0  }
0x103: {  	[sflag:s21] =	ssyncadd.s32 $0xFFFFF800  }
0x104: {  	[spmem:s3] =	stream.indirect.scatter.add.f32 [tilespmem:s18], [sflag:$0x2], $0x10, s9, s15, $0xb8;
	[tilespmem:$0x4800] =	vst v63  }
0x105: {  	_ =	swait.ge [sflag:s19], $0x800  }
0x106: {  	[sflag:s19] =	ssyncset.done $0x0  }
0x107: {  	[sflag:s19] =	ssyncadd.s32 $0xFFFFF800  }
0x108: {  	s10 =	rddreg [dreg:$0xc];
	_ =	swait.ge [sflag:s21], $0x800  }
0x109: {  	[sflag:s21] =	ssyncset.done $0x0  }
0x10a: {  	s2 =	smul.u32 $0x28000, s10;
	[sflag:s21] =	ssyncadd.s32 $0xFFFFF800  }
0x10b: {  	s7 =	rddreg [dreg:$0x4];
	[bflag:$0x0] =	sbarrier.arrive $0xFFFF  }
0x10c: {  	s2 =	sadd.s32 s7, s2;
	s11 =	rddreg [dreg:$0x6]  }
0x10d: {  	s2 =	sshrl.u32 s2, $0x3;
	s10 =	rddreg [dreg:$0x9]  }
0x10e: {  	s2 =	sadd.s32 s11, s2;
	s11 =	rddreg [dreg:$0xa]  }
0x10f: {  	[hbm:s2], [sflag:s10] =	dma.local [spmem:s11], $0x500  }
.Ltmp6:
0x110: {  	_ =	swait.ge [sflag:s12], $0x500;
	(pc) =	sbr.rel .LBB2_6-.Ltmp6, $4  }
0x111: {  	[sflag:s12] =	ssyncset.done $0x0  }
0x112: {  	[sflag:s12] =	ssyncadd.s32 $0xFFFFFB00  }
0x113: {  	[bflag:$0x0] =	sbarrier.arrive $0xFFFF  }
0x114: {  	s7 =	rddreg [dreg:$0x3]  }
.LBB2_8:
0x115: {  	_ =	sfence.sel $0x180000  }
0x116: {  	[bflag:$0x0] =	sbarrier.arrive $0xFFFF  }
0x117: {  	_ =	strace $0x90000047  }
0x118: {  	s0 =	stileid.u32;
	[bflag:$0x2] =	sbarrier.arrive $0xFFFF  }
0x119: {  	p0 =	sne.s32 s0, $0x0;
	s0 =	rddreg [dreg:$0x2]  }
0x11a: {  	s0 =	sadd.s32 @!p0 $0x100000, s0  }
0x11b: {  	[sflag:s0] =	ssyncadd.tile.s32 @!p0 $0x1;
	_ =	shalt  }
.Lfunc_end2:
_tile_overlayer_lowered:
.L_overlay_start_2:
0x11c: {  	(tag) =	ssettag $0x2  }
0x11d: {  	s0 =	rddreg [dreg:$0x0];
	s2 =	stileid.u32  }
0x11e: {  	s1 =	rddreg [dreg:$0x1];
	p0 =	sne.s32 s2, $0x0  }
0x11f: {  	s3 =	rddreg [dreg:$0x2];
	[bflag:$0x3] =	sbarrier.arrive $0xFFFF;
	s2 =	simm.s32 @!p0 $0x1C03  }
0x120: {  	[timem:s3], [sflag:s2] =	dma.local @!p0 [hbm:s0], s1  }
0x121: {  	s0 =	simm.s32 @!p0 $0x3  }
0x122: {  	_ =	swait.ge @!p0 [sflag:s0], s1  }
0x123: {  	s1 =	ssub.s32 @!p0 $0x0, s1;
	[sflag:s0] =	ssyncset.done @!p0 $0x0  }
0x124: {  	[sflag:s0] =	ssyncadd.s32 @!p0 s1  }
0x125: {  	[bflag:$0x3] =	sbarrier.arrive $0xFFFF  }
0x126: {  	_ =	shalt  }

// kernel: kernel.9.cloned.1.call-start
scs
__scs_entry_jumppad:
0x0: {  	(pc) =	sbr.rel $0x88, $3  }
0x1: {  	(tag) =	ssettag $0x0;
	lr =	simm.s32 $0x1  }
0x2: {  	[smem:$0x3F80] =	sst lr;
	_ =	strace $0xD0000000  }
0x3: {  	_ = 	snop  }
0x4: {  	_ = 	snop  }
0x5: {  	_ = 	snop  }
0x6: {  	_ = 	snop  }
0x7: {  	_ = 	snop  }
__scs_overlays_trampoline_lowered:
0x8: {  	[smem:$0x3F8F] =	sst s0  }
0x9: {  	[smem:$0x3F90] =	sst s1  }
0xa: {  	[smem:$0x3F91] =	sst s2  }
0xb: {  	[smem:$0x3F92] =	sst s3  }
0xc: {  	[smem:$0x3F93] =	sst s4  }
0xd: {  	[smem:$0x3F94] =	sst s5  }
0xe: {  	[smem:$0x3F95] =	sst s6  }
0xf: {  	[smem:$0x3F96] =	sst s7  }
0x10: {  	[smem:$0x3F97] =	sst s8  }
0x11: {  	[smem:$0x3F98] =	sst s9;
	s0 =	simm.s32 @!p0 $0x0  }
0x12: {  	s1 =	sld [smem:$0x3F7E];
	s0 =	simm.s32 @p0 $0x1  }
0x13: {  	[smem:$0x3F99] =	sst s0;
	s0 =	simm.s32 @!p1 $0x0  }
0x14: {  	s2 =	sld [smem:$0x3F7D];
	s0 =	simm.s32 @p1 $0x1  }
0x15: {  	[smem:$0x3F9A] =	sst s0;
	s0 =	simm.s32 @!p2 $0x0  }
0x16: {  	s3 =	sld [smem:$0x3FDB];
	s0 =	simm.s32 @p2 $0x1  }
0x17: {  	s4 =	simm.s32 $0x1BF5;
	[smem:$0x3F9C] =	sst s0  }
0x18: {  	s0 =	sld [smem:$0x3F7F];
	_ =	swait.ge [sflag:s4], $0x0  }
0x19: {  	s7 =	sld [smem:$0x3F80]  }
0x1a: {  	s8 =	sadd.s32 $0xFFFFE003, lr  }
0x1b: {  	s9 =	sadd.s32 $0xFFFFFEF7, lr;
	s5 =	simm.s32 $0xFFFFFFFF;
	p2 =	slt.u32 s8, $0xFFFFF086  }
0x1c: {  	p1 =	slt.u32 s9, $0xF7A;
	s5 =	simm.s32 @!p2 $0x0  }
0x1d: {  	s5 =	simm.s32 @p1 $0x1;
	p0 =	seq.s32 s7, s2  }
0x1e: {  	s7 =	smul.u32 @!p0 $0xF7A, s2;
	p2 =	seq.s32 @!p0 s5, $0x0  }
0x1f: {  	s9 =	smul.u32 $0xF7A, s1;
	s8 =	simm.s32 @!p0 $0x1BF5;
	p2 =	por !p2, p0  }
0x20: {  	[sflag:s8] =	ssyncset.s32 @!p0 $0xFFFFF086;
	s6 =	sadd.s32 @!p0 s3, s7;
	s7 =	simm.s32 @!p0 $0x108  }
0x21: {  	s3 =	sadd.s32 s3, s9;
	s6 =	sadd.s32 @!p0 $0x88, s6;
	s7 =	simm.s32 @p2 $0x1082  }
0x22: {  	[simem:s7], [sflag:s8] =	dma.local @!p0 [hbm:s6], $0xF7A  }
0x23: {  	s9 =	sor.u32 $0xD0000000, s2;
	s6 =	simm.s32 $0x108;
	_ =	swait.ge @!p0 [sflag:s8], $0x0  }
0x24: {  	s3 =	sadd.s32 $0x88, s3;
	s6 =	simm.s32 @!p1 $0x1082;
	[sflag:s4] =	ssyncset.s32 $0xFFFFF086  }
0x25: {  	[simem:s6], [sflag:s4] =	dma.local [hbm:s3], $0xF7A  }
0x26: {  	[smem:$0x3F80] =	sst s1;
	(tag) =	ssettag s2;
	_ =	strace s9  }
0x27: {  	s1 =	sld [smem:$0x3F90]  }
0x28: {  	s2 =	sld [smem:$0x3F91]  }
0x29: {  	s4 =	sld [smem:$0x3F93]  }
0x2a: {  	p0 =	seq.s32 s5, $0x0;
	s5 =	sld [smem:$0x3F94]  }
0x2b: {  	s6 =	sld [smem:$0x3F95]  }
0x2c: {  	s7 =	sld [smem:$0x3F96]  }
0x2d: {  	s3 =	simm.s32 $0x108;
	s8 =	sld [smem:$0x3F97]  }
0x2e: {  	s3 =	simm.s32 @!p0 $0x1082;
	s9 =	sld [smem:$0x3F98]  }
0x2f: {  	lr =	sadd.s32 s0, s3;
	s0 =	sld [smem:$0x3F8F]  }
0x30: {  	s3 =	sld [smem:$0x3F92]  }
0x31: {  	[smem:$0x3F9B] =	sst s10  }
0x32: {  	s10 =	sld [smem:$0x3F99];
	_ =	sdelay $0x3  }
0x33: {  	p0 =	seq.s32 s10, $0x1;
	s10 =	sld [smem:$0x3F9B];
	_ =	sdelay $0x3  }
0x34: {  	[smem:$0x3F9B] =	sst s10  }
0x35: {  	s10 =	sld [smem:$0x3F9A];
	_ =	sdelay $0x3  }
0x36: {  	p1 =	seq.s32 s10, $0x1;
	s10 =	sld [smem:$0x3F9B];
	_ =	sdelay $0x3  }
0x37: {  	[smem:$0x3F9B] =	sst s10  }
0x38: {  	s10 =	sld [smem:$0x3F9C]  }
0x39: {  	_ = 	snop;
	(pc) =	sbr.ind lr, $3  }
0x3a: {  	_ = 	snop  }
0x3b: {  	_ = 	snop  }
0x3c: {  	p2 =	seq.s32 s10, $0x1;
	s10 =	sld [smem:$0x3F9B]  }
0x3d: {  	_ =	shalt  }
0x3e: {  	_ =	shalt  }
0x3f: {  	_ =	shalt  }
0x40: {  	_ =	shalt  }
0x41: {  	_ =	shalt  }
0x42: {  	_ =	shalt  }
0x43: {  	_ =	shalt  }
0x44: {  	_ =	shalt  }
0x45: {  	_ =	shalt  }
0x46: {  	_ =	shalt  }
0x47: {  	_ =	shalt  }
0x48: {  	_ =	shalt  }
0x49: {  	_ =	shalt  }
0x4a: {  	_ =	shalt  }
0x4b: {  	_ =	shalt  }
0x4c: {  	_ =	shalt  }
0x4d: {  	_ =	shalt  }
0x4e: {  	_ =	shalt  }
0x4f: {  	_ =	shalt  }
0x50: {  	_ =	shalt  }
0x51: {  	_ =	shalt  }
0x52: {  	_ =	shalt  }
0x53: {  	_ =	shalt  }
0x54: {  	_ =	shalt  }
0x55: {  	_ =	shalt  }
0x56: {  	_ =	shalt  }
0x57: {  	_ =	shalt  }
0x58: {  	_ =	shalt  }
0x59: {  	_ =	shalt  }
0x5a: {  	_ =	shalt  }
0x5b: {  	_ =	shalt  }
0x5c: {  	_ =	shalt  }
0x5d: {  	_ =	shalt  }
0x5e: {  	_ =	shalt  }
0x5f: {  	_ =	shalt  }
0x60: {  	_ =	shalt  }
0x61: {  	_ =	shalt  }
0x62: {  	_ =	shalt  }
0x63: {  	_ =	shalt  }
0x64: {  	_ =	shalt  }
0x65: {  	_ =	shalt  }
0x66: {  	_ =	shalt  }
0x67: {  	_ =	shalt  }
0x68: {  	_ =	shalt  }
0x69: {  	_ =	shalt  }
0x6a: {  	_ =	shalt  }
0x6b: {  	_ =	shalt  }
0x6c: {  	_ =	shalt  }
0x6d: {  	_ =	shalt  }
0x6e: {  	_ =	shalt  }
0x6f: {  	_ =	shalt  }
0x70: {  	_ =	shalt  }
0x71: {  	_ =	shalt  }
0x72: {  	_ =	shalt  }
0x73: {  	_ =	shalt  }
0x74: {  	_ =	shalt  }
0x75: {  	_ =	shalt  }
0x76: {  	_ =	shalt  }
0x77: {  	_ =	shalt  }
0x78: {  	_ =	shalt  }
0x79: {  	_ =	shalt  }
0x7a: {  	_ =	shalt  }
0x7b: {  	_ =	shalt  }
0x7c: {  	_ =	shalt  }
0x7d: {  	_ =	shalt  }
0x7e: {  	_ =	shalt  }
0x7f: {  	_ =	shalt  }
0x80: {  	_ =	shalt  }
0x81: {  	_ =	shalt  }
0x82: {  	_ =	shalt  }
0x83: {  	_ =	shalt  }
0x84: {  	_ =	shalt  }
0x85: {  	_ =	shalt  }
0x86: {  	_ =	shalt  }
0x87: {  	_ =	shalt  }
.Lfunc_end0:
.L_simem_size_0:
called_computation.1_lowered:
.L_overlay_start_0:
0x88: {  	s2 =	sld [smem:$0x3FD9]  }
0x89: {  	s3 =	sld [smem:$0x3FFE];
	_ =	sdelay $0x1  }
0x8a: {  	s1 =	srdreg.scid  }
0x8b: {  	s0 =	sand.u32 $0x1, s1  }
0x8c: {  	s16 =	sshll.u32 s0, $0xA;
	s2 =	sadd.s32 s3, s2  }
0x8d: {  	s2 =	sadd.s32 s2, s16  }
0x8e: {  	[smem:$0x3FA7] =	sst s2  }
0x8f: {  	_ = 	snop  }
0x90: {  	(tm) =	ssettm $0x1  }
0x91: {  	s17 =	sld [smem:$0x3FFB];
	_ =	sdelay $0x3  }
0x92: {  	_ =	strace s17  }
0x93: {  	s2 =	sld [smem:$0x3FFC];
	_ =	sdelay $0x3  }
0x94: {  	_ =	strace s2  }
0x95: {  	s2 =	sld [smem:$0x3FFD];
	_ =	sdelay $0x3  }
0x96: {  	_ =	strace s2  }
0x97: {  	_ =	strace $0x8FFFFFFF  }
0x98: {  	s18 =	sld [smem:$0x3FDB];
	_ =	sdelay $0x1  }
0x99: {  	s19 =	simm.s32 $_scs_section_size  }
0x9a: {  	s4 =	simm.s32 $_size__tile_overlayer_lowered;
	s5 =	simm.s32 $_tile_overlayer_lowered  }
0x9b: {  	s22 =	simm.s32 $0x1BFF;
	s21 =	sshll.u32 s5, $0x1;
	s2 =	sadd.s32 s19, s18  }
0x9c: {  	s6 =	simm.s32 $0x0;
	s20 =	sshll.u32 s4, $0x1;
	s4 =	sadd.s32 s21, s2  }
0x9d: {  	[timem:s6], [sflag:s22] =	dma.local [hbm:s4], s20  }
0x9e: {  	_ =	swait.ge [sflag:s22], s20  }
0x9f: {  	s3 =	ssub.s32 $0x0, s20;
	[sflag:s22] =	ssyncset.done $0x0  }
0xa0: {  	[sflag:s22] =	ssyncadd.s32 s3;
	_ =	sdelay $0x1  }
0xa1: {  	s23 =	simm.s32 $0x1B8B  }
0xa2: {  	_ =	swait.ge [sflag:s23], $0x1  }
0xa3: {  	[sflag:s23] =	ssyncset.done $0x0  }
0xa4: {  	s25 =	simm.s32 $0x1B8E;
	s24 =	sld [smem:$0x3FFE];
	[sflag:s23] =	ssyncadd.s32 $0xFFFFFFFF  }
0xa5: {  	s26 =	simm.s32 $execute0_lowered;
	[smem:$0x3FD2] =	sst s25  }
0xa6: {  	s4 =	sshll.u32 s26, $0x1;
	_ =	strace $0x80000049;
	[dreg:$0x1] =	wrdreg $0xFFFFFFFF  }
0xa7: {  	s28 =	simm.s32 $_size_execute0_lowered;
	s2 =	sadd.s32 s2, s4;
	[dreg:$0x0] =	wrdreg $0x0  }
0xa8: {  	s4 =	sshll.u32 s28, $0x1;
	[dreg:$0x2] =	wrdreg s2  }
0xa9: {  	[dreg:$0x3] =	wrdreg s4  }
0xaa: {  	[dreg:$0x4] =	wrdreg $0xC0  }
0xab: {  	_ =	task [dreg:s6], $0x5FFFF  }
0xac: {  	[dreg:$0x1] =	wrdreg $0xFFFFFFFF  }
0xad: {  	[dreg:$0x0] =	wrdreg $0x60  }
0xae: {  	[dreg:$0x2] =	wrdreg s24  }
0xaf: {  	[dreg:$0x3] =	wrdreg $0x0  }
0xb0: {  	[dreg:$0x4] =	wrdreg $0x9  }
0xb1: {  	_ =	task.clear_ibuf [dreg:s6], $0x5FFFF;
	_ =	strace $0x90000049  }
0xb2: {  	s29 =	simm.s32 $0x9;
	_ =	strace $0x8000004B  }
0xb3: {  	_ =	swait.ge [sflag:s29], $0x1  }
0xb4: {  	[sflag:s29] =	ssyncadd.s32 $0xFFFFFFFF  }
0xb5: {  	_ =	strace $0x9000004B  }
0xb6: {  	_ =	sfence  }
0xb7: {  	s30 =	sld [smem:$0x0];
	_ =	sdelay $0x2  }
0xb8: {  	s31 =	sshll.u32 s1, $0xD;
	s1 =	sshrl.u32 s1, $0x2  }
0xb9: {  	s3 =	sand.u32 $0x4000, s31;
	s1 =	sadd.s32 s1, s30  }
0xba: {  	s0 =	sor.u32 s3, s0;
	s1 =	sshll.u32 s1, $0x11  }
0xbb: {  	s0 =	sor.u32 s1, s0  }
0xbc: {  	s0 =	sadd.s32 $0x8F2B, s0  }
0xbd: {  	[sflag:s0] =	ssyncadd.remote.s32 $0x1  }
0xbe: {  	_ =	sfence.sel $0xFFFF  }
0xbf: {  	[dreg:$0x0] =	wrdreg $0xFFFFFFFF;
	(pc) =	sbr.abs _section_cstart, $3  }
0xc0: {  	[dreg:$0x1] =	wrdreg $0xFFFFFFFF  }
0xc1: {  	_ =	task.clear_ibuf [dreg:s6], $0x2FFFF;
	_ =	strace $0x9FFFFFFF  }
0xc2: {  	(tm) =	ssettm $0x7FFFFFFF  }
0xc3: {  	_ =	shalt  }
tec
execute0_lowered:
.L_overlay_start_1:
0x0: {  	(tag) =	ssettag $0x1  }
0x1: {  	s0 =	rddreg [dreg:$0x0]  }
0x2: {  	s1 =	rddreg [dreg:$0x1]  }
0x3: {  	s2 =	simm.s32 $0x0;
	s21 =	srdreg.scid;
	s5 =	stileid.u32  }
0x4: {  	s14 =	simm.s32 $0x3;
	s15 =	simm.s32 $0x14000;
	s16 =	simm.s32 $0x14800  }
0x5: {  	s17 =	simm.s32 $0x80;
	s18 =	simm.s32 $0x15000;
	s19 =	simm.s32 $0x14880  }
0x6: {  	s20 =	simm.s32 $0x19000;
	s28 =	simm.s32 $0x14B00;
	s29 =	simm.s32 $0x14B80  }
0x7: {  	s30 =	simm.s32 $0x14C00;
	s31 =	simm.s32 $0x14C80;
	s12 =	simm.s32 $0x14E00  }
0x8: {  	s8 =	simm.s32 $0x0;
	[smem:$0x7FF] =	sst s2;
	s3 =	sadd.s32 $0x52400, s0  }
0x9: {  	s4 =	sadd.s32 $0x1E00, s0;
	s22 =	sadd.s32 $0x33E00, s0;
	s6 =	smul.u32 $0x14000, s5  }
0xa: {  	s0 =	sadd.s32 $0x4E0800, s0;
	_ =	strace $0x8000004A;
	[dreg:$0x4] =	wrdreg s3  }
0xb: {  	s24 =	sshll.u32 s5, $0x6;
	s26 =	smul.u32 $0x5000, s5;
	[dreg:$0x5] =	wrdreg s4  }
0xc: {  	s5 =	simm.s32 $0x14F00;
	s3 =	sand.u32 $0x1, s21;
	[dreg:$0x7] =	wrdreg s22  }
0xd: {  	[dreg:$0x9] =	wrdreg s0;
	s10 =	sor.u32 $0x1C03, s24;
	s21 =	simm.s32 $0x1  }
0xe: {  	s22 =	simm.s32 $0x14900;
	s24 =	simm.s32 $0x14980;
	[dreg:$0x6] =	wrdreg s3  }
0xf: {  	s4 =	simm.s32 $0x14E80;
	s3 =	ssub.s32 $0x2, s3;
	[dreg:$0x8] =	wrdreg s6  }
0x10: {  	s25 =	sadd.s32 s6, s1;
	[dreg:$0xb] =	wrdreg s26;
	s26 =	simm.s32 $0x14A80  }
0x11: {  	s6 =	simm.s32 $0x14F80;
	[dreg:$0xa] =	wrdreg s10;
	s23 =	sshrl.u32 s3, $0x1  }
0x12: {  	s11 =	sshrl.u32 s25, $0x3;
	s25 =	simm.s32 $0x14A00;
	s0 =	ssub.s32 s3, s23  }
0x13: {  	s23 =	simm.s32 $0x2;
	[dreg:$0xd] =	wrdreg s11;
	s0 =	smax.u32 s0, $0x1  }
0x14: {  	s3 =	simm.s32 $0x14D80;
	[dreg:$0xc] =	wrdreg s0;
	s0 =	simm.s32 $0x14D00  }
.LBB2_1:
0x15: {  	[dreg:$0xe] =	wrdreg s8;
	s9 =	simm.s32 $0x0  }
.LBB2_2:
0x16: {  	s8 =	sshrl.u32 s9, $0x1  }
0x17: {  	s8 =	smul.u32 $0x50000, s8  }
0x18: {  	s7 =	rddreg [dreg:$0xb]  }
0x19: {  	[dreg:$0xf] =	wrdreg s9;
	s8 =	sadd.s32 s8, s7  }
0x1a: {  	s13 =	rddreg [dreg:$0x5];
	s8 =	sshrl.u32 s8, $0x3  }
0x1b: {  	s9 =	rddreg [dreg:$0x7];
	s7 =	sadd.s32 s8, s13  }
0x1c: {  	[dreg:$0x3] =	wrdreg s7  }
0x1d: {  	[spmem:s11], [sflag:s10] =	dma.local [hbm:s9], $0x2800  }
0x1e: {  	_ =	swait.ge [sflag:s14], $0x2800  }
0x1f: {  	[sflag:s14] =	ssyncset.done $0x0;
	s10 =	rddreg [dreg:$0x4]  }
0x20: {  	s8 =	sadd.s32 s8, s10;
	[sflag:s14] =	ssyncadd.s32 $0xFFFFD800  }
0x21: {  	[bflag:$0x0] =	sbarrier.arrive $0xFFFF;
	s11 =	sadd.s32 $0x0, s8  }
0x22: {  	[tilespmem:s15], [sflag:$0x3] =	stream.linear.gather [hbm4b:s11+s2], $0x800, $0x38;
	[tilespmem:$0x1D000] =	vst v63  }
0x23: {  	_ =	swait.ge [sflag:s14], $0x800  }
0x24: {  	s13 =	rddreg [dreg:$0x3];
	[sflag:s14] =	ssyncset.done $0x0  }
0x25: {  	[sflag:s14] =	ssyncadd.s32 $0xFFFFF800;
	s9 =	sadd.s32 $0x0, s13  }
0x26: {  	[tilespmem:s16], [sflag:$0x3] =	stream.linear.gather [hbm4b:s9+s2], $0x800, $0x38;
	[tilespmem:$0x1D000] =	vst v63  }
0x27: {  	_ =	swait.ge [sflag:s14], $0x800  }
0x28: {  	[sflag:s14] =	ssyncset.done $0x0  }
0x29: {  	[sflag:s14] =	ssyncadd.s32 $0xFFFFF800  }
0x2a: {  	[spmem:s1] =	stream.indirect.scatter.add.f32 [tilespmem:s18], [sflag:$0x1], $0x80, s16, s17, $0xb8;
	[tilespmem:$0x1D000] =	vst v63  }
0x2b: {  	_ = 	snop  }
0x2c: {  	[spmem:s1] =	stream.indirect.scatter.add.f32 [tilespmem:s20], [sflag:$0x2], $0x80, s19, s17, $0xb8;
	[tilespmem:$0x1D000] =	vst v63  }
0x2d: {  	_ =	swait.ge [sflag:s21], $0x4000  }
0x2e: {  	[sflag:s21] =	ssyncset.done $0x0  }
0x2f: {  	[sflag:s21] =	ssyncadd.s32 $0xFFFFC000  }
0x30: {  	[spmem:s1] =	stream.indirect.scatter.add.f32 [tilespmem:s18], [sflag:$0x1], $0x80, s22, s17, $0xb8;
	[tilespmem:$0x1D000] =	vst v63  }
0x31: {  	_ =	swait.ge [sflag:s23], $0x4000  }
0x32: {  	[sflag:s23] =	ssyncset.done $0x0  }
0x33: {  	[sflag:s23] =	ssyncadd.s32 $0xFFFFC000  }
0x34: {  	[spmem:s1] =	stream.indirect.scatter.add.f32 [tilespmem:s20], [sflag:$0x2], $0x80, s24, s17, $0xb8;
	[tilespmem:$0x1D000] =	vst v63  }
0x35: {  	_ =	swait.ge [sflag:s21], $0x4000  }
0x36: {  	[sflag:s21] =	ssyncset.done $0x0  }
0x37: {  	[sflag:s21] =	ssyncadd.s32 $0xFFFFC000  }
0x38: {  	[spmem:s1] =	stream.indirect.scatter.add.f32 [tilespmem:s18], [sflag:$0x1], $0x80, s25, s17, $0xb8;
	[tilespmem:$0x1D000] =	vst v63  }
0x39: {  	_ =	swait.ge [sflag:s23], $0x4000  }
0x3a: {  	[sflag:s23] =	ssyncset.done $0x0  }
0x3b: {  	[sflag:s23] =	ssyncadd.s32 $0xFFFFC000  }
0x3c: {  	[spmem:s1] =	stream.indirect.scatter.add.f32 [tilespmem:s20], [sflag:$0x2], $0x80, s26, s17, $0xb8;
	[tilespmem:$0x1D000] =	vst v63  }
0x3d: {  	_ =	swait.ge [sflag:s21], $0x4000  }
0x3e: {  	[sflag:s21] =	ssyncset.done $0x0  }
0x3f: {  	[sflag:s21] =	ssyncadd.s32 $0xFFFFC000  }
0x40: {  	[spmem:s1] =	stream.indirect.scatter.add.f32 [tilespmem:s18], [sflag:$0x1], $0x80, s28, s17, $0xb8;
	[tilespmem:$0x1D000] =	vst v63  }
0x41: {  	_ =	swait.ge [sflag:s23], $0x4000  }
0x42: {  	[sflag:s23] =	ssyncset.done $0x0  }
0x43: {  	[sflag:s23] =	ssyncadd.s32 $0xFFFFC000  }
0x44: {  	[spmem:s1] =	stream.indirect.scatter.add.f32 [tilespmem:s20], [sflag:$0x2], $0x80, s29, s17, $0xb8;
	[tilespmem:$0x1D000] =	vst v63  }
0x45: {  	_ =	swait.ge [sflag:s21], $0x4000  }
0x46: {  	[sflag:s21] =	ssyncset.done $0x0  }
0x47: {  	[sflag:s21] =	ssyncadd.s32 $0xFFFFC000  }
0x48: {  	[spmem:s1] =	stream.indirect.scatter.add.f32 [tilespmem:s18], [sflag:$0x1], $0x80, s30, s17, $0xb8;
	[tilespmem:$0x1D000] =	vst v63  }
0x49: {  	_ =	swait.ge [sflag:s23], $0x4000  }
0x4a: {  	[sflag:s23] =	ssyncset.done $0x0  }
0x4b: {  	[sflag:s23] =	ssyncadd.s32 $0xFFFFC000  }
0x4c: {  	[spmem:s1] =	stream.indirect.scatter.add.f32 [tilespmem:s20], [sflag:$0x2], $0x80, s31, s17, $0xb8;
	[tilespmem:$0x1D000] =	vst v63  }
0x4d: {  	_ =	swait.ge [sflag:s21], $0x4000  }
0x4e: {  	[sflag:s21] =	ssyncset.done $0x0  }
0x4f: {  	[sflag:s21] =	ssyncadd.s32 $0xFFFFC000  }
0x50: {  	[spmem:s1] =	stream.indirect.scatter.add.f32 [tilespmem:s18], [sflag:$0x1], $0x80, s0, s17, $0xb8;
	[tilespmem:$0x1D000] =	vst v63  }
0x51: {  	_ =	swait.ge [sflag:s23], $0x4000  }
0x52: {  	[sflag:s23] =	ssyncset.done $0x0  }
0x53: {  	[sflag:s23] =	ssyncadd.s32 $0xFFFFC000  }
0x54: {  	[spmem:s1] =	stream.indirect.scatter.add.f32 [tilespmem:s20], [sflag:$0x2], $0x80, s3, s17, $0xb8;
	[tilespmem:$0x1D000] =	vst v63  }
0x55: {  	_ =	swait.ge [sflag:s21], $0x4000  }
0x56: {  	[sflag:s21] =	ssyncset.done $0x0  }
0x57: {  	[sflag:s21] =	ssyncadd.s32 $0xFFFFC000  }
0x58: {  	[spmem:s1] =	stream.indirect.scatter.add.f32 [tilespmem:s18], [sflag:$0x1], $0x80, s12, s17, $0xb8;
	[tilespmem:$0x1D000] =	vst v63  }
0x59: {  	_ =	swait.ge [sflag:s23], $0x4000  }
0x5a: {  	[sflag:s23] =	ssyncset.done $0x0  }
0x5b: {  	[sflag:s23] =	ssyncadd.s32 $0xFFFFC000  }
0x5c: {  	[spmem:s1] =	stream.indirect.scatter.add.f32 [tilespmem:s20], [sflag:$0x2], $0x80, s4, s17, $0xb8;
	[tilespmem:$0x1D000] =	vst v63  }
0x5d: {  	_ =	swait.ge [sflag:s21], $0x4000  }
0x5e: {  	[sflag:s21] =	ssyncset.done $0x0  }
0x5f: {  	[sflag:s21] =	ssyncadd.s32 $0xFFFFC000  }
0x60: {  	[spmem:s1] =	stream.indirect.scatter.add.f32 [tilespmem:s18], [sflag:$0x1], $0x80, s5, s17, $0xb8;
	[tilespmem:$0x1D000] =	vst v63  }
0x61: {  	_ =	swait.ge [sflag:s23], $0x4000  }
0x62: {  	[sflag:s23] =	ssyncset.done $0x0  }
0x63: {  	[sflag:s23] =	ssyncadd.s32 $0xFFFFC000  }
0x64: {  	[spmem:s1] =	stream.indirect.scatter.add.f32 [tilespmem:s20], [sflag:$0x2], $0x80, s6, s17, $0xb8;
	[tilespmem:$0x1D000] =	vst v63  }
0x65: {  	_ =	swait.ge [sflag:s21], $0x4000  }
0x66: {  	[sflag:s21] =	ssyncset.done $0x0  }
0x67: {  	[sflag:s21] =	ssyncadd.s32 $0xFFFFC000  }
0x68: {  	_ =	swait.ge [sflag:s23], $0x4000  }
0x69: {  	s11 =	simm.s32 $0x200;
	s9 =	simm.s32 $0x100;
	[sflag:s23] =	ssyncset.done $0x0  }
.LBB2_3:
0x6a: {  	s13 =	sadd.s32 s9, s8;
	[sflag:s23] =	ssyncadd.s32 $0xFFFFC000  }
0x6b: {  	[tilespmem:s15], [sflag:$0x3] =	stream.linear.gather [hbm4b:s13+s2], $0x800, $0x38;
	[tilespmem:$0x1D000] =	vst v63  }
0x6c: {  	s7 =	smov.u32 s11;
	_ =	swait.ge [sflag:s14], $0x800  }
0x6d: {  	s10 =	sadd.s32 $0x100, s11;
	s13 =	rddreg [dreg:$0x3];
	[sflag:s14] =	ssyncset.done $0x0  }
0x6e: {  	p0 =	sne.s32 s11, $0x900;
	[sflag:s14] =	ssyncadd.s32 $0xFFFFF800;
	s11 =	sadd.s32 s9, s13  }
0x6f: {  	[tilespmem:s16], [sflag:$0x3] =	stream.linear.gather [hbm4b:s11+s2], $0x800, $0x38;
	[tilespmem:$0x1D000] =	vst v63  }
0x70: {  	_ =	swait.ge [sflag:s14], $0x800  }
0x71: {  	[sflag:s14] =	ssyncset.done $0x0  }
0x72: {  	[sflag:s14] =	ssyncadd.s32 $0xFFFFF800  }
0x73: {  	[spmem:s1] =	stream.indirect.scatter.add.f32 [tilespmem:s18], [sflag:$0x1], $0x80, s16, s17, $0xb8;
	[tilespmem:$0x1D000] =	vst v63  }
0x74: {  	_ = 	snop  }
0x75: {  	[spmem:s1] =	stream.indirect.scatter.add.f32 [tilespmem:s20], [sflag:$0x2], $0x80, s19, s17, $0xb8;
	[tilespmem:$0x1D000] =	vst v63  }
0x76: {  	_ =	swait.ge [sflag:s21], $0x4000  }
0x77: {  	[sflag:s21] =	ssyncset.done $0x0  }
0x78: {  	[sflag:s21] =	ssyncadd.s32 $0xFFFFC000  }
0x79: {  	[spmem:s1] =	stream.indirect.scatter.add.f32 [tilespmem:s18], [sflag:$0x1], $0x80, s22, s17, $0xb8;
	[tilespmem:$0x1D000] =	vst v63  }
0x7a: {  	_ =	swait.ge [sflag:s23], $0x4000  }
0x7b: {  	[sflag:s23] =	ssyncset.done $0x0  }
0x7c: {  	[sflag:s23] =	ssyncadd.s32 $0xFFFFC000  }
0x7d: {  	[spmem:s1] =	stream.indirect.scatter.add.f32 [tilespmem:s20], [sflag:$0x2], $0x80, s24, s17, $0xb8;
	[tilespmem:$0x1D000] =	vst v63  }
0x7e: {  	_ =	swait.ge [sflag:s21], $0x4000  }
0x7f: {  	[sflag:s21] =	ssyncset.done $0x0  }
0x80: {  	[sflag:s21] =	ssyncadd.s32 $0xFFFFC000  }
0x81: {  	[spmem:s1] =	stream.indirect.scatter.add.f32 [tilespmem:s18], [sflag:$0x1], $0x80, s25, s17, $0xb8;
	[tilespmem:$0x1D000] =	vst v63  }
0x82: {  	_ =	swait.ge [sflag:s23], $0x4000  }
0x83: {  	[sflag:s23] =	ssyncset.done $0x0  }
0x84: {  	[sflag:s23] =	ssyncadd.s32 $0xFFFFC000  }
0x85: {  	[spmem:s1] =	stream.indirect.scatter.add.f32 [tilespmem:s20], [sflag:$0x2], $0x80, s26, s17, $0xb8;
	[tilespmem:$0x1D000] =	vst v63  }
0x86: {  	_ =	swait.ge [sflag:s21], $0x4000  }
0x87: {  	[sflag:s21] =	ssyncset.done $0x0  }
0x88: {  	[sflag:s21] =	ssyncadd.s32 $0xFFFFC000  }
0x89: {  	[spmem:s1] =	stream.indirect.scatter.add.f32 [tilespmem:s18], [sflag:$0x1], $0x80, s28, s17, $0xb8;
	[tilespmem:$0x1D000] =	vst v63  }
0x8a: {  	_ =	swait.ge [sflag:s23], $0x4000  }
0x8b: {  	[sflag:s23] =	ssyncset.done $0x0  }
0x8c: {  	[sflag:s23] =	ssyncadd.s32 $0xFFFFC000  }
0x8d: {  	[spmem:s1] =	stream.indirect.scatter.add.f32 [tilespmem:s20], [sflag:$0x2], $0x80, s29, s17, $0xb8;
	[tilespmem:$0x1D000] =	vst v63  }
0x8e: {  	_ =	swait.ge [sflag:s21], $0x4000  }
0x8f: {  	[sflag:s21] =	ssyncset.done $0x0  }
0x90: {  	[sflag:s21] =	ssyncadd.s32 $0xFFFFC000  }
0x91: {  	[spmem:s1] =	stream.indirect.scatter.add.f32 [tilespmem:s18], [sflag:$0x1], $0x80, s30, s17, $0xb8;
	[tilespmem:$0x1D000] =	vst v63  }
0x92: {  	_ =	swait.ge [sflag:s23], $0x4000  }
0x93: {  	[sflag:s23] =	ssyncset.done $0x0  }
0x94: {  	[sflag:s23] =	ssyncadd.s32 $0xFFFFC000  }
0x95: {  	[spmem:s1] =	stream.indirect.scatter.add.f32 [tilespmem:s20], [sflag:$0x2], $0x80, s31, s17, $0xb8;
	[tilespmem:$0x1D000] =	vst v63  }
0x96: {  	_ =	swait.ge [sflag:s21], $0x4000  }
0x97: {  	[sflag:s21] =	ssyncset.done $0x0  }
0x98: {  	[sflag:s21] =	ssyncadd.s32 $0xFFFFC000  }
0x99: {  	[spmem:s1] =	stream.indirect.scatter.add.f32 [tilespmem:s18], [sflag:$0x1], $0x80, s0, s17, $0xb8;
	[tilespmem:$0x1D000] =	vst v63  }
0x9a: {  	_ =	swait.ge [sflag:s23], $0x4000  }
0x9b: {  	[sflag:s23] =	ssyncset.done $0x0  }
0x9c: {  	[sflag:s23] =	ssyncadd.s32 $0xFFFFC000  }
0x9d: {  	[spmem:s1] =	stream.indirect.scatter.add.f32 [tilespmem:s20], [sflag:$0x2], $0x80, s3, s17, $0xb8;
	[tilespmem:$0x1D000] =	vst v63  }
0x9e: {  	_ =	swait.ge [sflag:s21], $0x4000  }
0x9f: {  	[sflag:s21] =	ssyncset.done $0x0  }
0xa0: {  	[sflag:s21] =	ssyncadd.s32 $0xFFFFC000  }
0xa1: {  	[spmem:s1] =	stream.indirect.scatter.add.f32 [tilespmem:s18], [sflag:$0x1], $0x80, s12, s17, $0xb8;
	[tilespmem:$0x1D000] =	vst v63  }
0xa2: {  	_ =	swait.ge [sflag:s23], $0x4000  }
0xa3: {  	[sflag:s23] =	ssyncset.done $0x0  }
0xa4: {  	[sflag:s23] =	ssyncadd.s32 $0xFFFFC000  }
0xa5: {  	[spmem:s1] =	stream.indirect.scatter.add.f32 [tilespmem:s20], [sflag:$0x2], $0x80, s4, s17, $0xb8;
	[tilespmem:$0x1D000] =	vst v63  }
0xa6: {  	_ =	swait.ge [sflag:s21], $0x4000  }
0xa7: {  	[sflag:s21] =	ssyncset.done $0x0  }
0xa8: {  	[sflag:s21] =	ssyncadd.s32 $0xFFFFC000  }
0xa9: {  	[spmem:s1] =	stream.indirect.scatter.add.f32 [tilespmem:s18], [sflag:$0x1], $0x80, s5, s17, $0xb8;
	[tilespmem:$0x1D000] =	vst v63  }
0xaa: {  	_ =	swait.ge [sflag:s23], $0x4000  }
0xab: {  	[sflag:s23] =	ssyncset.done $0x0  }
0xac: {  	[sflag:s23] =	ssyncadd.s32 $0xFFFFC000  }
0xad: {  	[spmem:s1] =	stream.indirect.scatter.add.f32 [tilespmem:s20], [sflag:$0x2], $0x80, s6, s17, $0xb8;
	[tilespmem:$0x1D000] =	vst v63  }
.Ltmp0:
0xae: {  	_ =	swait.ge [sflag:s21], $0x4000;
	(pc) =	sbr.rel @p0 .LBB2_3-.Ltmp0, $4  }
0xaf: {  	[sflag:s21] =	ssyncset.done $0x0  }
0xb0: {  	[sflag:s21] =	ssyncadd.s32 $0xFFFFC000  }
0xb1: {  	_ =	swait.ge [sflag:s23], $0x4000  }
0xb2: {  	s9 =	smov.u32 s7;
	s11 =	smov.u32 s10;
	[sflag:s23] =	ssyncset.done $0x0  }
0xb3: {  	s7 =	sadd.s32 s9, s8;
	[sflag:s23] =	ssyncadd.s32 $0xFFFFC000  }
0xb4: {  	[tilespmem:s15], [sflag:$0x3] =	stream.linear.gather [hbm4b:s7+s2], $0x800, $0x38;
	[tilespmem:$0x1D000] =	vst v63  }
0xb5: {  	_ =	swait.ge [sflag:s14], $0x800  }
0xb6: {  	s13 =	rddreg [dreg:$0x3];
	[sflag:s14] =	ssyncset.done $0x0  }
0xb7: {  	s7 =	sadd.s32 s9, s13;
	[sflag:s14] =	ssyncadd.s32 $0xFFFFF800  }
0xb8: {  	[tilespmem:s16], [sflag:$0x3] =	stream.linear.gather [hbm4b:s7+s2], $0x800, $0x38;
	[tilespmem:$0x1D000] =	vst v63  }
0xb9: {  	_ =	swait.ge [sflag:s14], $0x800  }
0xba: {  	[sflag:s14] =	ssyncset.done $0x0  }
0xbb: {  	[sflag:s14] =	ssyncadd.s32 $0xFFFFF800  }
0xbc: {  	[spmem:s1] =	stream.indirect.scatter.add.f32 [tilespmem:s18], [sflag:$0x1], $0x80, s16, s17, $0xb8;
	[tilespmem:$0x1D000] =	vst v63  }
0xbd: {  	_ = 	snop  }
0xbe: {  	[spmem:s1] =	stream.indirect.scatter.add.f32 [tilespmem:s20], [sflag:$0x2], $0x80, s19, s17, $0xb8;
	[tilespmem:$0x1D000] =	vst v63  }
0xbf: {  	_ =	swait.ge [sflag:s21], $0x4000  }
0xc0: {  	[sflag:s21] =	ssyncset.done $0x0  }
0xc1: {  	[sflag:s21] =	ssyncadd.s32 $0xFFFFC000  }
0xc2: {  	[spmem:s1] =	stream.indirect.scatter.add.f32 [tilespmem:s18], [sflag:$0x1], $0x80, s22, s17, $0xb8;
	[tilespmem:$0x1D000] =	vst v63  }
0xc3: {  	_ =	swait.ge [sflag:s23], $0x4000  }
0xc4: {  	[sflag:s23] =	ssyncset.done $0x0  }
0xc5: {  	[sflag:s23] =	ssyncadd.s32 $0xFFFFC000  }
0xc6: {  	[spmem:s1] =	stream.indirect.scatter.add.f32 [tilespmem:s20], [sflag:$0x2], $0x80, s24, s17, $0xb8;
	[tilespmem:$0x1D000] =	vst v63  }
0xc7: {  	_ =	swait.ge [sflag:s21], $0x4000  }
0xc8: {  	[sflag:s21] =	ssyncset.done $0x0  }
0xc9: {  	[sflag:s21] =	ssyncadd.s32 $0xFFFFC000  }
0xca: {  	[spmem:s1] =	stream.indirect.scatter.add.f32 [tilespmem:s18], [sflag:$0x1], $0x80, s25, s17, $0xb8;
	[tilespmem:$0x1D000] =	vst v63  }
0xcb: {  	_ =	swait.ge [sflag:s23], $0x4000  }
0xcc: {  	[sflag:s23] =	ssyncset.done $0x0  }
0xcd: {  	[sflag:s23] =	ssyncadd.s32 $0xFFFFC000  }
0xce: {  	[spmem:s1] =	stream.indirect.scatter.add.f32 [tilespmem:s20], [sflag:$0x2], $0x80, s26, s17, $0xb8;
	[tilespmem:$0x1D000] =	vst v63  }
0xcf: {  	_ =	swait.ge [sflag:s21], $0x4000  }
0xd0: {  	[sflag:s21] =	ssyncset.done $0x0  }
0xd1: {  	[sflag:s21] =	ssyncadd.s32 $0xFFFFC000  }
0xd2: {  	[spmem:s1] =	stream.indirect.scatter.add.f32 [tilespmem:s18], [sflag:$0x1], $0x80, s28, s17, $0xb8;
	[tilespmem:$0x1D000] =	vst v63  }
0xd3: {  	_ =	swait.ge [sflag:s23], $0x4000  }
0xd4: {  	[sflag:s23] =	ssyncset.done $0x0  }
0xd5: {  	[sflag:s23] =	ssyncadd.s32 $0xFFFFC000  }
0xd6: {  	[spmem:s1] =	stream.indirect.scatter.add.f32 [tilespmem:s20], [sflag:$0x2], $0x80, s29, s17, $0xb8;
	[tilespmem:$0x1D000] =	vst v63  }
0xd7: {  	_ =	swait.ge [sflag:s21], $0x4000  }
0xd8: {  	[sflag:s21] =	ssyncset.done $0x0  }
0xd9: {  	[sflag:s21] =	ssyncadd.s32 $0xFFFFC000  }
0xda: {  	[spmem:s1] =	stream.indirect.scatter.add.f32 [tilespmem:s18], [sflag:$0x1], $0x80, s30, s17, $0xb8;
	[tilespmem:$0x1D000] =	vst v63  }
0xdb: {  	_ =	swait.ge [sflag:s23], $0x4000  }
0xdc: {  	[sflag:s23] =	ssyncset.done $0x0  }
0xdd: {  	[sflag:s23] =	ssyncadd.s32 $0xFFFFC000  }
0xde: {  	[spmem:s1] =	stream.indirect.scatter.add.f32 [tilespmem:s20], [sflag:$0x2], $0x80, s31, s17, $0xb8;
	[tilespmem:$0x1D000] =	vst v63  }
0xdf: {  	_ =	swait.ge [sflag:s21], $0x4000  }
0xe0: {  	[sflag:s21] =	ssyncset.done $0x0  }
0xe1: {  	[sflag:s21] =	ssyncadd.s32 $0xFFFFC000  }
0xe2: {  	[spmem:s1] =	stream.indirect.scatter.add.f32 [tilespmem:s18], [sflag:$0x1], $0x80, s0, s17, $0xb8;
	[tilespmem:$0x1D000] =	vst v63  }
0xe3: {  	_ =	swait.ge [sflag:s23], $0x4000  }
0xe4: {  	[sflag:s23] =	ssyncset.done $0x0  }
0xe5: {  	[sflag:s23] =	ssyncadd.s32 $0xFFFFC000  }
0xe6: {  	[spmem:s1] =	stream.indirect.scatter.add.f32 [tilespmem:s20], [sflag:$0x2], $0x80, s3, s17, $0xb8;
	[tilespmem:$0x1D000] =	vst v63  }
0xe7: {  	_ =	swait.ge [sflag:s21], $0x4000  }
0xe8: {  	[sflag:s21] =	ssyncset.done $0x0  }
0xe9: {  	[sflag:s21] =	ssyncadd.s32 $0xFFFFC000  }
0xea: {  	[spmem:s1] =	stream.indirect.scatter.add.f32 [tilespmem:s18], [sflag:$0x1], $0x80, s12, s17, $0xb8;
	[tilespmem:$0x1D000] =	vst v63  }
0xeb: {  	_ =	swait.ge [sflag:s23], $0x4000  }
0xec: {  	[sflag:s23] =	ssyncset.done $0x0  }
0xed: {  	[sflag:s23] =	ssyncadd.s32 $0xFFFFC000  }
0xee: {  	[spmem:s1] =	stream.indirect.scatter.add.f32 [tilespmem:s20], [sflag:$0x2], $0x80, s4, s17, $0xb8;
	[tilespmem:$0x1D000] =	vst v63  }
0xef: {  	_ =	swait.ge [sflag:s21], $0x4000  }
0xf0: {  	[sflag:s21] =	ssyncset.done $0x0  }
0xf1: {  	[sflag:s21] =	ssyncadd.s32 $0xFFFFC000  }
0xf2: {  	[spmem:s1] =	stream.indirect.scatter.add.f32 [tilespmem:s18], [sflag:$0x1], $0x80, s5, s17, $0xb8;
	[tilespmem:$0x1D000] =	vst v63  }
0xf3: {  	_ =	swait.ge [sflag:s23], $0x4000  }
0xf4: {  	[sflag:s23] =	ssyncset.done $0x0  }
0xf5: {  	[sflag:s23] =	ssyncadd.s32 $0xFFFFC000  }
0xf6: {  	[spmem:s1] =	stream.indirect.scatter.add.f32 [tilespmem:s20], [sflag:$0x2], $0x80, s6, s17, $0xb8;
	[tilespmem:$0x1D000] =	vst v63  }
0xf7: {  	_ =	swait.ge [sflag:s21], $0x4000  }
0xf8: {  	[sflag:s21] =	ssyncset.done $0x0  }
0xf9: {  	s9 =	rddreg [dreg:$0xf];
	[sflag:s21] =	ssyncadd.s32 $0xFFFFC000  }
0xfa: {  	s10 =	rddreg [dreg:$0x6];
	s8 =	sshll.u32 s9, $0x1;
	_ =	swait.ge [sflag:s23], $0x4000  }
0xfb: {  	s7 =	sor.u32 s10, s8;
	[sflag:s23] =	ssyncset.done $0x0  }
0xfc: {  	s7 =	smul.u32 $0x140000, s7;
	[sflag:s23] =	ssyncadd.s32 $0xFFFFC000  }
0xfd: {  	s11 =	rddreg [dreg:$0x8];
	[bflag:$0x0] =	sbarrier.arrive $0xFFFF  }
0xfe: {  	s7 =	sadd.s32 s11, s7;
	s13 =	rddreg [dreg:$0x9]  }
0xff: {  	s9 =	sadd.s32 $0x1, s9;
	s7 =	sshrl.u32 s7, $0x3;
	s10 =	rddreg [dreg:$0xa]  }
0x100: {  	p0 =	sne.s32 s9, $0xA;
	s11 =	rddreg [dreg:$0xd];
	s7 =	sadd.s32 s13, s7  }
0x101: {  	[hbm:s7], [sflag:s10] =	dma.local [spmem:s11], $0x2800  }
.Ltmp1:
0x102: {  	_ =	swait.ge [sflag:s14], $0x2800;
	(pc) =	sbr.rel @p0 .LBB2_2-.Ltmp1, $3  }
0x103: {  	[sflag:s14] =	ssyncset.done $0x0  }
0x104: {  	[sflag:s14] =	ssyncadd.s32 $0xFFFFD800  }
0x105: {  	[bflag:$0x0] =	sbarrier.arrive $0xFFFF;
	_ =	sdelay $0x1  }
0x106: {  	s8 =	rddreg [dreg:$0xe]  }
0x107: {  	s7 =	rddreg [dreg:$0xc];
	s8 =	sadd.s32 $0x1, s8  }
0x108: {  	p0 =	sne.s32 s8, s7  }
.Ltmp2:
0x109: {  	_ = 	snop;
	(pc) =	sbr.rel @p0 .LBB2_1-.Ltmp2, $1  }
0x10a: {  	_ =	sdelay $0x3  }
0x10b: {  	_ =	sfence.sel $0x180000  }
0x10c: {  	[bflag:$0x0] =	sbarrier.arrive $0xFFFF  }
0x10d: {  	_ =	strace $0x9000004A  }
0x10e: {  	s0 =	stileid.u32;
	[bflag:$0x2] =	sbarrier.arrive $0xFFFF  }
0x10f: {  	p0 =	sne.s32 s0, $0x0;
	s0 =	rddreg [dreg:$0x2]  }
0x110: {  	s0 =	sadd.s32 @!p0 $0x100000, s0  }
0x111: {  	[sflag:s0] =	ssyncadd.tile.s32 @!p0 $0x1;
	_ =	shalt  }
.Lfunc_end2:
_tile_overlayer_lowered:
.L_overlay_start_2:
0x112: {  	(tag) =	ssettag $0x2  }
0x113: {  	s0 =	rddreg [dreg:$0x0];
	s2 =	stileid.u32  }
0x114: {  	s1 =	rddreg [dreg:$0x1];
	p0 =	sne.s32 s2, $0x0  }
0x115: {  	s3 =	rddreg [dreg:$0x2];
	[bflag:$0x3] =	sbarrier.arrive $0xFFFF;
	s2 =	simm.s32 @!p0 $0x1C03  }
0x116: {  	[timem:s3], [sflag:s2] =	dma.local @!p0 [hbm:s0], s1  }
0x117: {  	s0 =	simm.s32 @!p0 $0x3  }
0x118: {  	_ =	swait.ge @!p0 [sflag:s0], s1  }
0x119: {  	s1 =	ssub.s32 @!p0 $0x0, s1;
	[sflag:s0] =	ssyncset.done @!p0 $0x0  }
0x11a: {  	[sflag:s0] =	ssyncadd.s32 @!p0 s1  }
0x11b: {  	[bflag:$0x3] =	sbarrier.arrive $0xFFFF  }
0x11c: {  	_ =	shalt  }

</sc_bundles>
